<compile_context>
chip_gen: v7x
topology: tpu7x:2x2x1
jax: 0.10.2.dev20260603
libtpu: 0.0.44.dev20260713+nightly
codegen_flags: <defaults>
</compile_context>

<pallas_src>
import functools

import jax
import jax.numpy as jnp
from jax import lax
from jax.experimental import pallas as pl
from jax.experimental.pallas import tpu as pltpu
from jax.experimental.pallas import tpu_sc as plsc

D = 1024
DH = 32
H = D // DH
NB = 32
B, N = 4, 2048
CS = N // NB
M = B * H * N
F = 3 * D

ROWS_BLK = 256
NW = 32
RPW = M // NW
JROWS = 128
NJ = RPW // JROWS
SET = 2


def _ln(xb, scale, bias):
    mu = jnp.mean(xb, axis=1, keepdims=True)
    xc = xb - mu
    var = jnp.sum(xc * xc, axis=1, keepdims=True) * (1.0 / (xb.shape[1] - 1))
    return xc * lax.rsqrt(var + 1e-6) * scale + bias



def _k1_body(x_ref, wqk_ref, bqk_ref, wv_ref, bv_ref, s_ref, b_ref, out_ref):
    h1 = _ln(x_ref[0], s_ref[...], b_ref[...])
    qk = jnp.dot(h1, wqk_ref[...], preferred_element_type=jnp.float32) + bqk_ref[...]
    v = jnp.dot(h1, wv_ref[...], preferred_element_type=jnp.float32) + bv_ref[...]
    for h in range(H):
        out_ref[h, :, :2 * DH] = jnp.concatenate(
            [qk[:, h * DH:(h + 1) * DH], v[:, h * DH:(h + 1) * DH]], axis=1)


def _k1(x, Wqk, bqk, Wv, bv, n1s, n1b):
    nb = N // ROWS_BLK
    full = pl.BlockSpec((D, D), lambda b, i: (0, 0))
    vec = pl.BlockSpec((1, D), lambda b, i: (0, 0))
    return pl.pallas_call(
        _k1_body,
        grid=(B, nb),
        in_specs=[pl.BlockSpec((1, ROWS_BLK, D), lambda b, i: (b, i, 0)),
                  full, vec, full, vec, vec, vec],
        out_specs=pl.BlockSpec((H, ROWS_BLK, 4 * DH), lambda b, i: (b, i, 0)),
        out_shape=jax.ShapeDtypeStruct((B * H, N, 4 * DH), jnp.float32),
    )(x, Wqk, bqk.reshape(1, D), Wv, bv.reshape(1, D), n1s, n1b)



def _k2_body(qkv_ref, r_ref, idx_ref):
    qk = qkv_ref[0, :, :DH]
    rot = jnp.dot(qk, r_ref[0], preferred_element_type=jnp.float32)
    lane16 = lax.broadcasted_iota(jnp.int32, (N, NB // 2), 1).astype(jnp.float32)
    mxp = jnp.max(rot, axis=1, keepdims=True)
    mxn = jnp.min(rot, axis=1, keepdims=True)
    ip = jnp.min(jnp.where(rot == mxp, lane16, float(NB)), axis=1, keepdims=True)
    iq = jnp.min(jnp.where(rot == mxn, lane16, float(NB)), axis=1, keepdims=True)
    bucket = jnp.where(mxp >= -mxn, ip, iq + float(NB // 2))
    lane = lax.broadcasted_iota(jnp.int32, (N, NB), 1).astype(jnp.float32)
    oh = (bucket == lane).astype(jnp.float32)

    gi = lax.broadcasted_iota(jnp.int32, (128, 128), 0)
    gj = lax.broadcasted_iota(jnp.int32, (128, 128), 1)
    t128 = (gj < gi).astype(jnp.float32)
    blocks = []
    prun = jnp.zeros((1, NB), jnp.float32)
    for g in range(N // 128):
        og = oh[g * 128:(g + 1) * 128, :]
        within = jnp.dot(t128, og, preferred_element_type=jnp.float32)
        blocks.append(within + prun)
        prun = prun + jnp.sum(og, axis=0, keepdims=True)
    ui = lax.broadcasted_iota(jnp.int32, (NB, NB), 0)
    uj = lax.broadcasted_iota(jnp.int32, (NB, NB), 1)
    u32 = (ui < uj).astype(jnp.float32)
    prefix = jnp.dot(prun, u32, preferred_element_type=jnp.float32, precision=lax.Precision.HIGHEST)
    cols = []
    for g in range(N // 128):
        ohg = oh[g * 128:(g + 1) * 128, :]
        cols.append(jnp.sum((blocks[g] + prefix) * ohg, axis=1, keepdims=True))
    rankmat = jnp.concatenate(cols, axis=1)
    bh = pl.program_id(0) * H + pl.program_id(1)
    idx_ref[...] = jnp.transpose(rankmat).astype(jnp.int32) + bh * N


def _k2(qk_t, R):
    return pl.pallas_call(
        _k2_body,
        grid=(B, H),
        in_specs=[
            pl.BlockSpec((1, N, 4 * DH), lambda b, h: (b * H + h, 0, 0)),
            pl.BlockSpec((1, DH, NB // 2), lambda b, h: (h, 0, 0)),
        ],
        out_specs=pl.BlockSpec((N // 128, 128), lambda b, h: (b * H + h, 0)),
        out_shape=jax.ShapeDtypeStruct((M // 128, 128), jnp.int32),
    )(qk_t, R)



def _sc_permute(qkv2d, idx2d):
    mesh = plsc.VectorSubcoreMesh(core_axis_name="c", subcore_axis_name="s")

    @functools.partial(
        pl.kernel, mesh=mesh,
        out_type=jax.ShapeDtypeStruct((M, 4 * DH), jnp.float32),
        scratch_types=[
            pltpu.VMEM((NJ, JROWS), jnp.int32),
            pltpu.VMEM((2 * SET, JROWS, 4 * DH), jnp.float32),
            pltpu.SemaphoreType.DMA,
            pltpu.SemaphoreType.DMA,
            pltpu.SemaphoreType.DMA,
            pltpu.SemaphoreType.DMA,
        ],
    )
    def k(qkv_hbm, idx_hbm, out_hbm, idx_v, rows_v, lsa, lsb, ssa, ssb):
        wid = lax.axis_index("s") * 2 + lax.axis_index("c")
        pltpu.sync_copy(idx_hbm.at[pl.ds(wid * NJ, NJ)], idx_v)
        nrounds = NJ // SET

        def load(r, bufs, sem, issue):
            for b in range(SET):
                cp = pltpu.make_async_copy(
                    qkv_hbm.at[pl.ds(wid * RPW + (r * SET + b) * JROWS, JROWS)],
                    rows_v.at[bufs + b], sem)
                cp.start() if issue else cp.wait()

        def scat(r, bufs, sem, issue):
            for b in range(SET):
                cp = pltpu.make_async_copy(
                    rows_v.at[bufs + b], out_hbm.at[idx_v.at[r * SET + b]], sem)
                cp.start() if issue else cp.wait()

        load(0, 0, lsa, True)

        def body(i, carry):
            r0 = i * 2
            load(r0 + 1, SET, lsb, True)
            load(r0, 0, lsa, False)
            scat(r0, 0, ssa, True)
            load(r0 + 1, SET, lsb, False)
            scat(r0 + 1, SET, ssb, True)
            scat(r0, 0, ssa, False)

            @pl.when(i < nrounds // 2 - 1)
            def _():
                load(r0 + 2, 0, lsa, True)

            scat(r0 + 1, SET, ssb, False)
            return carry

        lax.fori_loop(0, nrounds // 2, body, 0)

    return k(qkv2d, idx2d)


def _sc_unsort(sout2d, idx2d):
    mesh = plsc.VectorSubcoreMesh(core_axis_name="c", subcore_axis_name="s")

    @functools.partial(
        pl.kernel, mesh=mesh,
        out_type=jax.ShapeDtypeStruct((M, 4 * DH), jnp.float32),
        scratch_types=[
            pltpu.VMEM((NJ, JROWS), jnp.int32),
            pltpu.VMEM((2 * SET, JROWS, 4 * DH), jnp.float32),
            pltpu.SemaphoreType.DMA,
            pltpu.SemaphoreType.DMA,
            pltpu.SemaphoreType.DMA,
            pltpu.SemaphoreType.DMA,
        ],
    )
    def k(sout_hbm, idx_hbm, out_hbm, idx_v, rows_v, gsa, gsb, wsa, wsb):
        wid = lax.axis_index("s") * 2 + lax.axis_index("c")
        pltpu.sync_copy(idx_hbm.at[pl.ds(wid * NJ, NJ)], idx_v)
        nrounds = NJ // SET

        def gath(r, bufs, sem, issue):
            for b in range(SET):
                cp = pltpu.make_async_copy(
                    sout_hbm.at[idx_v.at[r * SET + b]], rows_v.at[bufs + b], sem)
                cp.start() if issue else cp.wait()

        def wr(r, bufs, sem, issue):
            for b in range(SET):
                cp = pltpu.make_async_copy(
                    rows_v.at[bufs + b],
                    out_hbm.at[pl.ds(wid * RPW + (r * SET + b) * JROWS, JROWS)],
                    sem)
                cp.start() if issue else cp.wait()

        gath(0, 0, gsa, True)

        def body(i, carry):
            r0 = i * 2
            gath(r0 + 1, SET, gsb, True)
            gath(r0, 0, gsa, False)
            wr(r0, 0, wsa, True)
            gath(r0 + 1, SET, gsb, False)
            wr(r0 + 1, SET, wsb, True)
            wr(r0, 0, wsa, False)

            @pl.when(i < nrounds // 2 - 1)
            def _():
                gath(r0 + 2, 0, gsa, True)

            wr(r0 + 1, SET, wsb, False)
            return carry

        lax.fori_loop(0, nrounds // 2, body, 0)

    return k(sout2d, idx2d)





BAND = 4 * CS


def _k3_body(sqkv_ref, out_ref):
    qk32 = sqkv_ref[0, :, :DH]
    v = sqkv_ref[0, :, DH:2 * DH].astype(jnp.bfloat16)
    qk = qk32.astype(jnp.bfloat16)
    nrm = jnp.sqrt(jnp.sum(qk32 * qk32, axis=1, keepdims=True))
    ck = (qk32 / (nrm + 1e-6)).astype(jnp.bfloat16)
    scale = 1.0 / jnp.sqrt(jnp.float32(DH))
    bi = lax.broadcasted_iota(jnp.int32, (BAND, BAND), 0)
    bj = lax.broadcasted_iota(jnp.int32, (BAND, BAND), 1)
    offblock = lax.div(bi, CS) != lax.div(bj, CS)
    for b0 in range(N // BAND):
        sl = slice(b0 * BAND, (b0 + 1) * BAND)
        scores = lax.dot_general(qk[sl, :], ck[sl, :], (((1,), (1,)), ((), ())),
                                 preferred_element_type=jnp.float32) * scale
        e = jnp.exp(jnp.where(offblock, -1e30, scores))
        attn = (e * (1.0 / jnp.sum(e, axis=1, keepdims=True))).astype(jnp.bfloat16)
        o = jnp.dot(attn, v[sl, :], preferred_element_type=jnp.float32)
        out_ref[0, sl, :DH] = o


def _k3(sqkv_t):
    return pl.pallas_call(
        _k3_body,
        grid=(B * H,),
        in_specs=[pl.BlockSpec((1, N, 4 * DH), lambda i: (i, 0, 0))],
        out_specs=pl.BlockSpec((1, N, 4 * DH), lambda i: (i, 0, 0)),
        out_shape=jax.ShapeDtypeStruct((B * H, N, 4 * DH), jnp.float32),
    )(sqkv_t)



def _k4_body(ao_ref, x_ref, wo_ref, bo_ref, n2s_ref, n2b_ref,
             wa_ref, ba_ref, wb_ref, bb_ref, wc_ref, bc_ref, out_ref):
    ao = jnp.concatenate(
        [ao_ref[hh, :, :DH] for hh in range(H)], axis=1).astype(jnp.bfloat16)
    o = jnp.dot(ao, wo_ref[...],
                preferred_element_type=jnp.float32) + bo_ref[...]
    h = x_ref[0] + o
    h2 = _ln(h, n2s_ref[...], n2b_ref[...]).astype(jnp.bfloat16)
    a = jnp.dot(h2, wa_ref[...], preferred_element_type=jnp.float32) + ba_ref[...]
    g = jnp.dot(h2, wb_ref[...], preferred_element_type=jnp.float32) + bb_ref[...]
    g = (a * jnp.maximum(g, 0.0)).astype(jnp.bfloat16)
    out_ref[0] = h + jnp.dot(g, wc_ref[...], preferred_element_type=jnp.float32) + bc_ref[...]


def _k4(ao2d, x2d, Wo, bo, n2s, n2b, Wa, ba, Wb, bb, Wc, bc):
    nb = N // ROWS_BLK
    return pl.pallas_call(
        _k4_body,
        grid=(B, nb),
        in_specs=[
            pl.BlockSpec((H, ROWS_BLK, 4 * DH), lambda b, i: (b, i, 0)),
            pl.BlockSpec((1, ROWS_BLK, D), lambda b, i: (b, i, 0)),
            pl.BlockSpec((D, D), lambda b, i: (0, 0)),
            pl.BlockSpec((1, D), lambda b, i: (0, 0)),
            pl.BlockSpec((1, D), lambda b, i: (0, 0)),
            pl.BlockSpec((1, D), lambda b, i: (0, 0)),
            pl.BlockSpec((D, F), lambda b, i: (0, 0)),
            pl.BlockSpec((1, F), lambda b, i: (0, 0)),
            pl.BlockSpec((D, F), lambda b, i: (0, 0)),
            pl.BlockSpec((1, F), lambda b, i: (0, 0)),
            pl.BlockSpec((F, D), lambda b, i: (0, 0)),
            pl.BlockSpec((1, D), lambda b, i: (0, 0)),
        ],
        out_specs=pl.BlockSpec((1, ROWS_BLK, D), lambda b, i: (b, i, 0)),
        out_shape=jax.ShapeDtypeStruct((B, N, D), jnp.float32),
    )(ao2d, x2d, Wo.astype(jnp.bfloat16), bo.reshape(1, D), n2s, n2b,
      Wa.astype(jnp.bfloat16), ba.reshape(1, F),
      Wb.astype(jnp.bfloat16), bb.reshape(1, F),
      Wc.astype(jnp.bfloat16), bc.reshape(1, D))


def kernel(x, Wqk, bqk, Wv, bv, Wo, bo, R, n1_scale, n1_bias,
           Wa, ba, Wb, bb, Wc, bc, n2_scale, n2_bias):
    qkv_t = _k1(x, Wqk, bqk, Wv, bv,
                n1_scale.reshape(1, D), n1_bias.reshape(1, D))

    idx2d = _k2(qkv_t, R)
    sqkv = _sc_permute(qkv_t.reshape(M, 4 * DH), idx2d)
    sout = _k3(sqkv.reshape(B * H, N, 4 * DH))
    out_t = _sc_unsort(sout.reshape(M, 4 * DH), idx2d)

    return _k4(out_t.reshape(B * H, N, 4 * DH), x,
               Wo, bo, n2_scale.reshape(1, D), n2_bias.reshape(1, D),
               Wa, ba, Wb, bb, Wc, bc)

# --- scband reference (transcript-rebuilt; emitter-appended) ---
"""Pipeline reference for scband-vi-tlayer-37538014167630 (READ-ONLY COPY).

The authoritative reference and input builder live on the scoring server;
editing this copy changes nothing except your own understanding.
"""

import jax, jax.numpy as jnp
import numpy as np

D_MODEL = 1024
HEAD_DIM = 32
N_HEADS = D_MODEL // HEAD_DIM
FFN_MUL = 3
N_BUCKETS = 32
B, N = 4, 2048


def setup_inputs(seed: int = 0):
    key = jax.random.key(seed)
    ks = jax.random.split(key, 20)
    d, f = D_MODEL, D_MODEL * FFN_MUL
    s = 0.02
    inp = {}
    inp['x'] = jax.random.normal(ks[0], (B, N, d), jnp.float32)
    inp['Wqk'] = jax.random.normal(ks[1], (d, d), jnp.float32) * s
    inp['bqk'] = jnp.zeros((d,), jnp.float32)
    inp['Wv'] = jax.random.normal(ks[2], (d, d), jnp.float32) * s
    inp['bv'] = jnp.zeros((d,), jnp.float32)
    inp['Wo'] = jax.random.normal(ks[3], (d, d), jnp.float32) * s
    inp['bo'] = jnp.zeros((d,), jnp.float32)
    inp['R'] = jax.random.normal(ks[4], (N_HEADS, HEAD_DIM, N_BUCKETS // 2), jnp.float32)
    inp['n1_scale'] = jnp.ones((1, 1, d), jnp.float32)
    inp['n1_bias'] = jnp.zeros((1, 1, d), jnp.float32)
    inp['Wa'] = jax.random.normal(ks[5], (d, f), jnp.float32) * s
    inp['ba'] = jnp.zeros((f,), jnp.float32)
    inp['Wb'] = jax.random.normal(ks[6], (d, f), jnp.float32) * s
    inp['bb'] = jnp.zeros((f,), jnp.float32)
    inp['Wc'] = jax.random.normal(ks[7], (f, d), jnp.float32) * s
    inp['bc'] = jnp.zeros((d,), jnp.float32)
    inp['n2_scale'] = jnp.ones((1, 1, d), jnp.float32)
    inp['n2_bias'] = jnp.zeros((1, 1, d), jnp.float32)
    return inp


def layer_norm(x, scale, bias, eps=1e-6):
    mu = jnp.mean(x, axis=2, keepdims=True)
    var = jnp.var(x, axis=2, keepdims=True, ddof=1)
    return (x - mu) / jnp.sqrt(var + eps) * scale + bias


def lsh_attention(x, Wqk, bqk, Wv, bv, Wo, bo, R):
    Bx, Nx, Dm = x.shape
    H = R.shape[0]
    dh = Dm // H
    qk = (x @ Wqk + bqk).reshape(Bx, Nx, H, dh).transpose(0, 2, 1, 3)
    v = (x @ Wv + bv).reshape(Bx, Nx, H, dh).transpose(0, 2, 1, 3)
    # LSH hashing via random rotations (Reformer-style)
    rot = jnp.einsum('bhnd,hdr->bhnr', qk, R)
    buckets = jnp.argmax(jnp.concatenate([rot, -rot], axis=-1), axis=-1)  # [B,H,N]
    pos = jnp.arange(Nx)
    order = jnp.argsort(buckets * Nx + pos[None, None, :], axis=-1)  # stable sort by bucket
    s_qk = jnp.take_along_axis(qk, order[..., None], axis=2)
    s_v = jnp.take_along_axis(v, order[..., None], axis=2)
    nb = N_BUCKETS
    cs = Nx // nb
    cq = s_qk.reshape(Bx, H, nb, cs, dh)
    ck = cq / (jnp.linalg.norm(cq, axis=-1, keepdims=True) + 1e-6)
    cv = s_v.reshape(Bx, H, nb, cs, dh)
    scores = jnp.einsum('bhncd,bhnkd->bhnck', cq, ck) / jnp.sqrt(float(dh))
    attn = jax.nn.softmax(scores, axis=-1)
    out = jnp.einsum('bhnck,bhnkd->bhncd', attn, cv).reshape(Bx, H, Nx, dh)
    inv = jnp.argsort(order, axis=-1)
    out = jnp.take_along_axis(out, inv[..., None], axis=2)
    out = out.transpose(0, 2, 1, 3).reshape(Bx, Nx, Dm)
    return out @ Wo + bo


def reference(x, Wqk, bqk, Wv, bv, Wo, bo, R, n1_scale, n1_bias, Wa, ba, Wb, bb, Wc, bc, n2_scale, n2_bias):
    res = x
    h = layer_norm(x, n1_scale, n1_bias)
    h = lsh_attention(h, Wqk, bqk, Wv, bv, Wo, bo, R)
    h = res + h
    res = h
    h2 = layer_norm(h, n2_scale, n2_bias)
    h2 = (h2 @ Wc_dummy(h2, Wa, ba, Wb, bb, Wc, bc)) if False else ff(h2, Wa, ba, Wb, bb, Wc, bc)
    return res + h2


def ff(x, Wa, ba, Wb, bb, Wc, bc):
    a = x @ Wa + ba
    b = jax.nn.relu(x @ Wb + bb)
    return (a * b) @ Wc + bc


def Wc_dummy(*args):
    return None

if __name__ == "__main__":
    import jax
    _d = setup_inputs()
    print(jax.jit(kernel)(*tuple(_d.values())))

</pallas_src>

<mosaic_0001>
#map = affine_map<(d0, d1) -> (0, 0)>
module attributes {stable_mosaic.version = 14 : i64} {
  func.func @k(%arg0: i32, %arg1: i32, %arg2: memref<262144x128xf32, #tpu.memory_space<hbm>>, %arg3: memref<2048x128xi32, #tpu.memory_space<hbm>>, %arg4: memref<262144x128xf32, #tpu.memory_space<hbm>>, %arg5: memref<64x128xi32, #tpu.memory_space<vmem>>, %arg6: memref<4x128x128xf32, #tpu.memory_space<vmem>>, %arg7: memref<!tpu.dma_semaphore, #tpu.memory_space<semaphore_mem>>, %arg8: memref<!tpu.dma_semaphore, #tpu.memory_space<semaphore_mem>>, %arg9: memref<!tpu.dma_semaphore, #tpu.memory_space<semaphore_mem>>, %arg10: memref<!tpu.dma_semaphore, #tpu.memory_space<semaphore_mem>>) attributes {dimension_semantics = [#tpu.dimension_semantics<core_parallel>, #tpu.dimension_semantics<subcore_parallel>], iteration_bounds = array<i64: 2, 16>, scalar_prefetch = 0 : i64, scratch_operands = 6 : i64, tpu.core_type = #tpu.core_type<sc_vector_subcore>, window_params = [{transform_indices = #map}, {transform_indices = #map}, {transform_indices = #map}]} {
    %mul3A = arith.constant 2 : i32
    %mul3A_0 = arith.muli %arg1, %mul3A : i32
    %add3A = arith.addi %mul3A_0, %arg0 : i32
    %mul3A_1 = arith.constant 64 : i32
    %mul3A_2 = arith.muli %add3A, %mul3A_1 : i32
    "tpu.region"() ({
      %run_scoped3A = tpu.sem_alloc : memref<!tpu.dma_semaphore, #tpu.memory_space<semaphore_mem>>
      %dma_start3A_31 = arith.constant 0 : i32
      %dma_start3A_32 = tpu.memref_slice %arg3[%mul3A_2, %dma_start3A_31] : memref<2048x128xi32, #tpu.memory_space<hbm>> -> memref<64x128xi32, #tpu.memory_space<hbm>>
      %dma_start3A_33 = arith.constant 0 : i32
      %dma_start3A_34 = tpu.memref_slice %arg3[%mul3A_2, %dma_start3A_33] : memref<2048x128xi32, #tpu.memory_space<hbm>> -> memref<64x128xi32, #tpu.memory_space<hbm>>
      tpu.enqueue_dma source(%dma_start3A_34 : memref<64x128xi32, #tpu.memory_space<hbm>>) target(%arg5 : memref<64x128xi32, #tpu.memory_space<vmem>>) target_semaphore(%run_scoped3A : memref<!tpu.dma_semaphore, #tpu.memory_space<semaphore_mem>>)
      %dma_wait3A = arith.constant 0 : i32
      %dma_wait3A_35 = tpu.memref_slice %arg3[%mul3A_2, %dma_wait3A] : memref<2048x128xi32, #tpu.memory_space<hbm>> -> memref<64x128xi32, #tpu.memory_space<hbm>>
      %dma_wait3A_36 = arith.constant 0 : i32
      %dma_wait3A_37 = tpu.memref_slice %arg3[%mul3A_2, %dma_wait3A_36] : memref<2048x128xi32, #tpu.memory_space<hbm>> -> memref<64x128xi32, #tpu.memory_space<hbm>>
      tpu.wait_dma2 semaphore(%run_scoped3A : memref<!tpu.dma_semaphore, #tpu.memory_space<semaphore_mem>>) src(%dma_wait3A_37 : memref<64x128xi32, #tpu.memory_space<hbm>>) dst(%arg5 : memref<64x128xi32, #tpu.memory_space<vmem>>)
      tpu.yield
    }) : () -> ()
    %dma_start3A = arith.constant 0 : i32
    %dma_start3A_3 = arith.constant 0 : i32
    %dma_start3A_4 = arith.constant 0 : i32
    %dma_start3A_5 = arith.constant 0 : i32
    %dma_start3A_6 = tpu.memref_slice %arg6[%dma_start3A_3, %dma_start3A_4, %dma_start3A_5] : memref<4x128x128xf32, #tpu.memory_space<vmem>> -> memref<1x128x128xf32, #tpu.memory_space<vmem>>
    %dma_start3A_7 = tpu.memref_squeeze %dma_start3A_6 : memref<1x128x128xf32, #tpu.memory_space<vmem>> -> memref<128x128xf32, #tpu.memory_space<vmem>>
    %dma_start3A_8 = arith.constant 0 : i32
    %dma_start3A_9 = tpu.memref_slice %arg5[%dma_start3A, %dma_start3A_8] : memref<64x128xi32, #tpu.memory_space<vmem>> -> memref<1x128xi32, #tpu.memory_space<vmem>>
    %dma_start3A_10 = tpu.memref_squeeze %dma_start3A_9 : memref<1x128xi32, #tpu.memory_space<vmem>> -> memref<128xi32, #tpu.memory_space<vmem>>
    %dma_start3A_11 = arith.constant 0 : i32
    %dma_start3A_12 = arith.constant 0 : i32
    %dma_start3A_13 = tpu.memref_slice %arg2[%dma_start3A_11, %dma_start3A_12] : memref<262144x128xf32, #tpu.memory_space<hbm>> -> memref<262144x128xf32, #tpu.memory_space<hbm>>
    tpu.enqueue_indirect_dma source(%dma_start3A_13 : memref<262144x128xf32, #tpu.memory_space<hbm>>) target(%dma_start3A_7 : memref<128x128xf32, #tpu.memory_space<vmem>>) offsets(%dma_start3A_10 : memref<128xi32, #tpu.memory_space<vmem>>) semaphore(%arg7 : memref<!tpu.dma_semaphore, #tpu.memory_space<semaphore_mem>>)
    %dma_start3A_14 = arith.constant 1 : i32
    %dma_start3A_15 = arith.constant 1 : i32
    %dma_start3A_16 = arith.constant 0 : i32
    %dma_start3A_17 = arith.constant 0 : i32
    %dma_start3A_18 = tpu.memref_slice %arg6[%dma_start3A_15, %dma_start3A_16, %dma_start3A_17] : memref<4x128x128xf32, #tpu.memory_space<vmem>> -> memref<1x128x128xf32, #tpu.memory_space<vmem>>
    %dma_start3A_19 = tpu.memref_squeeze %dma_start3A_18 : memref<1x128x128xf32, #tpu.memory_space<vmem>> -> memref<128x128xf32, #tpu.memory_space<vmem>>
    %dma_start3A_20 = arith.constant 0 : i32
    %dma_start3A_21 = tpu.memref_slice %arg5[%dma_start3A_14, %dma_start3A_20] : memref<64x128xi32, #tpu.memory_space<vmem>> -> memref<1x128xi32, #tpu.memory_space<vmem>>
    %dma_start3A_22 = tpu.memref_squeeze %dma_start3A_21 : memref<1x128xi32, #tpu.memory_space<vmem>> -> memref<128xi32, #tpu.memory_space<vmem>>
    %dma_start3A_23 = arith.constant 0 : i32
    %dma_start3A_24 = arith.constant 0 : i32
    %dma_start3A_25 = tpu.memref_slice %arg2[%dma_start3A_23, %dma_start3A_24] : memref<262144x128xf32, #tpu.memory_space<hbm>> -> memref<262144x128xf32, #tpu.memory_space<hbm>>
    tpu.enqueue_indirect_dma source(%dma_start3A_25 : memref<262144x128xf32, #tpu.memory_space<hbm>>) target(%dma_start3A_19 : memref<128x128xf32, #tpu.memory_space<vmem>>) offsets(%dma_start3A_22 : memref<128xi32, #tpu.memory_space<vmem>>) semaphore(%arg7 : memref<!tpu.dma_semaphore, #tpu.memory_space<semaphore_mem>>)
    %scan3A = arith.constant 0 : i32
    %scan3A_26 = arith.constant 0 : i32
    %scan3A_27 = arith.constant 16 : i32
    %scan3A_28 = arith.addi %scan3A_26, %scan3A_27 : i32
    %scan3A_29 = arith.constant 1 : i32
    scf.for %scan3A_31 = %scan3A_26 to %scan3A_28 step %scan3A_29  : i32 {
      %mul3A_32 = arith.constant 2 : i32
      %mul3A_33 = arith.muli %scan3A_31, %mul3A_32 : i32
      %add3A_34 = arith.constant 1 : i32
      %add3A_35 = arith.addi %mul3A_33, %add3A_34 : i32
      %mul3A_36 = arith.constant 2 : i32
      %mul3A_37 = arith.muli %add3A_35, %mul3A_36 : i32
      %add3A_38 = arith.constant 0 : i32
      %add3A_39 = arith.addi %mul3A_37, %add3A_38 : i32
      %dma_start3A_40 = arith.constant 2 : i32
      %dma_start3A_41 = arith.constant 0 : i32
      %dma_start3A_42 = arith.constant 0 : i32
      %dma_start3A_43 = tpu.memref_slice %arg6[%dma_start3A_40, %dma_start3A_41, %dma_start3A_42] : memref<4x128x128xf32, #tpu.memory_space<vmem>> -> memref<1x128x128xf32, #tpu.memory_space<vmem>>
      %dma_start3A_44 = tpu.memref_squeeze %dma_start3A_43 : memref<1x128x128xf32, #tpu.memory_space<vmem>> -> memref<128x128xf32, #tpu.memory_space<vmem>>
      %dma_start3A_45 = arith.constant 0 : i32
      %dma_start3A_46 = tpu.memref_slice %arg5[%add3A_39, %dma_start3A_45] : memref<64x128xi32, #tpu.memory_space<vmem>> -> memref<1x128xi32, #tpu.memory_space<vmem>>
      %dma_start3A_47 = tpu.memref_squeeze %dma_start3A_46 : memref<1x128xi32, #tpu.memory_space<vmem>> -> memref<128xi32, #tpu.memory_space<vmem>>
      %dma_start3A_48 = arith.constant 0 : i32
      %dma_start3A_49 = arith.constant 0 : i32
      %dma_start3A_50 = tpu.memref_slice %arg2[%dma_start3A_48, %dma_start3A_49] : memref<262144x128xf32, #tpu.memory_space<hbm>> -> memref<262144x128xf32, #tpu.memory_space<hbm>>
      tpu.enqueue_indirect_dma source(%dma_start3A_50 : memref<262144x128xf32, #tpu.memory_space<hbm>>) target(%dma_start3A_44 : memref<128x128xf32, #tpu.memory_space<vmem>>) offsets(%dma_start3A_47 : memref<128xi32, #tpu.memory_space<vmem>>) semaphore(%arg8 : memref<!tpu.dma_semaphore, #tpu.memory_space<semaphore_mem>>)
      %mul3A_51 = arith.constant 2 : i32
      %mul3A_52 = arith.muli %add3A_35, %mul3A_51 : i32
      %add3A_53 = arith.constant 1 : i32
      %add3A_54 = arith.addi %mul3A_52, %add3A_53 : i32
      %dma_start3A_55 = arith.constant 3 : i32
      %dma_start3A_56 = arith.constant 0 : i32
      %dma_start3A_57 = arith.constant 0 : i32
      %dma_start3A_58 = tpu.memref_slice %arg6[%dma_start3A_55, %dma_start3A_56, %dma_start3A_57] : memref<4x128x128xf32, #tpu.memory_space<vmem>> -> memref<1x128x128xf32, #tpu.memory_space<vmem>>
      %dma_start3A_59 = tpu.memref_squeeze %dma_start3A_58 : memref<1x128x128xf32, #tpu.memory_space<vmem>> -> memref<128x128xf32, #tpu.memory_space<vmem>>
      %dma_start3A_60 = arith.constant 0 : i32
      %dma_start3A_61 = tpu.memref_slice %arg5[%add3A_54, %dma_start3A_60] : memref<64x128xi32, #tpu.memory_space<vmem>> -> memref<1x128xi32, #tpu.memory_space<vmem>>
      %dma_start3A_62 = tpu.memref_squeeze %dma_start3A_61 : memref<1x128xi32, #tpu.memory_space<vmem>> -> memref<128xi32, #tpu.memory_space<vmem>>
      %dma_start3A_63 = arith.constant 0 : i32
      %dma_start3A_64 = arith.constant 0 : i32
      %dma_start3A_65 = tpu.memref_slice %arg2[%dma_start3A_63, %dma_start3A_64] : memref<262144x128xf32, #tpu.memory_space<hbm>> -> memref<262144x128xf32, #tpu.memory_space<hbm>>
      tpu.enqueue_indirect_dma source(%dma_start3A_65 : memref<262144x128xf32, #tpu.memory_space<hbm>>) target(%dma_start3A_59 : memref<128x128xf32, #tpu.memory_space<vmem>>) offsets(%dma_start3A_62 : memref<128xi32, #tpu.memory_space<vmem>>) semaphore(%arg8 : memref<!tpu.dma_semaphore, #tpu.memory_space<semaphore_mem>>)
      %mul3A_66 = arith.constant 2 : i32
      %mul3A_67 = arith.muli %mul3A_33, %mul3A_66 : i32
      %add3A_68 = arith.constant 0 : i32
      %add3A_69 = arith.addi %mul3A_67, %add3A_68 : i32
      %dma_wait3A = arith.constant 0 : i32
      %dma_wait3A_70 = arith.constant 0 : i32
      %dma_wait3A_71 = arith.constant 0 : i32
      %dma_wait3A_72 = tpu.memref_slice %arg6[%dma_wait3A, %dma_wait3A_70, %dma_wait3A_71] : memref<4x128x128xf32, #tpu.memory_space<vmem>> -> memref<1x128x128xf32, #tpu.memory_space<vmem>>
      %dma_wait3A_73 = tpu.memref_squeeze %dma_wait3A_72 : memref<1x128x128xf32, #tpu.memory_space<vmem>> -> memref<128x128xf32, #tpu.memory_space<vmem>>
      %dma_wait3A_74 = arith.constant 0 : i32
      %dma_wait3A_75 = tpu.memref_slice %arg5[%add3A_69, %dma_wait3A_74] : memref<64x128xi32, #tpu.memory_space<vmem>> -> memref<1x128xi32, #tpu.memory_space<vmem>>
      %dma_wait3A_76 = tpu.memref_squeeze %dma_wait3A_75 : memref<1x128xi32, #tpu.memory_space<vmem>> -> memref<128xi32, #tpu.memory_space<vmem>>
      %dma_wait3A_77 = arith.constant 0 : i32
      %dma_wait3A_78 = arith.constant 0 : i32
      %dma_wait3A_79 = tpu.memref_slice %arg2[%dma_wait3A_77, %dma_wait3A_78] : memref<262144x128xf32, #tpu.memory_space<hbm>> -> memref<262144x128xf32, #tpu.memory_space<hbm>>
      tpu.wait_indirect_dma semaphore(%arg7 : memref<!tpu.dma_semaphore, #tpu.memory_space<semaphore_mem>>) src(%dma_wait3A_79 : memref<262144x128xf32, #tpu.memory_space<hbm>>) dst(%dma_wait3A_73 : memref<128x128xf32, #tpu.memory_space<vmem>>)
      %mul3A_80 = arith.constant 2 : i32
      %mul3A_81 = arith.muli %mul3A_33, %mul3A_80 : i32
      %add3A_82 = arith.constant 1 : i32
      %add3A_83 = arith.addi %mul3A_81, %add3A_82 : i32
      %dma_wait3A_84 = arith.constant 1 : i32
      %dma_wait3A_85 = arith.constant 0 : i32
      %dma_wait3A_86 = arith.constant 0 : i32
      %dma_wait3A_87 = tpu.memref_slice %arg6[%dma_wait3A_84, %dma_wait3A_85, %dma_wait3A_86] : memref<4x128x128xf32, #tpu.memory_space<vmem>> -> memref<1x128x128xf32, #tpu.memory_space<vmem>>
      %dma_wait3A_88 = tpu.memref_squeeze %dma_wait3A_87 : memref<1x128x128xf32, #tpu.memory_space<vmem>> -> memref<128x128xf32, #tpu.memory_space<vmem>>
      %dma_wait3A_89 = arith.constant 0 : i32
      %dma_wait3A_90 = tpu.memref_slice %arg5[%add3A_83, %dma_wait3A_89] : memref<64x128xi32, #tpu.memory_space<vmem>> -> memref<1x128xi32, #tpu.memory_space<vmem>>
      %dma_wait3A_91 = tpu.memref_squeeze %dma_wait3A_90 : memref<1x128xi32, #tpu.memory_space<vmem>> -> memref<128xi32, #tpu.memory_space<vmem>>
      %dma_wait3A_92 = arith.constant 0 : i32
      %dma_wait3A_93 = arith.constant 0 : i32
      %dma_wait3A_94 = tpu.memref_slice %arg2[%dma_wait3A_92, %dma_wait3A_93] : memref<262144x128xf32, #tpu.memory_space<hbm>> -> memref<262144x128xf32, #tpu.memory_space<hbm>>
      tpu.wait_indirect_dma semaphore(%arg7 : memref<!tpu.dma_semaphore, #tpu.memory_space<semaphore_mem>>) src(%dma_wait3A_94 : memref<262144x128xf32, #tpu.memory_space<hbm>>) dst(%dma_wait3A_88 : memref<128x128xf32, #tpu.memory_space<vmem>>)
      %mul3A_95 = arith.constant 8192 : i32
      %mul3A_96 = arith.muli %add3A, %mul3A_95 : i32
      %mul3A_97 = arith.constant 2 : i32
      %mul3A_98 = arith.muli %mul3A_33, %mul3A_97 : i32
      %add3A_99 = arith.constant 0 : i32
      %add3A_100 = arith.addi %mul3A_98, %add3A_99 : i32
      %mul3A_101 = arith.constant 128 : i32
      %mul3A_102 = arith.muli %add3A_100, %mul3A_101 : i32
      %add3A_103 = arith.addi %mul3A_96, %mul3A_102 : i32
      %dma_start3A_104 = arith.constant 0 : i32
      %dma_start3A_105 = arith.constant 0 : i32
      %dma_start3A_106 = arith.constant 0 : i32
      %dma_start3A_107 = tpu.memref_slice %arg6[%dma_start3A_104, %dma_start3A_105, %dma_start3A_106] : memref<4x128x128xf32, #tpu.memory_space<vmem>> -> memref<1x128x128xf32, #tpu.memory_space<vmem>>
      %dma_start3A_108 = tpu.memref_squeeze %dma_start3A_107 : memref<1x128x128xf32, #tpu.memory_space<vmem>> -> memref<128x128xf32, #tpu.memory_space<vmem>>
      %dma_start3A_109 = arith.constant 0 : i32
      %dma_start3A_110 = tpu.memref_slice %arg4[%add3A_103, %dma_start3A_109] : memref<262144x128xf32, #tpu.memory_space<hbm>> -> memref<128x128xf32, #tpu.memory_space<hbm>>
      %dma_start3A_111 = arith.constant 0 : i32
      %dma_start3A_112 = tpu.memref_slice %arg4[%add3A_103, %dma_start3A_111] : memref<262144x128xf32, #tpu.memory_space<hbm>> -> memref<128x128xf32, #tpu.memory_space<hbm>>
      %dma_start3A_113 = arith.constant 0 : i32
      %dma_start3A_114 = arith.constant 0 : i32
      %dma_start3A_115 = tpu.memref_slice %arg6[%dma_start3A_104, %dma_start3A_113, %dma_start3A_114] : memref<4x128x128xf32, #tpu.memory_space<vmem>> -> memref<1x128x128xf32, #tpu.memory_space<vmem>>
      %dma_start3A_116 = tpu.memref_squeeze %dma_start3A_115 : memref<1x128x128xf32, #tpu.memory_space<vmem>> -> memref<128x128xf32, #tpu.memory_space<vmem>>
      tpu.enqueue_dma source(%dma_start3A_116 : memref<128x128xf32, #tpu.memory_space<vmem>>) target(%dma_start3A_112 : memref<128x128xf32, #tpu.memory_space<hbm>>) target_semaphore(%arg9 : memref<!tpu.dma_semaphore, #tpu.memory_space<semaphore_mem>>)
      %mul3A_117 = arith.constant 8192 : i32
      %mul3A_118 = arith.muli %add3A, %mul3A_117 : i32
      %mul3A_119 = arith.constant 2 : i32
      %mul3A_120 = arith.muli %mul3A_33, %mul3A_119 : i32
      %add3A_121 = arith.constant 1 : i32
      %add3A_122 = arith.addi %mul3A_120, %add3A_121 : i32
      %mul3A_123 = arith.constant 128 : i32
      %mul3A_124 = arith.muli %add3A_122, %mul3A_123 : i32
      %add3A_125 = arith.addi %mul3A_118, %mul3A_124 : i32
      %dma_start3A_126 = arith.constant 1 : i32
      %dma_start3A_127 = arith.constant 0 : i32
      %dma_start3A_128 = arith.constant 0 : i32
      %dma_start3A_129 = tpu.memref_slice %arg6[%dma_start3A_126, %dma_start3A_127, %dma_start3A_128] : memref<4x128x128xf32, #tpu.memory_space<vmem>> -> memref<1x128x128xf32, #tpu.memory_space<vmem>>
      %dma_start3A_130 = tpu.memref_squeeze %dma_start3A_129 : memref<1x128x128xf32, #tpu.memory_space<vmem>> -> memref<128x128xf32, #tpu.memory_space<vmem>>
      %dma_start3A_131 = arith.constant 0 : i32
      %dma_start3A_132 = tpu.memref_slice %arg4[%add3A_125, %dma_start3A_131] : memref<262144x128xf32, #tpu.memory_space<hbm>> -> memref<128x128xf32, #tpu.memory_space<hbm>>
      %dma_start3A_133 = arith.constant 0 : i32
      %dma_start3A_134 = tpu.memref_slice %arg4[%add3A_125, %dma_start3A_133] : memref<262144x128xf32, #tpu.memory_space<hbm>> -> memref<128x128xf32, #tpu.memory_space<hbm>>
      %dma_start3A_135 = arith.constant 0 : i32
      %dma_start3A_136 = arith.constant 0 : i32
      %dma_start3A_137 = tpu.memref_slice %arg6[%dma_start3A_126, %dma_start3A_135, %dma_start3A_136] : memref<4x128x128xf32, #tpu.memory_space<vmem>> -> memref<1x128x128xf32, #tpu.memory_space<vmem>>
      %dma_start3A_138 = tpu.memref_squeeze %dma_start3A_137 : memref<1x128x128xf32, #tpu.memory_space<vmem>> -> memref<128x128xf32, #tpu.memory_space<vmem>>
      tpu.enqueue_dma source(%dma_start3A_138 : memref<128x128xf32, #tpu.memory_space<vmem>>) target(%dma_start3A_134 : memref<128x128xf32, #tpu.memory_space<hbm>>) target_semaphore(%arg9 : memref<!tpu.dma_semaphore, #tpu.memory_space<semaphore_mem>>)
      %add3A_139 = arith.constant 1 : i32
      %add3A_140 = arith.addi %mul3A_33, %add3A_139 : i32
      %mul3A_141 = arith.constant 2 : i32
      %mul3A_142 = arith.muli %add3A_140, %mul3A_141 : i32
      %add3A_143 = arith.constant 0 : i32
      %add3A_144 = arith.addi %mul3A_142, %add3A_143 : i32
      %dma_wait3A_145 = arith.constant 2 : i32
      %dma_wait3A_146 = arith.constant 0 : i32
      %dma_wait3A_147 = arith.constant 0 : i32
      %dma_wait3A_148 = tpu.memref_slice %arg6[%dma_wait3A_145, %dma_wait3A_146, %dma_wait3A_147] : memref<4x128x128xf32, #tpu.memory_space<vmem>> -> memref<1x128x128xf32, #tpu.memory_space<vmem>>
      %dma_wait3A_149 = tpu.memref_squeeze %dma_wait3A_148 : memref<1x128x128xf32, #tpu.memory_space<vmem>> -> memref<128x128xf32, #tpu.memory_space<vmem>>
      %dma_wait3A_150 = arith.constant 0 : i32
      %dma_wait3A_151 = tpu.memref_slice %arg5[%add3A_144, %dma_wait3A_150] : memref<64x128xi32, #tpu.memory_space<vmem>> -> memref<1x128xi32, #tpu.memory_space<vmem>>
      %dma_wait3A_152 = tpu.memref_squeeze %dma_wait3A_151 : memref<1x128xi32, #tpu.memory_space<vmem>> -> memref<128xi32, #tpu.memory_space<vmem>>
      %dma_wait3A_153 = arith.constant 0 : i32
      %dma_wait3A_154 = arith.constant 0 : i32
      %dma_wait3A_155 = tpu.memref_slice %arg2[%dma_wait3A_153, %dma_wait3A_154] : memref<262144x128xf32, #tpu.memory_space<hbm>> -> memref<262144x128xf32, #tpu.memory_space<hbm>>
      tpu.wait_indirect_dma semaphore(%arg8 : memref<!tpu.dma_semaphore, #tpu.memory_space<semaphore_mem>>) src(%dma_wait3A_155 : memref<262144x128xf32, #tpu.memory_space<hbm>>) dst(%dma_wait3A_149 : memref<128x128xf32, #tpu.memory_space<vmem>>)
      %mul3A_156 = arith.constant 2 : i32
      %mul3A_157 = arith.muli %add3A_140, %mul3A_156 : i32
      %add3A_158 = arith.constant 1 : i32
      %add3A_159 = arith.addi %mul3A_157, %add3A_158 : i32
      %dma_wait3A_160 = arith.constant 3 : i32
      %dma_wait3A_161 = arith.constant 0 : i32
      %dma_wait3A_162 = arith.constant 0 : i32
      %dma_wait3A_163 = tpu.memref_slice %arg6[%dma_wait3A_160, %dma_wait3A_161, %dma_wait3A_162] : memref<4x128x128xf32, #tpu.memory_space<vmem>> -> memref<1x128x128xf32, #tpu.memory_space<vmem>>
      %dma_wait3A_164 = tpu.memref_squeeze %dma_wait3A_163 : memref<1x128x128xf32, #tpu.memory_space<vmem>> -> memref<128x128xf32, #tpu.memory_space<vmem>>
      %dma_wait3A_165 = arith.constant 0 : i32
      %dma_wait3A_166 = tpu.memref_slice %arg5[%add3A_159, %dma_wait3A_165] : memref<64x128xi32, #tpu.memory_space<vmem>> -> memref<1x128xi32, #tpu.memory_space<vmem>>
      %dma_wait3A_167 = tpu.memref_squeeze %dma_wait3A_166 : memref<1x128xi32, #tpu.memory_space<vmem>> -> memref<128xi32, #tpu.memory_space<vmem>>
      %dma_wait3A_168 = arith.constant 0 : i32
      %dma_wait3A_169 = arith.constant 0 : i32
      %dma_wait3A_170 = tpu.memref_slice %arg2[%dma_wait3A_168, %dma_wait3A_169] : memref<262144x128xf32, #tpu.memory_space<hbm>> -> memref<262144x128xf32, #tpu.memory_space<hbm>>
      tpu.wait_indirect_dma semaphore(%arg8 : memref<!tpu.dma_semaphore, #tpu.memory_space<semaphore_mem>>) src(%dma_wait3A_170 : memref<262144x128xf32, #tpu.memory_space<hbm>>) dst(%dma_wait3A_164 : memref<128x128xf32, #tpu.memory_space<vmem>>)
      %add3A_171 = arith.constant 1 : i32
      %add3A_172 = arith.addi %mul3A_33, %add3A_171 : i32
      %mul3A_173 = arith.constant 8192 : i32
      %mul3A_174 = arith.muli %add3A, %mul3A_173 : i32
      %mul3A_175 = arith.constant 2 : i32
      %mul3A_176 = arith.muli %add3A_172, %mul3A_175 : i32
      %add3A_177 = arith.constant 0 : i32
      %add3A_178 = arith.addi %mul3A_176, %add3A_177 : i32
      %mul3A_179 = arith.constant 128 : i32
      %mul3A_180 = arith.muli %add3A_178, %mul3A_179 : i32
      %add3A_181 = arith.addi %mul3A_174, %mul3A_180 : i32
      %dma_start3A_182 = arith.constant 2 : i32
      %dma_start3A_183 = arith.constant 0 : i32
      %dma_start3A_184 = arith.constant 0 : i32
      %dma_start3A_185 = tpu.memref_slice %arg6[%dma_start3A_182, %dma_start3A_183, %dma_start3A_184] : memref<4x128x128xf32, #tpu.memory_space<vmem>> -> memref<1x128x128xf32, #tpu.memory_space<vmem>>
      %dma_start3A_186 = tpu.memref_squeeze %dma_start3A_185 : memref<1x128x128xf32, #tpu.memory_space<vmem>> -> memref<128x128xf32, #tpu.memory_space<vmem>>
      %dma_start3A_187 = arith.constant 0 : i32
      %dma_start3A_188 = tpu.memref_slice %arg4[%add3A_181, %dma_start3A_187] : memref<262144x128xf32, #tpu.memory_space<hbm>> -> memref<128x128xf32, #tpu.memory_space<hbm>>
      %dma_start3A_189 = arith.constant 0 : i32
      %dma_start3A_190 = tpu.memref_slice %arg4[%add3A_181, %dma_start3A_189] : memref<262144x128xf32, #tpu.memory_space<hbm>> -> memref<128x128xf32, #tpu.memory_space<hbm>>
      %dma_start3A_191 = arith.constant 0 : i32
      %dma_start3A_192 = arith.constant 0 : i32
      %dma_start3A_193 = tpu.memref_slice %arg6[%dma_start3A_182, %dma_start3A_191, %dma_start3A_192] : memref<4x128x128xf32, #tpu.memory_space<vmem>> -> memref<1x128x128xf32, #tpu.memory_space<vmem>>
      %dma_start3A_194 = tpu.memref_squeeze %dma_start3A_193 : memref<1x128x128xf32, #tpu.memory_space<vmem>> -> memref<128x128xf32, #tpu.memory_space<vmem>>
      tpu.enqueue_dma source(%dma_start3A_194 : memref<128x128xf32, #tpu.memory_space<vmem>>) target(%dma_start3A_190 : memref<128x128xf32, #tpu.memory_space<hbm>>) target_semaphore(%arg10 : memref<!tpu.dma_semaphore, #tpu.memory_space<semaphore_mem>>)
      %mul3A_195 = arith.constant 8192 : i32
      %mul3A_196 = arith.muli %add3A, %mul3A_195 : i32
      %mul3A_197 = arith.constant 2 : i32
      %mul3A_198 = arith.muli %add3A_172, %mul3A_197 : i32
      %add3A_199 = arith.constant 1 : i32
      %add3A_200 = arith.addi %mul3A_198, %add3A_199 : i32
      %mul3A_201 = arith.constant 128 : i32
      %mul3A_202 = arith.muli %add3A_200, %mul3A_201 : i32
      %add3A_203 = arith.addi %mul3A_196, %mul3A_202 : i32
      %dma_start3A_204 = arith.constant 3 : i32
      %dma_start3A_205 = arith.constant 0 : i32
      %dma_start3A_206 = arith.constant 0 : i32
      %dma_start3A_207 = tpu.memref_slice %arg6[%dma_start3A_204, %dma_start3A_205, %dma_start3A_206] : memref<4x128x128xf32, #tpu.memory_space<vmem>> -> memref<1x128x128xf32, #tpu.memory_space<vmem>>
      %dma_start3A_208 = tpu.memref_squeeze %dma_start3A_207 : memref<1x128x128xf32, #tpu.memory_space<vmem>> -> memref<128x128xf32, #tpu.memory_space<vmem>>
      %dma_start3A_209 = arith.constant 0 : i32
      %dma_start3A_210 = tpu.memref_slice %arg4[%add3A_203, %dma_start3A_209] : memref<262144x128xf32, #tpu.memory_space<hbm>> -> memref<128x128xf32, #tpu.memory_space<hbm>>
      %dma_start3A_211 = arith.constant 0 : i32
      %dma_start3A_212 = tpu.memref_slice %arg4[%add3A_203, %dma_start3A_211] : memref<262144x128xf32, #tpu.memory_space<hbm>> -> memref<128x128xf32, #tpu.memory_space<hbm>>
      %dma_start3A_213 = arith.constant 0 : i32
      %dma_start3A_214 = arith.constant 0 : i32
      %dma_start3A_215 = tpu.memref_slice %arg6[%dma_start3A_204, %dma_start3A_213, %dma_start3A_214] : memref<4x128x128xf32, #tpu.memory_space<vmem>> -> memref<1x128x128xf32, #tpu.memory_space<vmem>>
      %dma_start3A_216 = tpu.memref_squeeze %dma_start3A_215 : memref<1x128x128xf32, #tpu.memory_space<vmem>> -> memref<128x128xf32, #tpu.memory_space<vmem>>
      tpu.enqueue_dma source(%dma_start3A_216 : memref<128x128xf32, #tpu.memory_space<vmem>>) target(%dma_start3A_212 : memref<128x128xf32, #tpu.memory_space<hbm>>) target_semaphore(%arg10 : memref<!tpu.dma_semaphore, #tpu.memory_space<semaphore_mem>>)
      %mul3A_217 = arith.constant 8192 : i32
      %mul3A_218 = arith.muli %add3A, %mul3A_217 : i32
      %mul3A_219 = arith.constant 2 : i32
      %mul3A_220 = arith.muli %mul3A_33, %mul3A_219 : i32
      %add3A_221 = arith.constant 0 : i32
      %add3A_222 = arith.addi %mul3A_220, %add3A_221 : i32
      %mul3A_223 = arith.constant 128 : i32
      %mul3A_224 = arith.muli %add3A_222, %mul3A_223 : i32
      %add3A_225 = arith.addi %mul3A_218, %mul3A_224 : i32
      %dma_wait3A_226 = arith.constant 0 : i32
      %dma_wait3A_227 = arith.constant 0 : i32
      %dma_wait3A_228 = arith.constant 0 : i32
      %dma_wait3A_229 = tpu.memref_slice %arg6[%dma_wait3A_226, %dma_wait3A_227, %dma_wait3A_228] : memref<4x128x128xf32, #tpu.memory_space<vmem>> -> memref<1x128x128xf32, #tpu.memory_space<vmem>>
      %dma_wait3A_230 = tpu.memref_squeeze %dma_wait3A_229 : memref<1x128x128xf32, #tpu.memory_space<vmem>> -> memref<128x128xf32, #tpu.memory_space<vmem>>
      %dma_wait3A_231 = arith.constant 0 : i32
      %dma_wait3A_232 = tpu.memref_slice %arg4[%add3A_225, %dma_wait3A_231] : memref<262144x128xf32, #tpu.memory_space<hbm>> -> memref<128x128xf32, #tpu.memory_space<hbm>>
      %dma_wait3A_233 = arith.constant 0 : i32
      %dma_wait3A_234 = tpu.memref_slice %arg4[%add3A_225, %dma_wait3A_233] : memref<262144x128xf32, #tpu.memory_space<hbm>> -> memref<128x128xf32, #tpu.memory_space<hbm>>
      %dma_wait3A_235 = arith.constant 0 : i32
      %dma_wait3A_236 = arith.constant 0 : i32
      %dma_wait3A_237 = tpu.memref_slice %arg6[%dma_wait3A_226, %dma_wait3A_235, %dma_wait3A_236] : memref<4x128x128xf32, #tpu.memory_space<vmem>> -> memref<1x128x128xf32, #tpu.memory_space<vmem>>
      %dma_wait3A_238 = tpu.memref_squeeze %dma_wait3A_237 : memref<1x128x128xf32, #tpu.memory_space<vmem>> -> memref<128x128xf32, #tpu.memory_space<vmem>>
      tpu.wait_dma2 semaphore(%arg9 : memref<!tpu.dma_semaphore, #tpu.memory_space<semaphore_mem>>) src(%dma_wait3A_238 : memref<128x128xf32, #tpu.memory_space<vmem>>) dst(%dma_wait3A_234 : memref<128x128xf32, #tpu.memory_space<hbm>>)
      %mul3A_239 = arith.constant 8192 : i32
      %mul3A_240 = arith.muli %add3A, %mul3A_239 : i32
      %mul3A_241 = arith.constant 2 : i32
      %mul3A_242 = arith.muli %mul3A_33, %mul3A_241 : i32
      %add3A_243 = arith.constant 1 : i32
      %add3A_244 = arith.addi %mul3A_242, %add3A_243 : i32
      %mul3A_245 = arith.constant 128 : i32
      %mul3A_246 = arith.muli %add3A_244, %mul3A_245 : i32
      %add3A_247 = arith.addi %mul3A_240, %mul3A_246 : i32
      %dma_wait3A_248 = arith.constant 1 : i32
      %dma_wait3A_249 = arith.constant 0 : i32
      %dma_wait3A_250 = arith.constant 0 : i32
      %dma_wait3A_251 = tpu.memref_slice %arg6[%dma_wait3A_248, %dma_wait3A_249, %dma_wait3A_250] : memref<4x128x128xf32, #tpu.memory_space<vmem>> -> memref<1x128x128xf32, #tpu.memory_space<vmem>>
      %dma_wait3A_252 = tpu.memref_squeeze %dma_wait3A_251 : memref<1x128x128xf32, #tpu.memory_space<vmem>> -> memref<128x128xf32, #tpu.memory_space<vmem>>
      %dma_wait3A_253 = arith.constant 0 : i32
      %dma_wait3A_254 = tpu.memref_slice %arg4[%add3A_247, %dma_wait3A_253] : memref<262144x128xf32, #tpu.memory_space<hbm>> -> memref<128x128xf32, #tpu.memory_space<hbm>>
      %dma_wait3A_255 = arith.constant 0 : i32
      %dma_wait3A_256 = tpu.memref_slice %arg4[%add3A_247, %dma_wait3A_255] : memref<262144x128xf32, #tpu.memory_space<hbm>> -> memref<128x128xf32, #tpu.memory_space<hbm>>
      %dma_wait3A_257 = arith.constant 0 : i32
      %dma_wait3A_258 = arith.constant 0 : i32
      %dma_wait3A_259 = tpu.memref_slice %arg6[%dma_wait3A_248, %dma_wait3A_257, %dma_wait3A_258] : memref<4x128x128xf32, #tpu.memory_space<vmem>> -> memref<1x128x128xf32, #tpu.memory_space<vmem>>
      %dma_wait3A_260 = tpu.memref_squeeze %dma_wait3A_259 : memref<1x128x128xf32, #tpu.memory_space<vmem>> -> memref<128x128xf32, #tpu.memory_space<vmem>>
      tpu.wait_dma2 semaphore(%arg9 : memref<!tpu.dma_semaphore, #tpu.memory_space<semaphore_mem>>) src(%dma_wait3A_260 : memref<128x128xf32, #tpu.memory_space<vmem>>) dst(%dma_wait3A_256 : memref<128x128xf32, #tpu.memory_space<hbm>>)
      %lt3A = arith.constant 15 : i32
      %lt3A_261 = arith.cmpi slt, %scan3A_31, %lt3A : i32
      %convert_element_type3A = arith.extui %lt3A_261 : i1 to i32
      %cond3A = arith.constant 0 : i32
      %cond3A_262 = arith.cmpi ne, %convert_element_type3A, %cond3A : i32
      scf.if %cond3A_262 {
        %add3A_309 = arith.constant 2 : i32
        %add3A_310 = arith.addi %mul3A_33, %add3A_309 : i32
        %mul3A_311 = arith.constant 2 : i32
        %mul3A_312 = arith.muli %add3A_310, %mul3A_311 : i32
        %add3A_313 = arith.constant 0 : i32
        %add3A_314 = arith.addi %mul3A_312, %add3A_313 : i32
        %dma_start3A_315 = arith.constant 0 : i32
        %dma_start3A_316 = arith.constant 0 : i32
        %dma_start3A_317 = arith.constant 0 : i32
        %dma_start3A_318 = tpu.memref_slice %arg6[%dma_start3A_315, %dma_start3A_316, %dma_start3A_317] : memref<4x128x128xf32, #tpu.memory_space<vmem>> -> memref<1x128x128xf32, #tpu.memory_space<vmem>>
        %dma_start3A_319 = tpu.memref_squeeze %dma_start3A_318 : memref<1x128x128xf32, #tpu.memory_space<vmem>> -> memref<128x128xf32, #tpu.memory_space<vmem>>
        %dma_start3A_320 = arith.constant 0 : i32
        %dma_start3A_321 = tpu.memref_slice %arg5[%add3A_314, %dma_start3A_320] : memref<64x128xi32, #tpu.memory_space<vmem>> -> memref<1x128xi32, #tpu.memory_space<vmem>>
        %dma_start3A_322 = tpu.memref_squeeze %dma_start3A_321 : memref<1x128xi32, #tpu.memory_space<vmem>> -> memref<128xi32, #tpu.memory_space<vmem>>
        %dma_start3A_323 = arith.constant 0 : i32
        %dma_start3A_324 = arith.constant 0 : i32
        %dma_start3A_325 = tpu.memref_slice %arg2[%dma_start3A_323, %dma_start3A_324] : memref<262144x128xf32, #tpu.memory_space<hbm>> -> memref<262144x128xf32, #tpu.memory_space<hbm>>
        tpu.enqueue_indirect_dma source(%dma_start3A_325 : memref<262144x128xf32, #tpu.memory_space<hbm>>) target(%dma_start3A_319 : memref<128x128xf32, #tpu.memory_space<vmem>>) offsets(%dma_start3A_322 : memref<128xi32, #tpu.memory_space<vmem>>) semaphore(%arg7 : memref<!tpu.dma_semaphore, #tpu.memory_space<semaphore_mem>>)
        %mul3A_326 = arith.constant 2 : i32
        %mul3A_327 = arith.muli %add3A_310, %mul3A_326 : i32
        %add3A_328 = arith.constant 1 : i32
        %add3A_329 = arith.addi %mul3A_327, %add3A_328 : i32
        %dma_start3A_330 = arith.constant 1 : i32
        %dma_start3A_331 = arith.constant 0 : i32
        %dma_start3A_332 = arith.constant 0 : i32
        %dma_start3A_333 = tpu.memref_slice %arg6[%dma_start3A_330, %dma_start3A_331, %dma_start3A_332] : memref<4x128x128xf32, #tpu.memory_space<vmem>> -> memref<1x128x128xf32, #tpu.memory_space<vmem>>
        %dma_start3A_334 = tpu.memref_squeeze %dma_start3A_333 : memref<1x128x128xf32, #tpu.memory_space<vmem>> -> memref<128x128xf32, #tpu.memory_space<vmem>>
        %dma_start3A_335 = arith.constant 0 : i32
        %dma_start3A_336 = tpu.memref_slice %arg5[%add3A_329, %dma_start3A_335] : memref<64x128xi32, #tpu.memory_space<vmem>> -> memref<1x128xi32, #tpu.memory_space<vmem>>
        %dma_start3A_337 = tpu.memref_squeeze %dma_start3A_336 : memref<1x128xi32, #tpu.memory_space<vmem>> -> memref<128xi32, #tpu.memory_space<vmem>>
        %dma_start3A_338 = arith.constant 0 : i32
        %dma_start3A_339 = arith.constant 0 : i32
        %dma_start3A_340 = tpu.memref_slice %arg2[%dma_start3A_338, %dma_start3A_339] : memref<262144x128xf32, #tpu.memory_space<hbm>> -> memref<262144x128xf32, #tpu.memory_space<hbm>>
        tpu.enqueue_indirect_dma source(%dma_start3A_340 : memref<262144x128xf32, #tpu.memory_space<hbm>>) target(%dma_start3A_334 : memref<128x128xf32, #tpu.memory_space<vmem>>) offsets(%dma_start3A_337 : memref<128xi32, #tpu.memory_space<vmem>>) semaphore(%arg7 : memref<!tpu.dma_semaphore, #tpu.memory_space<semaphore_mem>>)
      } else {
      }
      %add3A_263 = arith.constant 1 : i32
      %add3A_264 = arith.addi %mul3A_33, %add3A_263 : i32
      %mul3A_265 = arith.constant 8192 : i32
      %mul3A_266 = arith.muli %add3A, %mul3A_265 : i32
      %mul3A_267 = arith.constant 2 : i32
      %mul3A_268 = arith.muli %add3A_264, %mul3A_267 : i32
      %add3A_269 = arith.constant 0 : i32
      %add3A_270 = arith.addi %mul3A_268, %add3A_269 : i32
      %mul3A_271 = arith.constant 128 : i32
      %mul3A_272 = arith.muli %add3A_270, %mul3A_271 : i32
      %add3A_273 = arith.addi %mul3A_266, %mul3A_272 : i32
      %dma_wait3A_274 = arith.constant 2 : i32
      %dma_wait3A_275 = arith.constant 0 : i32
      %dma_wait3A_276 = arith.constant 0 : i32
      %dma_wait3A_277 = tpu.memref_slice %arg6[%dma_wait3A_274, %dma_wait3A_275, %dma_wait3A_276] : memref<4x128x128xf32, #tpu.memory_space<vmem>> -> memref<1x128x128xf32, #tpu.memory_space<vmem>>
      %dma_wait3A_278 = tpu.memref_squeeze %dma_wait3A_277 : memref<1x128x128xf32, #tpu.memory_space<vmem>> -> memref<128x128xf32, #tpu.memory_space<vmem>>
      %dma_wait3A_279 = arith.constant 0 : i32
      %dma_wait3A_280 = tpu.memref_slice %arg4[%add3A_273, %dma_wait3A_279] : memref<262144x128xf32, #tpu.memory_space<hbm>> -> memref<128x128xf32, #tpu.memory_space<hbm>>
      %dma_wait3A_281 = arith.constant 0 : i32
      %dma_wait3A_282 = tpu.memref_slice %arg4[%add3A_273, %dma_wait3A_281] : memref<262144x128xf32, #tpu.memory_space<hbm>> -> memref<128x128xf32, #tpu.memory_space<hbm>>
      %dma_wait3A_283 = arith.constant 0 : i32
      %dma_wait3A_284 = arith.constant 0 : i32
      %dma_wait3A_285 = tpu.memref_slice %arg6[%dma_wait3A_274, %dma_wait3A_283, %dma_wait3A_284] : memref<4x128x128xf32, #tpu.memory_space<vmem>> -> memref<1x128x128xf32, #tpu.memory_space<vmem>>
      %dma_wait3A_286 = tpu.memref_squeeze %dma_wait3A_285 : memref<1x128x128xf32, #tpu.memory_space<vmem>> -> memref<128x128xf32, #tpu.memory_space<vmem>>
      tpu.wait_dma2 semaphore(%arg10 : memref<!tpu.dma_semaphore, #tpu.memory_space<semaphore_mem>>) src(%dma_wait3A_286 : memref<128x128xf32, #tpu.memory_space<vmem>>) dst(%dma_wait3A_282 : memref<128x128xf32, #tpu.memory_space<hbm>>)
      %mul3A_287 = arith.constant 8192 : i32
      %mul3A_288 = arith.muli %add3A, %mul3A_287 : i32
      %mul3A_289 = arith.constant 2 : i32
      %mul3A_290 = arith.muli %add3A_264, %mul3A_289 : i32
      %add3A_291 = arith.constant 1 : i32
      %add3A_292 = arith.addi %mul3A_290, %add3A_291 : i32
      %mul3A_293 = arith.constant 128 : i32
      %mul3A_294 = arith.muli %add3A_292, %mul3A_293 : i32
      %add3A_295 = arith.addi %mul3A_288, %mul3A_294 : i32
      %dma_wait3A_296 = arith.constant 3 : i32
      %dma_wait3A_297 = arith.constant 0 : i32
      %dma_wait3A_298 = arith.constant 0 : i32
      %dma_wait3A_299 = tpu.memref_slice %arg6[%dma_wait3A_296, %dma_wait3A_297, %dma_wait3A_298] : memref<4x128x128xf32, #tpu.memory_space<vmem>> -> memref<1x128x128xf32, #tpu.memory_space<vmem>>
      %dma_wait3A_300 = tpu.memref_squeeze %dma_wait3A_299 : memref<1x128x128xf32, #tpu.memory_space<vmem>> -> memref<128x128xf32, #tpu.memory_space<vmem>>
      %dma_wait3A_301 = arith.constant 0 : i32
      %dma_wait3A_302 = tpu.memref_slice %arg4[%add3A_295, %dma_wait3A_301] : memref<262144x128xf32, #tpu.memory_space<hbm>> -> memref<128x128xf32, #tpu.memory_space<hbm>>
      %dma_wait3A_303 = arith.constant 0 : i32
      %dma_wait3A_304 = tpu.memref_slice %arg4[%add3A_295, %dma_wait3A_303] : memref<262144x128xf32, #tpu.memory_space<hbm>> -> memref<128x128xf32, #tpu.memory_space<hbm>>
      %dma_wait3A_305 = arith.constant 0 : i32
      %dma_wait3A_306 = arith.constant 0 : i32
      %dma_wait3A_307 = tpu.memref_slice %arg6[%dma_wait3A_296, %dma_wait3A_305, %dma_wait3A_306] : memref<4x128x128xf32, #tpu.memory_space<vmem>> -> memref<1x128x128xf32, #tpu.memory_space<vmem>>
      %dma_wait3A_308 = tpu.memref_squeeze %dma_wait3A_307 : memref<1x128x128xf32, #tpu.memory_space<vmem>> -> memref<128x128xf32, #tpu.memory_space<vmem>>
      tpu.wait_dma2 semaphore(%arg10 : memref<!tpu.dma_semaphore, #tpu.memory_space<semaphore_mem>>) src(%dma_wait3A_308 : memref<128x128xf32, #tpu.memory_space<vmem>>) dst(%dma_wait3A_304 : memref<128x128xf32, #tpu.memory_space<hbm>>)
    }
    %scan3A_30 = arith.constant 16 : i32
    return
  }
}

#map = affine_map<(d0, d1) -> (0, 0)>
module attributes {stable_mosaic.version = 14 : i64} {
  func.func @k(%arg0: i32, %arg1: i32, %arg2: memref<262144x128xf32, #tpu.memory_space<hbm>>, %arg3: memref<2048x128xi32, #tpu.memory_space<hbm>>, %arg4: memref<262144x128xf32, #tpu.memory_space<hbm>>, %arg5: memref<64x128xi32, #tpu.memory_space<vmem>>, %arg6: memref<4x128x128xf32, #tpu.memory_space<vmem>>, %arg7: memref<!tpu.dma_semaphore, #tpu.memory_space<semaphore_mem>>, %arg8: memref<!tpu.dma_semaphore, #tpu.memory_space<semaphore_mem>>, %arg9: memref<!tpu.dma_semaphore, #tpu.memory_space<semaphore_mem>>, %arg10: memref<!tpu.dma_semaphore, #tpu.memory_space<semaphore_mem>>) attributes {dimension_semantics = [#tpu.dimension_semantics<core_parallel>, #tpu.dimension_semantics<subcore_parallel>], iteration_bounds = array<i64: 2, 16>, scalar_prefetch = 0 : i64, scratch_operands = 6 : i64, tpu.core_type = #tpu.core_type<sc_vector_subcore>, window_params = [{transform_indices = #map}, {transform_indices = #map}, {transform_indices = #map}]} {
    %mul3A = arith.constant 2 : i32
    %mul3A_0 = arith.muli %arg1, %mul3A : i32
    %add3A = arith.addi %mul3A_0, %arg0 : i32
    %mul3A_1 = arith.constant 64 : i32
    %mul3A_2 = arith.muli %add3A, %mul3A_1 : i32
    "tpu.region"() ({
      %run_scoped3A = tpu.sem_alloc : memref<!tpu.dma_semaphore, #tpu.memory_space<semaphore_mem>>
      %dma_start3A_41 = arith.constant 0 : i32
      %dma_start3A_42 = tpu.memref_slice %arg3[%mul3A_2, %dma_start3A_41] : memref<2048x128xi32, #tpu.memory_space<hbm>> -> memref<64x128xi32, #tpu.memory_space<hbm>>
      %dma_start3A_43 = arith.constant 0 : i32
      %dma_start3A_44 = tpu.memref_slice %arg3[%mul3A_2, %dma_start3A_43] : memref<2048x128xi32, #tpu.memory_space<hbm>> -> memref<64x128xi32, #tpu.memory_space<hbm>>
      tpu.enqueue_dma source(%dma_start3A_44 : memref<64x128xi32, #tpu.memory_space<hbm>>) target(%arg5 : memref<64x128xi32, #tpu.memory_space<vmem>>) target_semaphore(%run_scoped3A : memref<!tpu.dma_semaphore, #tpu.memory_space<semaphore_mem>>)
      %dma_wait3A = arith.constant 0 : i32
      %dma_wait3A_45 = tpu.memref_slice %arg3[%mul3A_2, %dma_wait3A] : memref<2048x128xi32, #tpu.memory_space<hbm>> -> memref<64x128xi32, #tpu.memory_space<hbm>>
      %dma_wait3A_46 = arith.constant 0 : i32
      %dma_wait3A_47 = tpu.memref_slice %arg3[%mul3A_2, %dma_wait3A_46] : memref<2048x128xi32, #tpu.memory_space<hbm>> -> memref<64x128xi32, #tpu.memory_space<hbm>>
      tpu.wait_dma2 semaphore(%run_scoped3A : memref<!tpu.dma_semaphore, #tpu.memory_space<semaphore_mem>>) src(%dma_wait3A_47 : memref<64x128xi32, #tpu.memory_space<hbm>>) dst(%arg5 : memref<64x128xi32, #tpu.memory_space<vmem>>)
      tpu.yield
    }) : () -> ()
    %mul3A_3 = arith.constant 8192 : i32
    %mul3A_4 = arith.muli %add3A, %mul3A_3 : i32
    %add3A_5 = arith.constant 0 : i32
    %add3A_6 = arith.addi %mul3A_4, %add3A_5 : i32
    %dma_start3A = arith.constant 0 : i32
    %dma_start3A_7 = arith.constant 0 : i32
    %dma_start3A_8 = arith.constant 0 : i32
    %dma_start3A_9 = tpu.memref_slice %arg6[%dma_start3A, %dma_start3A_7, %dma_start3A_8] : memref<4x128x128xf32, #tpu.memory_space<vmem>> -> memref<1x128x128xf32, #tpu.memory_space<vmem>>
    %dma_start3A_10 = tpu.memref_squeeze %dma_start3A_9 : memref<1x128x128xf32, #tpu.memory_space<vmem>> -> memref<128x128xf32, #tpu.memory_space<vmem>>
    %dma_start3A_11 = arith.constant 0 : i32
    %dma_start3A_12 = tpu.memref_slice %arg2[%add3A_6, %dma_start3A_11] : memref<262144x128xf32, #tpu.memory_space<hbm>> -> memref<128x128xf32, #tpu.memory_space<hbm>>
    %dma_start3A_13 = arith.constant 0 : i32
    %dma_start3A_14 = arith.constant 0 : i32
    %dma_start3A_15 = tpu.memref_slice %arg6[%dma_start3A, %dma_start3A_13, %dma_start3A_14] : memref<4x128x128xf32, #tpu.memory_space<vmem>> -> memref<1x128x128xf32, #tpu.memory_space<vmem>>
    %dma_start3A_16 = tpu.memref_squeeze %dma_start3A_15 : memref<1x128x128xf32, #tpu.memory_space<vmem>> -> memref<128x128xf32, #tpu.memory_space<vmem>>
    %dma_start3A_17 = arith.constant 0 : i32
    %dma_start3A_18 = tpu.memref_slice %arg2[%add3A_6, %dma_start3A_17] : memref<262144x128xf32, #tpu.memory_space<hbm>> -> memref<128x128xf32, #tpu.memory_space<hbm>>
    tpu.enqueue_dma source(%dma_start3A_18 : memref<128x128xf32, #tpu.memory_space<hbm>>) target(%dma_start3A_16 : memref<128x128xf32, #tpu.memory_space<vmem>>) target_semaphore(%arg7 : memref<!tpu.dma_semaphore, #tpu.memory_space<semaphore_mem>>)
    %mul3A_19 = arith.constant 8192 : i32
    %mul3A_20 = arith.muli %add3A, %mul3A_19 : i32
    %add3A_21 = arith.constant 128 : i32
    %add3A_22 = arith.addi %mul3A_20, %add3A_21 : i32
    %dma_start3A_23 = arith.constant 1 : i32
    %dma_start3A_24 = arith.constant 0 : i32
    %dma_start3A_25 = arith.constant 0 : i32
    %dma_start3A_26 = tpu.memref_slice %arg6[%dma_start3A_23, %dma_start3A_24, %dma_start3A_25] : memref<4x128x128xf32, #tpu.memory_space<vmem>> -> memref<1x128x128xf32, #tpu.memory_space<vmem>>
    %dma_start3A_27 = tpu.memref_squeeze %dma_start3A_26 : memref<1x128x128xf32, #tpu.memory_space<vmem>> -> memref<128x128xf32, #tpu.memory_space<vmem>>
    %dma_start3A_28 = arith.constant 0 : i32
    %dma_start3A_29 = tpu.memref_slice %arg2[%add3A_22, %dma_start3A_28] : memref<262144x128xf32, #tpu.memory_space<hbm>> -> memref<128x128xf32, #tpu.memory_space<hbm>>
    %dma_start3A_30 = arith.constant 0 : i32
    %dma_start3A_31 = arith.constant 0 : i32
    %dma_start3A_32 = tpu.memref_slice %arg6[%dma_start3A_23, %dma_start3A_30, %dma_start3A_31] : memref<4x128x128xf32, #tpu.memory_space<vmem>> -> memref<1x128x128xf32, #tpu.memory_space<vmem>>
    %dma_start3A_33 = tpu.memref_squeeze %dma_start3A_32 : memref<1x128x128xf32, #tpu.memory_space<vmem>> -> memref<128x128xf32, #tpu.memory_space<vmem>>
    %dma_start3A_34 = arith.constant 0 : i32
    %dma_start3A_35 = tpu.memref_slice %arg2[%add3A_22, %dma_start3A_34] : memref<262144x128xf32, #tpu.memory_space<hbm>> -> memref<128x128xf32, #tpu.memory_space<hbm>>
    tpu.enqueue_dma source(%dma_start3A_35 : memref<128x128xf32, #tpu.memory_space<hbm>>) target(%dma_start3A_33 : memref<128x128xf32, #tpu.memory_space<vmem>>) target_semaphore(%arg7 : memref<!tpu.dma_semaphore, #tpu.memory_space<semaphore_mem>>)
    %scan3A = arith.constant 0 : i32
    %scan3A_36 = arith.constant 0 : i32
    %scan3A_37 = arith.constant 16 : i32
    %scan3A_38 = arith.addi %scan3A_36, %scan3A_37 : i32
    %scan3A_39 = arith.constant 1 : i32
    scf.for %scan3A_41 = %scan3A_36 to %scan3A_38 step %scan3A_39  : i32 {
      %mul3A_42 = arith.constant 2 : i32
      %mul3A_43 = arith.muli %scan3A_41, %mul3A_42 : i32
      %add3A_44 = arith.constant 1 : i32
      %add3A_45 = arith.addi %mul3A_43, %add3A_44 : i32
      %mul3A_46 = arith.constant 8192 : i32
      %mul3A_47 = arith.muli %add3A, %mul3A_46 : i32
      %mul3A_48 = arith.constant 2 : i32
      %mul3A_49 = arith.muli %add3A_45, %mul3A_48 : i32
      %add3A_50 = arith.constant 0 : i32
      %add3A_51 = arith.addi %mul3A_49, %add3A_50 : i32
      %mul3A_52 = arith.constant 128 : i32
      %mul3A_53 = arith.muli %add3A_51, %mul3A_52 : i32
      %add3A_54 = arith.addi %mul3A_47, %mul3A_53 : i32
      %dma_start3A_55 = arith.constant 2 : i32
      %dma_start3A_56 = arith.constant 0 : i32
      %dma_start3A_57 = arith.constant 0 : i32
      %dma_start3A_58 = tpu.memref_slice %arg6[%dma_start3A_55, %dma_start3A_56, %dma_start3A_57] : memref<4x128x128xf32, #tpu.memory_space<vmem>> -> memref<1x128x128xf32, #tpu.memory_space<vmem>>
      %dma_start3A_59 = tpu.memref_squeeze %dma_start3A_58 : memref<1x128x128xf32, #tpu.memory_space<vmem>> -> memref<128x128xf32, #tpu.memory_space<vmem>>
      %dma_start3A_60 = arith.constant 0 : i32
      %dma_start3A_61 = tpu.memref_slice %arg2[%add3A_54, %dma_start3A_60] : memref<262144x128xf32, #tpu.memory_space<hbm>> -> memref<128x128xf32, #tpu.memory_space<hbm>>
      %dma_start3A_62 = arith.constant 0 : i32
      %dma_start3A_63 = arith.constant 0 : i32
      %dma_start3A_64 = tpu.memref_slice %arg6[%dma_start3A_55, %dma_start3A_62, %dma_start3A_63] : memref<4x128x128xf32, #tpu.memory_space<vmem>> -> memref<1x128x128xf32, #tpu.memory_space<vmem>>
      %dma_start3A_65 = tpu.memref_squeeze %dma_start3A_64 : memref<1x128x128xf32, #tpu.memory_space<vmem>> -> memref<128x128xf32, #tpu.memory_space<vmem>>
      %dma_start3A_66 = arith.constant 0 : i32
      %dma_start3A_67 = tpu.memref_slice %arg2[%add3A_54, %dma_start3A_66] : memref<262144x128xf32, #tpu.memory_space<hbm>> -> memref<128x128xf32, #tpu.memory_space<hbm>>
      tpu.enqueue_dma source(%dma_start3A_67 : memref<128x128xf32, #tpu.memory_space<hbm>>) target(%dma_start3A_65 : memref<128x128xf32, #tpu.memory_space<vmem>>) target_semaphore(%arg8 : memref<!tpu.dma_semaphore, #tpu.memory_space<semaphore_mem>>)
      %mul3A_68 = arith.constant 8192 : i32
      %mul3A_69 = arith.muli %add3A, %mul3A_68 : i32
      %mul3A_70 = arith.constant 2 : i32
      %mul3A_71 = arith.muli %add3A_45, %mul3A_70 : i32
      %add3A_72 = arith.constant 1 : i32
      %add3A_73 = arith.addi %mul3A_71, %add3A_72 : i32
      %mul3A_74 = arith.constant 128 : i32
      %mul3A_75 = arith.muli %add3A_73, %mul3A_74 : i32
      %add3A_76 = arith.addi %mul3A_69, %mul3A_75 : i32
      %dma_start3A_77 = arith.constant 3 : i32
      %dma_start3A_78 = arith.constant 0 : i32
      %dma_start3A_79 = arith.constant 0 : i32
      %dma_start3A_80 = tpu.memref_slice %arg6[%dma_start3A_77, %dma_start3A_78, %dma_start3A_79] : memref<4x128x128xf32, #tpu.memory_space<vmem>> -> memref<1x128x128xf32, #tpu.memory_space<vmem>>
      %dma_start3A_81 = tpu.memref_squeeze %dma_start3A_80 : memref<1x128x128xf32, #tpu.memory_space<vmem>> -> memref<128x128xf32, #tpu.memory_space<vmem>>
      %dma_start3A_82 = arith.constant 0 : i32
      %dma_start3A_83 = tpu.memref_slice %arg2[%add3A_76, %dma_start3A_82] : memref<262144x128xf32, #tpu.memory_space<hbm>> -> memref<128x128xf32, #tpu.memory_space<hbm>>
      %dma_start3A_84 = arith.constant 0 : i32
      %dma_start3A_85 = arith.constant 0 : i32
      %dma_start3A_86 = tpu.memref_slice %arg6[%dma_start3A_77, %dma_start3A_84, %dma_start3A_85] : memref<4x128x128xf32, #tpu.memory_space<vmem>> -> memref<1x128x128xf32, #tpu.memory_space<vmem>>
      %dma_start3A_87 = tpu.memref_squeeze %dma_start3A_86 : memref<1x128x128xf32, #tpu.memory_space<vmem>> -> memref<128x128xf32, #tpu.memory_space<vmem>>
      %dma_start3A_88 = arith.constant 0 : i32
      %dma_start3A_89 = tpu.memref_slice %arg2[%add3A_76, %dma_start3A_88] : memref<262144x128xf32, #tpu.memory_space<hbm>> -> memref<128x128xf32, #tpu.memory_space<hbm>>
      tpu.enqueue_dma source(%dma_start3A_89 : memref<128x128xf32, #tpu.memory_space<hbm>>) target(%dma_start3A_87 : memref<128x128xf32, #tpu.memory_space<vmem>>) target_semaphore(%arg8 : memref<!tpu.dma_semaphore, #tpu.memory_space<semaphore_mem>>)
      %mul3A_90 = arith.constant 8192 : i32
      %mul3A_91 = arith.muli %add3A, %mul3A_90 : i32
      %mul3A_92 = arith.constant 2 : i32
      %mul3A_93 = arith.muli %mul3A_43, %mul3A_92 : i32
      %add3A_94 = arith.constant 0 : i32
      %add3A_95 = arith.addi %mul3A_93, %add3A_94 : i32
      %mul3A_96 = arith.constant 128 : i32
      %mul3A_97 = arith.muli %add3A_95, %mul3A_96 : i32
      %add3A_98 = arith.addi %mul3A_91, %mul3A_97 : i32
      %dma_wait3A = arith.constant 0 : i32
      %dma_wait3A_99 = arith.constant 0 : i32
      %dma_wait3A_100 = arith.constant 0 : i32
      %dma_wait3A_101 = tpu.memref_slice %arg6[%dma_wait3A, %dma_wait3A_99, %dma_wait3A_100] : memref<4x128x128xf32, #tpu.memory_space<vmem>> -> memref<1x128x128xf32, #tpu.memory_space<vmem>>
      %dma_wait3A_102 = tpu.memref_squeeze %dma_wait3A_101 : memref<1x128x128xf32, #tpu.memory_space<vmem>> -> memref<128x128xf32, #tpu.memory_space<vmem>>
      %dma_wait3A_103 = arith.constant 0 : i32
      %dma_wait3A_104 = tpu.memref_slice %arg2[%add3A_98, %dma_wait3A_103] : memref<262144x128xf32, #tpu.memory_space<hbm>> -> memref<128x128xf32, #tpu.memory_space<hbm>>
      %dma_wait3A_105 = arith.constant 0 : i32
      %dma_wait3A_106 = arith.constant 0 : i32
      %dma_wait3A_107 = tpu.memref_slice %arg6[%dma_wait3A, %dma_wait3A_105, %dma_wait3A_106] : memref<4x128x128xf32, #tpu.memory_space<vmem>> -> memref<1x128x128xf32, #tpu.memory_space<vmem>>
      %dma_wait3A_108 = tpu.memref_squeeze %dma_wait3A_107 : memref<1x128x128xf32, #tpu.memory_space<vmem>> -> memref<128x128xf32, #tpu.memory_space<vmem>>
      %dma_wait3A_109 = arith.constant 0 : i32
      %dma_wait3A_110 = tpu.memref_slice %arg2[%add3A_98, %dma_wait3A_109] : memref<262144x128xf32, #tpu.memory_space<hbm>> -> memref<128x128xf32, #tpu.memory_space<hbm>>
      tpu.wait_dma2 semaphore(%arg7 : memref<!tpu.dma_semaphore, #tpu.memory_space<semaphore_mem>>) src(%dma_wait3A_110 : memref<128x128xf32, #tpu.memory_space<hbm>>) dst(%dma_wait3A_108 : memref<128x128xf32, #tpu.memory_space<vmem>>)
      %mul3A_111 = arith.constant 8192 : i32
      %mul3A_112 = arith.muli %add3A, %mul3A_111 : i32
      %mul3A_113 = arith.constant 2 : i32
      %mul3A_114 = arith.muli %mul3A_43, %mul3A_113 : i32
      %add3A_115 = arith.constant 1 : i32
      %add3A_116 = arith.addi %mul3A_114, %add3A_115 : i32
      %mul3A_117 = arith.constant 128 : i32
      %mul3A_118 = arith.muli %add3A_116, %mul3A_117 : i32
      %add3A_119 = arith.addi %mul3A_112, %mul3A_118 : i32
      %dma_wait3A_120 = arith.constant 1 : i32
      %dma_wait3A_121 = arith.constant 0 : i32
      %dma_wait3A_122 = arith.constant 0 : i32
      %dma_wait3A_123 = tpu.memref_slice %arg6[%dma_wait3A_120, %dma_wait3A_121, %dma_wait3A_122] : memref<4x128x128xf32, #tpu.memory_space<vmem>> -> memref<1x128x128xf32, #tpu.memory_space<vmem>>
      %dma_wait3A_124 = tpu.memref_squeeze %dma_wait3A_123 : memref<1x128x128xf32, #tpu.memory_space<vmem>> -> memref<128x128xf32, #tpu.memory_space<vmem>>
      %dma_wait3A_125 = arith.constant 0 : i32
      %dma_wait3A_126 = tpu.memref_slice %arg2[%add3A_119, %dma_wait3A_125] : memref<262144x128xf32, #tpu.memory_space<hbm>> -> memref<128x128xf32, #tpu.memory_space<hbm>>
      %dma_wait3A_127 = arith.constant 0 : i32
      %dma_wait3A_128 = arith.constant 0 : i32
      %dma_wait3A_129 = tpu.memref_slice %arg6[%dma_wait3A_120, %dma_wait3A_127, %dma_wait3A_128] : memref<4x128x128xf32, #tpu.memory_space<vmem>> -> memref<1x128x128xf32, #tpu.memory_space<vmem>>
      %dma_wait3A_130 = tpu.memref_squeeze %dma_wait3A_129 : memref<1x128x128xf32, #tpu.memory_space<vmem>> -> memref<128x128xf32, #tpu.memory_space<vmem>>
      %dma_wait3A_131 = arith.constant 0 : i32
      %dma_wait3A_132 = tpu.memref_slice %arg2[%add3A_119, %dma_wait3A_131] : memref<262144x128xf32, #tpu.memory_space<hbm>> -> memref<128x128xf32, #tpu.memory_space<hbm>>
      tpu.wait_dma2 semaphore(%arg7 : memref<!tpu.dma_semaphore, #tpu.memory_space<semaphore_mem>>) src(%dma_wait3A_132 : memref<128x128xf32, #tpu.memory_space<hbm>>) dst(%dma_wait3A_130 : memref<128x128xf32, #tpu.memory_space<vmem>>)
      %mul3A_133 = arith.constant 2 : i32
      %mul3A_134 = arith.muli %mul3A_43, %mul3A_133 : i32
      %add3A_135 = arith.constant 0 : i32
      %add3A_136 = arith.addi %mul3A_134, %add3A_135 : i32
      %dma_start3A_137 = arith.constant 0 : i32
      %dma_start3A_138 = arith.constant 0 : i32
      %dma_start3A_139 = arith.constant 0 : i32
      %dma_start3A_140 = tpu.memref_slice %arg6[%dma_start3A_137, %dma_start3A_138, %dma_start3A_139] : memref<4x128x128xf32, #tpu.memory_space<vmem>> -> memref<1x128x128xf32, #tpu.memory_space<vmem>>
      %dma_start3A_141 = tpu.memref_squeeze %dma_start3A_140 : memref<1x128x128xf32, #tpu.memory_space<vmem>> -> memref<128x128xf32, #tpu.memory_space<vmem>>
      %dma_start3A_142 = arith.constant 0 : i32
      %dma_start3A_143 = tpu.memref_slice %arg5[%add3A_136, %dma_start3A_142] : memref<64x128xi32, #tpu.memory_space<vmem>> -> memref<1x128xi32, #tpu.memory_space<vmem>>
      %dma_start3A_144 = tpu.memref_squeeze %dma_start3A_143 : memref<1x128xi32, #tpu.memory_space<vmem>> -> memref<128xi32, #tpu.memory_space<vmem>>
      %dma_start3A_145 = arith.constant 0 : i32
      %dma_start3A_146 = arith.constant 0 : i32
      %dma_start3A_147 = tpu.memref_slice %arg4[%dma_start3A_145, %dma_start3A_146] : memref<262144x128xf32, #tpu.memory_space<hbm>> -> memref<262144x128xf32, #tpu.memory_space<hbm>>
      tpu.enqueue_indirect_dma source(%dma_start3A_141 : memref<128x128xf32, #tpu.memory_space<vmem>>) target(%dma_start3A_147 : memref<262144x128xf32, #tpu.memory_space<hbm>>) offsets(%dma_start3A_144 : memref<128xi32, #tpu.memory_space<vmem>>) semaphore(%arg9 : memref<!tpu.dma_semaphore, #tpu.memory_space<semaphore_mem>>)
      %mul3A_148 = arith.constant 2 : i32
      %mul3A_149 = arith.muli %mul3A_43, %mul3A_148 : i32
      %add3A_150 = arith.constant 1 : i32
      %add3A_151 = arith.addi %mul3A_149, %add3A_150 : i32
      %dma_start3A_152 = arith.constant 1 : i32
      %dma_start3A_153 = arith.constant 0 : i32
      %dma_start3A_154 = arith.constant 0 : i32
      %dma_start3A_155 = tpu.memref_slice %arg6[%dma_start3A_152, %dma_start3A_153, %dma_start3A_154] : memref<4x128x128xf32, #tpu.memory_space<vmem>> -> memref<1x128x128xf32, #tpu.memory_space<vmem>>
      %dma_start3A_156 = tpu.memref_squeeze %dma_start3A_155 : memref<1x128x128xf32, #tpu.memory_space<vmem>> -> memref<128x128xf32, #tpu.memory_space<vmem>>
      %dma_start3A_157 = arith.constant 0 : i32
      %dma_start3A_158 = tpu.memref_slice %arg5[%add3A_151, %dma_start3A_157] : memref<64x128xi32, #tpu.memory_space<vmem>> -> memref<1x128xi32, #tpu.memory_space<vmem>>
      %dma_start3A_159 = tpu.memref_squeeze %dma_start3A_158 : memref<1x128xi32, #tpu.memory_space<vmem>> -> memref<128xi32, #tpu.memory_space<vmem>>
      %dma_start3A_160 = arith.constant 0 : i32
      %dma_start3A_161 = arith.constant 0 : i32
      %dma_start3A_162 = tpu.memref_slice %arg4[%dma_start3A_160, %dma_start3A_161] : memref<262144x128xf32, #tpu.memory_space<hbm>> -> memref<262144x128xf32, #tpu.memory_space<hbm>>
      tpu.enqueue_indirect_dma source(%dma_start3A_156 : memref<128x128xf32, #tpu.memory_space<vmem>>) target(%dma_start3A_162 : memref<262144x128xf32, #tpu.memory_space<hbm>>) offsets(%dma_start3A_159 : memref<128xi32, #tpu.memory_space<vmem>>) semaphore(%arg9 : memref<!tpu.dma_semaphore, #tpu.memory_space<semaphore_mem>>)
      %add3A_163 = arith.constant 1 : i32
      %add3A_164 = arith.addi %mul3A_43, %add3A_163 : i32
      %mul3A_165 = arith.constant 8192 : i32
      %mul3A_166 = arith.muli %add3A, %mul3A_165 : i32
      %mul3A_167 = arith.constant 2 : i32
      %mul3A_168 = arith.muli %add3A_164, %mul3A_167 : i32
      %add3A_169 = arith.constant 0 : i32
      %add3A_170 = arith.addi %mul3A_168, %add3A_169 : i32
      %mul3A_171 = arith.constant 128 : i32
      %mul3A_172 = arith.muli %add3A_170, %mul3A_171 : i32
      %add3A_173 = arith.addi %mul3A_166, %mul3A_172 : i32
      %dma_wait3A_174 = arith.constant 2 : i32
      %dma_wait3A_175 = arith.constant 0 : i32
      %dma_wait3A_176 = arith.constant 0 : i32
      %dma_wait3A_177 = tpu.memref_slice %arg6[%dma_wait3A_174, %dma_wait3A_175, %dma_wait3A_176] : memref<4x128x128xf32, #tpu.memory_space<vmem>> -> memref<1x128x128xf32, #tpu.memory_space<vmem>>
      %dma_wait3A_178 = tpu.memref_squeeze %dma_wait3A_177 : memref<1x128x128xf32, #tpu.memory_space<vmem>> -> memref<128x128xf32, #tpu.memory_space<vmem>>
      %dma_wait3A_179 = arith.constant 0 : i32
      %dma_wait3A_180 = tpu.memref_slice %arg2[%add3A_173, %dma_wait3A_179] : memref<262144x128xf32, #tpu.memory_space<hbm>> -> memref<128x128xf32, #tpu.memory_space<hbm>>
      %dma_wait3A_181 = arith.constant 0 : i32
      %dma_wait3A_182 = arith.constant 0 : i32
      %dma_wait3A_183 = tpu.memref_slice %arg6[%dma_wait3A_174, %dma_wait3A_181, %dma_wait3A_182] : memref<4x128x128xf32, #tpu.memory_space<vmem>> -> memref<1x128x128xf32, #tpu.memory_space<vmem>>
      %dma_wait3A_184 = tpu.memref_squeeze %dma_wait3A_183 : memref<1x128x128xf32, #tpu.memory_space<vmem>> -> memref<128x128xf32, #tpu.memory_space<vmem>>
      %dma_wait3A_185 = arith.constant 0 : i32
      %dma_wait3A_186 = tpu.memref_slice %arg2[%add3A_173, %dma_wait3A_185] : memref<262144x128xf32, #tpu.memory_space<hbm>> -> memref<128x128xf32, #tpu.memory_space<hbm>>
      tpu.wait_dma2 semaphore(%arg8 : memref<!tpu.dma_semaphore, #tpu.memory_space<semaphore_mem>>) src(%dma_wait3A_186 : memref<128x128xf32, #tpu.memory_space<hbm>>) dst(%dma_wait3A_184 : memref<128x128xf32, #tpu.memory_space<vmem>>)
      %mul3A_187 = arith.constant 8192 : i32
      %mul3A_188 = arith.muli %add3A, %mul3A_187 : i32
      %mul3A_189 = arith.constant 2 : i32
      %mul3A_190 = arith.muli %add3A_164, %mul3A_189 : i32
      %add3A_191 = arith.constant 1 : i32
      %add3A_192 = arith.addi %mul3A_190, %add3A_191 : i32
      %mul3A_193 = arith.constant 128 : i32
      %mul3A_194 = arith.muli %add3A_192, %mul3A_193 : i32
      %add3A_195 = arith.addi %mul3A_188, %mul3A_194 : i32
      %dma_wait3A_196 = arith.constant 3 : i32
      %dma_wait3A_197 = arith.constant 0 : i32
      %dma_wait3A_198 = arith.constant 0 : i32
      %dma_wait3A_199 = tpu.memref_slice %arg6[%dma_wait3A_196, %dma_wait3A_197, %dma_wait3A_198] : memref<4x128x128xf32, #tpu.memory_space<vmem>> -> memref<1x128x128xf32, #tpu.memory_space<vmem>>
      %dma_wait3A_200 = tpu.memref_squeeze %dma_wait3A_199 : memref<1x128x128xf32, #tpu.memory_space<vmem>> -> memref<128x128xf32, #tpu.memory_space<vmem>>
      %dma_wait3A_201 = arith.constant 0 : i32
      %dma_wait3A_202 = tpu.memref_slice %arg2[%add3A_195, %dma_wait3A_201] : memref<262144x128xf32, #tpu.memory_space<hbm>> -> memref<128x128xf32, #tpu.memory_space<hbm>>
      %dma_wait3A_203 = arith.constant 0 : i32
      %dma_wait3A_204 = arith.constant 0 : i32
      %dma_wait3A_205 = tpu.memref_slice %arg6[%dma_wait3A_196, %dma_wait3A_203, %dma_wait3A_204] : memref<4x128x128xf32, #tpu.memory_space<vmem>> -> memref<1x128x128xf32, #tpu.memory_space<vmem>>
      %dma_wait3A_206 = tpu.memref_squeeze %dma_wait3A_205 : memref<1x128x128xf32, #tpu.memory_space<vmem>> -> memref<128x128xf32, #tpu.memory_space<vmem>>
      %dma_wait3A_207 = arith.constant 0 : i32
      %dma_wait3A_208 = tpu.memref_slice %arg2[%add3A_195, %dma_wait3A_207] : memref<262144x128xf32, #tpu.memory_space<hbm>> -> memref<128x128xf32, #tpu.memory_space<hbm>>
      tpu.wait_dma2 semaphore(%arg8 : memref<!tpu.dma_semaphore, #tpu.memory_space<semaphore_mem>>) src(%dma_wait3A_208 : memref<128x128xf32, #tpu.memory_space<hbm>>) dst(%dma_wait3A_206 : memref<128x128xf32, #tpu.memory_space<vmem>>)
      %add3A_209 = arith.constant 1 : i32
      %add3A_210 = arith.addi %mul3A_43, %add3A_209 : i32
      %mul3A_211 = arith.constant 2 : i32
      %mul3A_212 = arith.muli %add3A_210, %mul3A_211 : i32
      %add3A_213 = arith.constant 0 : i32
      %add3A_214 = arith.addi %mul3A_212, %add3A_213 : i32
      %dma_start3A_215 = arith.constant 2 : i32
      %dma_start3A_216 = arith.constant 0 : i32
      %dma_start3A_217 = arith.constant 0 : i32
      %dma_start3A_218 = tpu.memref_slice %arg6[%dma_start3A_215, %dma_start3A_216, %dma_start3A_217] : memref<4x128x128xf32, #tpu.memory_space<vmem>> -> memref<1x128x128xf32, #tpu.memory_space<vmem>>
      %dma_start3A_219 = tpu.memref_squeeze %dma_start3A_218 : memref<1x128x128xf32, #tpu.memory_space<vmem>> -> memref<128x128xf32, #tpu.memory_space<vmem>>
      %dma_start3A_220 = arith.constant 0 : i32
      %dma_start3A_221 = tpu.memref_slice %arg5[%add3A_214, %dma_start3A_220] : memref<64x128xi32, #tpu.memory_space<vmem>> -> memref<1x128xi32, #tpu.memory_space<vmem>>
      %dma_start3A_222 = tpu.memref_squeeze %dma_start3A_221 : memref<1x128xi32, #tpu.memory_space<vmem>> -> memref<128xi32, #tpu.memory_space<vmem>>
      %dma_start3A_223 = arith.constant 0 : i32
      %dma_start3A_224 = arith.constant 0 : i32
      %dma_start3A_225 = tpu.memref_slice %arg4[%dma_start3A_223, %dma_start3A_224] : memref<262144x128xf32, #tpu.memory_space<hbm>> -> memref<262144x128xf32, #tpu.memory_space<hbm>>
      tpu.enqueue_indirect_dma source(%dma_start3A_219 : memref<128x128xf32, #tpu.memory_space<vmem>>) target(%dma_start3A_225 : memref<262144x128xf32, #tpu.memory_space<hbm>>) offsets(%dma_start3A_222 : memref<128xi32, #tpu.memory_space<vmem>>) semaphore(%arg10 : memref<!tpu.dma_semaphore, #tpu.memory_space<semaphore_mem>>)
      %mul3A_226 = arith.constant 2 : i32
      %mul3A_227 = arith.muli %add3A_210, %mul3A_226 : i32
      %add3A_228 = arith.constant 1 : i32
      %add3A_229 = arith.addi %mul3A_227, %add3A_228 : i32
      %dma_start3A_230 = arith.constant 3 : i32
      %dma_start3A_231 = arith.constant 0 : i32
      %dma_start3A_232 = arith.constant 0 : i32
      %dma_start3A_233 = tpu.memref_slice %arg6[%dma_start3A_230, %dma_start3A_231, %dma_start3A_232] : memref<4x128x128xf32, #tpu.memory_space<vmem>> -> memref<1x128x128xf32, #tpu.memory_space<vmem>>
      %dma_start3A_234 = tpu.memref_squeeze %dma_start3A_233 : memref<1x128x128xf32, #tpu.memory_space<vmem>> -> memref<128x128xf32, #tpu.memory_space<vmem>>
      %dma_start3A_235 = arith.constant 0 : i32
      %dma_start3A_236 = tpu.memref_slice %arg5[%add3A_229, %dma_start3A_235] : memref<64x128xi32, #tpu.memory_space<vmem>> -> memref<1x128xi32, #tpu.memory_space<vmem>>
      %dma_start3A_237 = tpu.memref_squeeze %dma_start3A_236 : memref<1x128xi32, #tpu.memory_space<vmem>> -> memref<128xi32, #tpu.memory_space<vmem>>
      %dma_start3A_238 = arith.constant 0 : i32
      %dma_start3A_239 = arith.constant 0 : i32
      %dma_start3A_240 = tpu.memref_slice %arg4[%dma_start3A_238, %dma_start3A_239] : memref<262144x128xf32, #tpu.memory_space<hbm>> -> memref<262144x128xf32, #tpu.memory_space<hbm>>
      tpu.enqueue_indirect_dma source(%dma_start3A_234 : memref<128x128xf32, #tpu.memory_space<vmem>>) target(%dma_start3A_240 : memref<262144x128xf32, #tpu.memory_space<hbm>>) offsets(%dma_start3A_237 : memref<128xi32, #tpu.memory_space<vmem>>) semaphore(%arg10 : memref<!tpu.dma_semaphore, #tpu.memory_space<semaphore_mem>>)
      %mul3A_241 = arith.constant 2 : i32
      %mul3A_242 = arith.muli %mul3A_43, %mul3A_241 : i32
      %add3A_243 = arith.constant 0 : i32
      %add3A_244 = arith.addi %mul3A_242, %add3A_243 : i32
      %dma_wait3A_245 = arith.constant 0 : i32
      %dma_wait3A_246 = arith.constant 0 : i32
      %dma_wait3A_247 = arith.constant 0 : i32
      %dma_wait3A_248 = tpu.memref_slice %arg6[%dma_wait3A_245, %dma_wait3A_246, %dma_wait3A_247] : memref<4x128x128xf32, #tpu.memory_space<vmem>> -> memref<1x128x128xf32, #tpu.memory_space<vmem>>
      %dma_wait3A_249 = tpu.memref_squeeze %dma_wait3A_248 : memref<1x128x128xf32, #tpu.memory_space<vmem>> -> memref<128x128xf32, #tpu.memory_space<vmem>>
      %dma_wait3A_250 = arith.constant 0 : i32
      %dma_wait3A_251 = tpu.memref_slice %arg5[%add3A_244, %dma_wait3A_250] : memref<64x128xi32, #tpu.memory_space<vmem>> -> memref<1x128xi32, #tpu.memory_space<vmem>>
      %dma_wait3A_252 = tpu.memref_squeeze %dma_wait3A_251 : memref<1x128xi32, #tpu.memory_space<vmem>> -> memref<128xi32, #tpu.memory_space<vmem>>
      %dma_wait3A_253 = arith.constant 0 : i32
      %dma_wait3A_254 = arith.constant 0 : i32
      %dma_wait3A_255 = tpu.memref_slice %arg4[%dma_wait3A_253, %dma_wait3A_254] : memref<262144x128xf32, #tpu.memory_space<hbm>> -> memref<262144x128xf32, #tpu.memory_space<hbm>>
      tpu.wait_indirect_dma semaphore(%arg9 : memref<!tpu.dma_semaphore, #tpu.memory_space<semaphore_mem>>) src(%dma_wait3A_249 : memref<128x128xf32, #tpu.memory_space<vmem>>) dst(%dma_wait3A_255 : memref<262144x128xf32, #tpu.memory_space<hbm>>)
      %mul3A_256 = arith.constant 2 : i32
      %mul3A_257 = arith.muli %mul3A_43, %mul3A_256 : i32
      %add3A_258 = arith.constant 1 : i32
      %add3A_259 = arith.addi %mul3A_257, %add3A_258 : i32
      %dma_wait3A_260 = arith.constant 1 : i32
      %dma_wait3A_261 = arith.constant 0 : i32
      %dma_wait3A_262 = arith.constant 0 : i32
      %dma_wait3A_263 = tpu.memref_slice %arg6[%dma_wait3A_260, %dma_wait3A_261, %dma_wait3A_262] : memref<4x128x128xf32, #tpu.memory_space<vmem>> -> memref<1x128x128xf32, #tpu.memory_space<vmem>>
      %dma_wait3A_264 = tpu.memref_squeeze %dma_wait3A_263 : memref<1x128x128xf32, #tpu.memory_space<vmem>> -> memref<128x128xf32, #tpu.memory_space<vmem>>
      %dma_wait3A_265 = arith.constant 0 : i32
      %dma_wait3A_266 = tpu.memref_slice %arg5[%add3A_259, %dma_wait3A_265] : memref<64x128xi32, #tpu.memory_space<vmem>> -> memref<1x128xi32, #tpu.memory_space<vmem>>
      %dma_wait3A_267 = tpu.memref_squeeze %dma_wait3A_266 : memref<1x128xi32, #tpu.memory_space<vmem>> -> memref<128xi32, #tpu.memory_space<vmem>>
      %dma_wait3A_268 = arith.constant 0 : i32
      %dma_wait3A_269 = arith.constant 0 : i32
      %dma_wait3A_270 = tpu.memref_slice %arg4[%dma_wait3A_268, %dma_wait3A_269] : memref<262144x128xf32, #tpu.memory_space<hbm>> -> memref<262144x128xf32, #tpu.memory_space<hbm>>
      tpu.wait_indirect_dma semaphore(%arg9 : memref<!tpu.dma_semaphore, #tpu.memory_space<semaphore_mem>>) src(%dma_wait3A_264 : memref<128x128xf32, #tpu.memory_space<vmem>>) dst(%dma_wait3A_270 : memref<262144x128xf32, #tpu.memory_space<hbm>>)
      %lt3A = arith.constant 15 : i32
      %lt3A_271 = arith.cmpi slt, %scan3A_41, %lt3A : i32
      %convert_element_type3A = arith.extui %lt3A_271 : i1 to i32
      %cond3A = arith.constant 0 : i32
      %cond3A_272 = arith.cmpi ne, %convert_element_type3A, %cond3A : i32
      scf.if %cond3A_272 {
        %add3A_305 = arith.constant 2 : i32
        %add3A_306 = arith.addi %mul3A_43, %add3A_305 : i32
        %mul3A_307 = arith.constant 8192 : i32
        %mul3A_308 = arith.muli %add3A, %mul3A_307 : i32
        %mul3A_309 = arith.constant 2 : i32
        %mul3A_310 = arith.muli %add3A_306, %mul3A_309 : i32
        %add3A_311 = arith.constant 0 : i32
        %add3A_312 = arith.addi %mul3A_310, %add3A_311 : i32
        %mul3A_313 = arith.constant 128 : i32
        %mul3A_314 = arith.muli %add3A_312, %mul3A_313 : i32
        %add3A_315 = arith.addi %mul3A_308, %mul3A_314 : i32
        %dma_start3A_316 = arith.constant 0 : i32
        %dma_start3A_317 = arith.constant 0 : i32
        %dma_start3A_318 = arith.constant 0 : i32
        %dma_start3A_319 = tpu.memref_slice %arg6[%dma_start3A_316, %dma_start3A_317, %dma_start3A_318] : memref<4x128x128xf32, #tpu.memory_space<vmem>> -> memref<1x128x128xf32, #tpu.memory_space<vmem>>
        %dma_start3A_320 = tpu.memref_squeeze %dma_start3A_319 : memref<1x128x128xf32, #tpu.memory_space<vmem>> -> memref<128x128xf32, #tpu.memory_space<vmem>>
        %dma_start3A_321 = arith.constant 0 : i32
        %dma_start3A_322 = tpu.memref_slice %arg2[%add3A_315, %dma_start3A_321] : memref<262144x128xf32, #tpu.memory_space<hbm>> -> memref<128x128xf32, #tpu.memory_space<hbm>>
        %dma_start3A_323 = arith.constant 0 : i32
        %dma_start3A_324 = arith.constant 0 : i32
        %dma_start3A_325 = tpu.memref_slice %arg6[%dma_start3A_316, %dma_start3A_323, %dma_start3A_324] : memref<4x128x128xf32, #tpu.memory_space<vmem>> -> memref<1x128x128xf32, #tpu.memory_space<vmem>>
        %dma_start3A_326 = tpu.memref_squeeze %dma_start3A_325 : memref<1x128x128xf32, #tpu.memory_space<vmem>> -> memref<128x128xf32, #tpu.memory_space<vmem>>
        %dma_start3A_327 = arith.constant 0 : i32
        %dma_start3A_328 = tpu.memref_slice %arg2[%add3A_315, %dma_start3A_327] : memref<262144x128xf32, #tpu.memory_space<hbm>> -> memref<128x128xf32, #tpu.memory_space<hbm>>
        tpu.enqueue_dma source(%dma_start3A_328 : memref<128x128xf32, #tpu.memory_space<hbm>>) target(%dma_start3A_326 : memref<128x128xf32, #tpu.memory_space<vmem>>) target_semaphore(%arg7 : memref<!tpu.dma_semaphore, #tpu.memory_space<semaphore_mem>>)
        %mul3A_329 = arith.constant 8192 : i32
        %mul3A_330 = arith.muli %add3A, %mul3A_329 : i32
        %mul3A_331 = arith.constant 2 : i32
        %mul3A_332 = arith.muli %add3A_306, %mul3A_331 : i32
        %add3A_333 = arith.constant 1 : i32
        %add3A_334 = arith.addi %mul3A_332, %add3A_333 : i32
        %mul3A_335 = arith.constant 128 : i32
        %mul3A_336 = arith.muli %add3A_334, %mul3A_335 : i32
        %add3A_337 = arith.addi %mul3A_330, %mul3A_336 : i32
        %dma_start3A_338 = arith.constant 1 : i32
        %dma_start3A_339 = arith.constant 0 : i32
        %dma_start3A_340 = arith.constant 0 : i32
        %dma_start3A_341 = tpu.memref_slice %arg6[%dma_start3A_338, %dma_start3A_339, %dma_start3A_340] : memref<4x128x128xf32, #tpu.memory_space<vmem>> -> memref<1x128x128xf32, #tpu.memory_space<vmem>>
        %dma_start3A_342 = tpu.memref_squeeze %dma_start3A_341 : memref<1x128x128xf32, #tpu.memory_space<vmem>> -> memref<128x128xf32, #tpu.memory_space<vmem>>
        %dma_start3A_343 = arith.constant 0 : i32
        %dma_start3A_344 = tpu.memref_slice %arg2[%add3A_337, %dma_start3A_343] : memref<262144x128xf32, #tpu.memory_space<hbm>> -> memref<128x128xf32, #tpu.memory_space<hbm>>
        %dma_start3A_345 = arith.constant 0 : i32
        %dma_start3A_346 = arith.constant 0 : i32
        %dma_start3A_347 = tpu.memref_slice %arg6[%dma_start3A_338, %dma_start3A_345, %dma_start3A_346] : memref<4x128x128xf32, #tpu.memory_space<vmem>> -> memref<1x128x128xf32, #tpu.memory_space<vmem>>
        %dma_start3A_348 = tpu.memref_squeeze %dma_start3A_347 : memref<1x128x128xf32, #tpu.memory_space<vmem>> -> memref<128x128xf32, #tpu.memory_space<vmem>>
        %dma_start3A_349 = arith.constant 0 : i32
        %dma_start3A_350 = tpu.memref_slice %arg2[%add3A_337, %dma_start3A_349] : memref<262144x128xf32, #tpu.memory_space<hbm>> -> memref<128x128xf32, #tpu.memory_space<hbm>>
        tpu.enqueue_dma source(%dma_start3A_350 : memref<128x128xf32, #tpu.memory_space<hbm>>) target(%dma_start3A_348 : memref<128x128xf32, #tpu.memory_space<vmem>>) target_semaphore(%arg7 : memref<!tpu.dma_semaphore, #tpu.memory_space<semaphore_mem>>)
      } else {
      }
      %add3A_273 = arith.constant 1 : i32
      %add3A_274 = arith.addi %mul3A_43, %add3A_273 : i32
      %mul3A_275 = arith.constant 2 : i32
      %mul3A_276 = arith.muli %add3A_274, %mul3A_275 : i32
      %add3A_277 = arith.constant 0 : i32
      %add3A_278 = arith.addi %mul3A_276, %add3A_277 : i32
      %dma_wait3A_279 = arith.constant 2 : i32
      %dma_wait3A_280 = arith.constant 0 : i32
      %dma_wait3A_281 = arith.constant 0 : i32
      %dma_wait3A_282 = tpu.memref_slice %arg6[%dma_wait3A_279, %dma_wait3A_280, %dma_wait3A_281] : memref<4x128x128xf32, #tpu.memory_space<vmem>> -> memref<1x128x128xf32, #tpu.memory_space<vmem>>
      %dma_wait3A_283 = tpu.memref_squeeze %dma_wait3A_282 : memref<1x128x128xf32, #tpu.memory_space<vmem>> -> memref<128x128xf32, #tpu.memory_space<vmem>>
      %dma_wait3A_284 = arith.constant 0 : i32
      %dma_wait3A_285 = tpu.memref_slice %arg5[%add3A_278, %dma_wait3A_284] : memref<64x128xi32, #tpu.memory_space<vmem>> -> memref<1x128xi32, #tpu.memory_space<vmem>>
      %dma_wait3A_286 = tpu.memref_squeeze %dma_wait3A_285 : memref<1x128xi32, #tpu.memory_space<vmem>> -> memref<128xi32, #tpu.memory_space<vmem>>
      %dma_wait3A_287 = arith.constant 0 : i32
      %dma_wait3A_288 = arith.constant 0 : i32
      %dma_wait3A_289 = tpu.memref_slice %arg4[%dma_wait3A_287, %dma_wait3A_288] : memref<262144x128xf32, #tpu.memory_space<hbm>> -> memref<262144x128xf32, #tpu.memory_space<hbm>>
      tpu.wait_indirect_dma semaphore(%arg10 : memref<!tpu.dma_semaphore, #tpu.memory_space<semaphore_mem>>) src(%dma_wait3A_283 : memref<128x128xf32, #tpu.memory_space<vmem>>) dst(%dma_wait3A_289 : memref<262144x128xf32, #tpu.memory_space<hbm>>)
      %mul3A_290 = arith.constant 2 : i32
      %mul3A_291 = arith.muli %add3A_274, %mul3A_290 : i32
      %add3A_292 = arith.constant 1 : i32
      %add3A_293 = arith.addi %mul3A_291, %add3A_292 : i32
      %dma_wait3A_294 = arith.constant 3 : i32
      %dma_wait3A_295 = arith.constant 0 : i32
      %dma_wait3A_296 = arith.constant 0 : i32
      %dma_wait3A_297 = tpu.memref_slice %arg6[%dma_wait3A_294, %dma_wait3A_295, %dma_wait3A_296] : memref<4x128x128xf32, #tpu.memory_space<vmem>> -> memref<1x128x128xf32, #tpu.memory_space<vmem>>
      %dma_wait3A_298 = tpu.memref_squeeze %dma_wait3A_297 : memref<1x128x128xf32, #tpu.memory_space<vmem>> -> memref<128x128xf32, #tpu.memory_space<vmem>>
      %dma_wait3A_299 = arith.constant 0 : i32
      %dma_wait3A_300 = tpu.memref_slice %arg5[%add3A_293, %dma_wait3A_299] : memref<64x128xi32, #tpu.memory_space<vmem>> -> memref<1x128xi32, #tpu.memory_space<vmem>>
      %dma_wait3A_301 = tpu.memref_squeeze %dma_wait3A_300 : memref<1x128xi32, #tpu.memory_space<vmem>> -> memref<128xi32, #tpu.memory_space<vmem>>
      %dma_wait3A_302 = arith.constant 0 : i32
      %dma_wait3A_303 = arith.constant 0 : i32
      %dma_wait3A_304 = tpu.memref_slice %arg4[%dma_wait3A_302, %dma_wait3A_303] : memref<262144x128xf32, #tpu.memory_space<hbm>> -> memref<262144x128xf32, #tpu.memory_space<hbm>>
      tpu.wait_indirect_dma semaphore(%arg10 : memref<!tpu.dma_semaphore, #tpu.memory_space<semaphore_mem>>) src(%dma_wait3A_298 : memref<128x128xf32, #tpu.memory_space<vmem>>) dst(%dma_wait3A_304 : memref<262144x128xf32, #tpu.memory_space<hbm>>)
    }
    %scan3A_40 = arith.constant 16 : i32
    return
  }
}

module attributes {stable_mosaic.version = 14 : i64} {
  func.func @_k2_body(%arg0: i32, %arg1: i32, %arg2: memref<1x2048x128xf32, #tpu.memory_space<vmem>>, %arg3: memref<1x32x16xf32, #tpu.memory_space<vmem>>, %arg4: memref<16x128xi32, #tpu.memory_space<vmem>>) attributes {dimension_semantics = [#tpu.dimension_semantics<arbitrary>, #tpu.dimension_semantics<arbitrary>], iteration_bounds = array<i64: 4, 32>, scalar_prefetch = 0 : i64, scratch_operands = 0 : i64, tpu.core_type = #tpu.core_type<tc>, window_params = [{transform_indices = @transform_0, window_bounds = array<i64: 1, 2048, 128>}, {transform_indices = @transform_1, window_bounds = array<i64: 1, 32, 16>}, {transform_indices = @transform_2, window_bounds = array<i64: 16, 128>}]} {
    %get3A = arith.constant 0 : index
    %get3A_0 = arith.constant 0 : index
    %get3A_1 = arith.constant 0 : index
    %get3A_2 = vector.load %arg2[%get3A, %get3A_0, %get3A_1] : memref<1x2048x128xf32, #tpu.memory_space<vmem>>, vector<1x2048x32xf32>
    %get3A_3 = vector.shape_cast %get3A_2 : vector<1x2048x32xf32> to vector<2048x32xf32>
    %get3A_4 = arith.constant 0 : index
    %get3A_5 = arith.constant 0 : index
    %get3A_6 = arith.constant 0 : index
    %get3A_7 = vector.load %arg3[%get3A_4, %get3A_5, %get3A_6] : memref<1x32x16xf32, #tpu.memory_space<vmem>>, vector<1x32x16xf32>
    %get3A_8 = vector.shape_cast %get3A_7 : vector<1x32x16xf32> to vector<32x16xf32>
    %dot_general3A = arith.constant dense<0.000000e+00> : vector<2048x16xf32>
    %dot_general3A_9 = tpu.matmul %get3A_3, %get3A_8, %dot_general3A {dimension_numbers = #tpu.dot_dimension_numbers<[1], [0], [0], [1], [0, 0, 1, 1], [], []>, transpose_lhs_hint = false} : vector<2048x32xf32>, vector<32x16xf32>, vector<2048x16xf32> -> vector<2048x16xf32>
    %iota3A = tpu.iota {dimensions = array<i32: 1>} : vector<2048x16xi32>
    %convert_element_type3A = arith.sitofp %iota3A : vector<2048x16xi32> to vector<2048x16xf32>
    %reduce_max3A = arith.constant dense<0xFF800000> : vector<2048xf32>
    %reduce_max3A_10 = vector.multi_reduction <maximumf>, %dot_general3A_9, %reduce_max3A [1] : vector<2048x16xf32> to vector<2048xf32>
    %broadcast_in_dim3A = vector.shape_cast %reduce_max3A_10 : vector<2048xf32> to vector<2048x1xf32>
    %reduce_min3A = arith.constant dense<0x7F800000> : vector<2048xf32>
    %reduce_min3A_11 = vector.multi_reduction <minimumf>, %dot_general3A_9, %reduce_min3A [1] : vector<2048x16xf32> to vector<2048xf32>
    %broadcast_in_dim3A_12 = vector.shape_cast %reduce_min3A_11 : vector<2048xf32> to vector<2048x1xf32>
    %eq3A = vector.broadcast %broadcast_in_dim3A : vector<2048x1xf32> to vector<2048x16xf32>
    %eq3A_13 = arith.cmpf oeq, %dot_general3A_9, %eq3A : vector<2048x16xf32>
    %jit3A = arith.constant 3.200000e+01 : f32
    %broadcast_in_dim3A_14 = vector.broadcast %jit3A : f32 to vector<2048x16xf32>
    %select_n3A = arith.select %eq3A_13, %convert_element_type3A, %broadcast_in_dim3A_14 : vector<2048x16xi1>, vector<2048x16xf32>
    %reduce_min3A_15 = arith.constant dense<0x7F800000> : vector<2048xf32>
    %reduce_min3A_16 = vector.multi_reduction <minimumf>, %select_n3A, %reduce_min3A_15 [1] : vector<2048x16xf32> to vector<2048xf32>
    %broadcast_in_dim3A_17 = vector.shape_cast %reduce_min3A_16 : vector<2048xf32> to vector<2048x1xf32>
    %eq3A_18 = vector.broadcast %broadcast_in_dim3A_12 : vector<2048x1xf32> to vector<2048x16xf32>
    %eq3A_19 = arith.cmpf oeq, %dot_general3A_9, %eq3A_18 : vector<2048x16xf32>
    %jit3A_20 = arith.constant 3.200000e+01 : f32
    %broadcast_in_dim3A_21 = vector.broadcast %jit3A_20 : f32 to vector<2048x16xf32>
    %select_n3A_22 = arith.select %eq3A_19, %convert_element_type3A, %broadcast_in_dim3A_21 : vector<2048x16xi1>, vector<2048x16xf32>
    %reduce_min3A_23 = arith.constant dense<0x7F800000> : vector<2048xf32>
    %reduce_min3A_24 = vector.multi_reduction <minimumf>, %select_n3A_22, %reduce_min3A_23 [1] : vector<2048x16xf32> to vector<2048xf32>
    %broadcast_in_dim3A_25 = vector.shape_cast %reduce_min3A_24 : vector<2048xf32> to vector<2048x1xf32>
    %neg3A = arith.constant 0.000000e+00 : f32
    %neg3A_26 = vector.broadcast %neg3A : f32 to vector<2048x1xf32>
    %neg3A_27 = arith.subf %neg3A_26, %broadcast_in_dim3A_12 : vector<2048x1xf32>
    %ge3A = arith.cmpf oge, %broadcast_in_dim3A, %neg3A_27 : vector<2048x1xf32>
    %add3A = arith.constant 1.600000e+01 : f32
    %add3A_28 = vector.broadcast %add3A : f32 to vector<2048x1xf32>
    %add3A_29 = arith.addf %broadcast_in_dim3A_25, %add3A_28 : vector<2048x1xf32>
    %select_n3A_30 = arith.select %ge3A, %broadcast_in_dim3A_17, %add3A_29 : vector<2048x1xi1>, vector<2048x1xf32>
    %iota3A_31 = tpu.iota {dimensions = array<i32: 1>} : vector<2048x32xi32>
    %convert_element_type3A_32 = arith.sitofp %iota3A_31 : vector<2048x32xi32> to vector<2048x32xf32>
    %eq3A_33 = vector.broadcast %select_n3A_30 : vector<2048x1xf32> to vector<2048x32xf32>
    %eq3A_34 = arith.cmpf oeq, %eq3A_33, %convert_element_type3A_32 : vector<2048x32xf32>
    %convert_element_type3A_35 = arith.extui %eq3A_34 : vector<2048x32xi1> to vector<2048x32xi32>
    %convert_element_type3A_36 = arith.sitofp %convert_element_type3A_35 : vector<2048x32xi32> to vector<2048x32xf32>
    %iota3A_37 = tpu.iota {dimensions = array<i32: 0>} : vector<128x128xi32>
    %iota3A_38 = tpu.iota {dimensions = array<i32: 1>} : vector<128x128xi32>
    %lt3A = arith.cmpi slt, %iota3A_38, %iota3A_37 : vector<128x128xi32>
    %convert_element_type3A_39 = arith.extui %lt3A : vector<128x128xi1> to vector<128x128xi32>
    %convert_element_type3A_40 = arith.sitofp %convert_element_type3A_39 : vector<128x128xi32> to vector<128x128xf32>
    %broadcast_in_dim3A_41 = arith.constant 0.000000e+00 : f32
    %broadcast_in_dim3A_42 = vector.broadcast %broadcast_in_dim3A_41 : f32 to vector<1x32xf32>
    %slice3A = vector.extract_strided_slice %convert_element_type3A_36 {offsets = [0, 0], sizes = [128, 32], strides = [1, 1]} : vector<2048x32xf32> to vector<128x32xf32>
    %dot_general3A_43 = arith.constant dense<0.000000e+00> : vector<128x32xf32>
    %dot_general3A_44 = tpu.matmul %convert_element_type3A_40, %slice3A, %dot_general3A_43 {dimension_numbers = #tpu.dot_dimension_numbers<[1], [0], [0], [1], [0, 0, 1, 1], [], []>, transpose_lhs_hint = false} : vector<128x128xf32>, vector<128x32xf32>, vector<128x32xf32> -> vector<128x32xf32>
    %add3A_45 = vector.broadcast %broadcast_in_dim3A_42 : vector<1x32xf32> to vector<128x32xf32>
    %add3A_46 = arith.addf %dot_general3A_44, %add3A_45 : vector<128x32xf32>
    %reduce_sum3A = arith.constant dense<0.000000e+00> : vector<32xf32>
    %reduce_sum3A_47 = vector.multi_reduction <add>, %slice3A, %reduce_sum3A [0] : vector<128x32xf32> to vector<32xf32>
    %broadcast_in_dim3A_48 = vector.shape_cast %reduce_sum3A_47 : vector<32xf32> to vector<1x32xf32>
    %add3A_49 = arith.addf %broadcast_in_dim3A_42, %broadcast_in_dim3A_48 : vector<1x32xf32>
    %slice3A_50 = vector.extract_strided_slice %convert_element_type3A_36 {offsets = [128, 0], sizes = [128, 32], strides = [1, 1]} : vector<2048x32xf32> to vector<128x32xf32>
    %dot_general3A_51 = arith.constant dense<0.000000e+00> : vector<128x32xf32>
    %dot_general3A_52 = tpu.matmul %convert_element_type3A_40, %slice3A_50, %dot_general3A_51 {dimension_numbers = #tpu.dot_dimension_numbers<[1], [0], [0], [1], [0, 0, 1, 1], [], []>, transpose_lhs_hint = false} : vector<128x128xf32>, vector<128x32xf32>, vector<128x32xf32> -> vector<128x32xf32>
    %add3A_53 = vector.broadcast %add3A_49 : vector<1x32xf32> to vector<128x32xf32>
    %add3A_54 = arith.addf %dot_general3A_52, %add3A_53 : vector<128x32xf32>
    %reduce_sum3A_55 = arith.constant dense<0.000000e+00> : vector<32xf32>
    %reduce_sum3A_56 = vector.multi_reduction <add>, %slice3A_50, %reduce_sum3A_55 [0] : vector<128x32xf32> to vector<32xf32>
    %broadcast_in_dim3A_57 = vector.shape_cast %reduce_sum3A_56 : vector<32xf32> to vector<1x32xf32>
    %add3A_58 = arith.addf %add3A_49, %broadcast_in_dim3A_57 : vector<1x32xf32>
    %slice3A_59 = vector.extract_strided_slice %convert_element_type3A_36 {offsets = [256, 0], sizes = [128, 32], strides = [1, 1]} : vector<2048x32xf32> to vector<128x32xf32>
    %dot_general3A_60 = arith.constant dense<0.000000e+00> : vector<128x32xf32>
    %dot_general3A_61 = tpu.matmul %convert_element_type3A_40, %slice3A_59, %dot_general3A_60 {dimension_numbers = #tpu.dot_dimension_numbers<[1], [0], [0], [1], [0, 0, 1, 1], [], []>, transpose_lhs_hint = false} : vector<128x128xf32>, vector<128x32xf32>, vector<128x32xf32> -> vector<128x32xf32>
    %add3A_62 = vector.broadcast %add3A_58 : vector<1x32xf32> to vector<128x32xf32>
    %add3A_63 = arith.addf %dot_general3A_61, %add3A_62 : vector<128x32xf32>
    %reduce_sum3A_64 = arith.constant dense<0.000000e+00> : vector<32xf32>
    %reduce_sum3A_65 = vector.multi_reduction <add>, %slice3A_59, %reduce_sum3A_64 [0] : vector<128x32xf32> to vector<32xf32>
    %broadcast_in_dim3A_66 = vector.shape_cast %reduce_sum3A_65 : vector<32xf32> to vector<1x32xf32>
    %add3A_67 = arith.addf %add3A_58, %broadcast_in_dim3A_66 : vector<1x32xf32>
    %slice3A_68 = vector.extract_strided_slice %convert_element_type3A_36 {offsets = [384, 0], sizes = [128, 32], strides = [1, 1]} : vector<2048x32xf32> to vector<128x32xf32>
    %dot_general3A_69 = arith.constant dense<0.000000e+00> : vector<128x32xf32>
    %dot_general3A_70 = tpu.matmul %convert_element_type3A_40, %slice3A_68, %dot_general3A_69 {dimension_numbers = #tpu.dot_dimension_numbers<[1], [0], [0], [1], [0, 0, 1, 1], [], []>, transpose_lhs_hint = false} : vector<128x128xf32>, vector<128x32xf32>, vector<128x32xf32> -> vector<128x32xf32>
    %add3A_71 = vector.broadcast %add3A_67 : vector<1x32xf32> to vector<128x32xf32>
    %add3A_72 = arith.addf %dot_general3A_70, %add3A_71 : vector<128x32xf32>
    %reduce_sum3A_73 = arith.constant dense<0.000000e+00> : vector<32xf32>
    %reduce_sum3A_74 = vector.multi_reduction <add>, %slice3A_68, %reduce_sum3A_73 [0] : vector<128x32xf32> to vector<32xf32>
    %broadcast_in_dim3A_75 = vector.shape_cast %reduce_sum3A_74 : vector<32xf32> to vector<1x32xf32>
    %add3A_76 = arith.addf %add3A_67, %broadcast_in_dim3A_75 : vector<1x32xf32>
    %slice3A_77 = vector.extract_strided_slice %convert_element_type3A_36 {offsets = [512, 0], sizes = [128, 32], strides = [1, 1]} : vector<2048x32xf32> to vector<128x32xf32>
    %dot_general3A_78 = arith.constant dense<0.000000e+00> : vector<128x32xf32>
    %dot_general3A_79 = tpu.matmul %convert_element_type3A_40, %slice3A_77, %dot_general3A_78 {dimension_numbers = #tpu.dot_dimension_numbers<[1], [0], [0], [1], [0, 0, 1, 1], [], []>, transpose_lhs_hint = false} : vector<128x128xf32>, vector<128x32xf32>, vector<128x32xf32> -> vector<128x32xf32>
    %add3A_80 = vector.broadcast %add3A_76 : vector<1x32xf32> to vector<128x32xf32>
    %add3A_81 = arith.addf %dot_general3A_79, %add3A_80 : vector<128x32xf32>
    %reduce_sum3A_82 = arith.constant dense<0.000000e+00> : vector<32xf32>
    %reduce_sum3A_83 = vector.multi_reduction <add>, %slice3A_77, %reduce_sum3A_82 [0] : vector<128x32xf32> to vector<32xf32>
    %broadcast_in_dim3A_84 = vector.shape_cast %reduce_sum3A_83 : vector<32xf32> to vector<1x32xf32>
    %add3A_85 = arith.addf %add3A_76, %broadcast_in_dim3A_84 : vector<1x32xf32>
    %slice3A_86 = vector.extract_strided_slice %convert_element_type3A_36 {offsets = [640, 0], sizes = [128, 32], strides = [1, 1]} : vector<2048x32xf32> to vector<128x32xf32>
    %dot_general3A_87 = arith.constant dense<0.000000e+00> : vector<128x32xf32>
    %dot_general3A_88 = tpu.matmul %convert_element_type3A_40, %slice3A_86, %dot_general3A_87 {dimension_numbers = #tpu.dot_dimension_numbers<[1], [0], [0], [1], [0, 0, 1, 1], [], []>, transpose_lhs_hint = false} : vector<128x128xf32>, vector<128x32xf32>, vector<128x32xf32> -> vector<128x32xf32>
    %add3A_89 = vector.broadcast %add3A_85 : vector<1x32xf32> to vector<128x32xf32>
    %add3A_90 = arith.addf %dot_general3A_88, %add3A_89 : vector<128x32xf32>
    %reduce_sum3A_91 = arith.constant dense<0.000000e+00> : vector<32xf32>
    %reduce_sum3A_92 = vector.multi_reduction <add>, %slice3A_86, %reduce_sum3A_91 [0] : vector<128x32xf32> to vector<32xf32>
    %broadcast_in_dim3A_93 = vector.shape_cast %reduce_sum3A_92 : vector<32xf32> to vector<1x32xf32>
    %add3A_94 = arith.addf %add3A_85, %broadcast_in_dim3A_93 : vector<1x32xf32>
    %slice3A_95 = vector.extract_strided_slice %convert_element_type3A_36 {offsets = [768, 0], sizes = [128, 32], strides = [1, 1]} : vector<2048x32xf32> to vector<128x32xf32>
    %dot_general3A_96 = arith.constant dense<0.000000e+00> : vector<128x32xf32>
    %dot_general3A_97 = tpu.matmul %convert_element_type3A_40, %slice3A_95, %dot_general3A_96 {dimension_numbers = #tpu.dot_dimension_numbers<[1], [0], [0], [1], [0, 0, 1, 1], [], []>, transpose_lhs_hint = false} : vector<128x128xf32>, vector<128x32xf32>, vector<128x32xf32> -> vector<128x32xf32>
    %add3A_98 = vector.broadcast %add3A_94 : vector<1x32xf32> to vector<128x32xf32>
    %add3A_99 = arith.addf %dot_general3A_97, %add3A_98 : vector<128x32xf32>
    %reduce_sum3A_100 = arith.constant dense<0.000000e+00> : vector<32xf32>
    %reduce_sum3A_101 = vector.multi_reduction <add>, %slice3A_95, %reduce_sum3A_100 [0] : vector<128x32xf32> to vector<32xf32>
    %broadcast_in_dim3A_102 = vector.shape_cast %reduce_sum3A_101 : vector<32xf32> to vector<1x32xf32>
    %add3A_103 = arith.addf %add3A_94, %broadcast_in_dim3A_102 : vector<1x32xf32>
    %slice3A_104 = vector.extract_strided_slice %convert_element_type3A_36 {offsets = [896, 0], sizes = [128, 32], strides = [1, 1]} : vector<2048x32xf32> to vector<128x32xf32>
    %dot_general3A_105 = arith.constant dense<0.000000e+00> : vector<128x32xf32>
    %dot_general3A_106 = tpu.matmul %convert_element_type3A_40, %slice3A_104, %dot_general3A_105 {dimension_numbers = #tpu.dot_dimension_numbers<[1], [0], [0], [1], [0, 0, 1, 1], [], []>, transpose_lhs_hint = false} : vector<128x128xf32>, vector<128x32xf32>, vector<128x32xf32> -> vector<128x32xf32>
    %add3A_107 = vector.broadcast %add3A_103 : vector<1x32xf32> to vector<128x32xf32>
    %add3A_108 = arith.addf %dot_general3A_106, %add3A_107 : vector<128x32xf32>
    %reduce_sum3A_109 = arith.constant dense<0.000000e+00> : vector<32xf32>
    %reduce_sum3A_110 = vector.multi_reduction <add>, %slice3A_104, %reduce_sum3A_109 [0] : vector<128x32xf32> to vector<32xf32>
    %broadcast_in_dim3A_111 = vector.shape_cast %reduce_sum3A_110 : vector<32xf32> to vector<1x32xf32>
    %add3A_112 = arith.addf %add3A_103, %broadcast_in_dim3A_111 : vector<1x32xf32>
    %slice3A_113 = vector.extract_strided_slice %convert_element_type3A_36 {offsets = [1024, 0], sizes = [128, 32], strides = [1, 1]} : vector<2048x32xf32> to vector<128x32xf32>
    %dot_general3A_114 = arith.constant dense<0.000000e+00> : vector<128x32xf32>
    %dot_general3A_115 = tpu.matmul %convert_element_type3A_40, %slice3A_113, %dot_general3A_114 {dimension_numbers = #tpu.dot_dimension_numbers<[1], [0], [0], [1], [0, 0, 1, 1], [], []>, transpose_lhs_hint = false} : vector<128x128xf32>, vector<128x32xf32>, vector<128x32xf32> -> vector<128x32xf32>
    %add3A_116 = vector.broadcast %add3A_112 : vector<1x32xf32> to vector<128x32xf32>
    %add3A_117 = arith.addf %dot_general3A_115, %add3A_116 : vector<128x32xf32>
    %reduce_sum3A_118 = arith.constant dense<0.000000e+00> : vector<32xf32>
    %reduce_sum3A_119 = vector.multi_reduction <add>, %slice3A_113, %reduce_sum3A_118 [0] : vector<128x32xf32> to vector<32xf32>
    %broadcast_in_dim3A_120 = vector.shape_cast %reduce_sum3A_119 : vector<32xf32> to vector<1x32xf32>
    %add3A_121 = arith.addf %add3A_112, %broadcast_in_dim3A_120 : vector<1x32xf32>
    %slice3A_122 = vector.extract_strided_slice %convert_element_type3A_36 {offsets = [1152, 0], sizes = [128, 32], strides = [1, 1]} : vector<2048x32xf32> to vector<128x32xf32>
    %dot_general3A_123 = arith.constant dense<0.000000e+00> : vector<128x32xf32>
    %dot_general3A_124 = tpu.matmul %convert_element_type3A_40, %slice3A_122, %dot_general3A_123 {dimension_numbers = #tpu.dot_dimension_numbers<[1], [0], [0], [1], [0, 0, 1, 1], [], []>, transpose_lhs_hint = false} : vector<128x128xf32>, vector<128x32xf32>, vector<128x32xf32> -> vector<128x32xf32>
    %add3A_125 = vector.broadcast %add3A_121 : vector<1x32xf32> to vector<128x32xf32>
    %add3A_126 = arith.addf %dot_general3A_124, %add3A_125 : vector<128x32xf32>
    %reduce_sum3A_127 = arith.constant dense<0.000000e+00> : vector<32xf32>
    %reduce_sum3A_128 = vector.multi_reduction <add>, %slice3A_122, %reduce_sum3A_127 [0] : vector<128x32xf32> to vector<32xf32>
    %broadcast_in_dim3A_129 = vector.shape_cast %reduce_sum3A_128 : vector<32xf32> to vector<1x32xf32>
    %add3A_130 = arith.addf %add3A_121, %broadcast_in_dim3A_129 : vector<1x32xf32>
    %slice3A_131 = vector.extract_strided_slice %convert_element_type3A_36 {offsets = [1280, 0], sizes = [128, 32], strides = [1, 1]} : vector<2048x32xf32> to vector<128x32xf32>
    %dot_general3A_132 = arith.constant dense<0.000000e+00> : vector<128x32xf32>
    %dot_general3A_133 = tpu.matmul %convert_element_type3A_40, %slice3A_131, %dot_general3A_132 {dimension_numbers = #tpu.dot_dimension_numbers<[1], [0], [0], [1], [0, 0, 1, 1], [], []>, transpose_lhs_hint = false} : vector<128x128xf32>, vector<128x32xf32>, vector<128x32xf32> -> vector<128x32xf32>
    %add3A_134 = vector.broadcast %add3A_130 : vector<1x32xf32> to vector<128x32xf32>
    %add3A_135 = arith.addf %dot_general3A_133, %add3A_134 : vector<128x32xf32>
    %reduce_sum3A_136 = arith.constant dense<0.000000e+00> : vector<32xf32>
    %reduce_sum3A_137 = vector.multi_reduction <add>, %slice3A_131, %reduce_sum3A_136 [0] : vector<128x32xf32> to vector<32xf32>
    %broadcast_in_dim3A_138 = vector.shape_cast %reduce_sum3A_137 : vector<32xf32> to vector<1x32xf32>
    %add3A_139 = arith.addf %add3A_130, %broadcast_in_dim3A_138 : vector<1x32xf32>
    %slice3A_140 = vector.extract_strided_slice %convert_element_type3A_36 {offsets = [1408, 0], sizes = [128, 32], strides = [1, 1]} : vector<2048x32xf32> to vector<128x32xf32>
    %dot_general3A_141 = arith.constant dense<0.000000e+00> : vector<128x32xf32>
    %dot_general3A_142 = tpu.matmul %convert_element_type3A_40, %slice3A_140, %dot_general3A_141 {dimension_numbers = #tpu.dot_dimension_numbers<[1], [0], [0], [1], [0, 0, 1, 1], [], []>, transpose_lhs_hint = false} : vector<128x128xf32>, vector<128x32xf32>, vector<128x32xf32> -> vector<128x32xf32>
    %add3A_143 = vector.broadcast %add3A_139 : vector<1x32xf32> to vector<128x32xf32>
    %add3A_144 = arith.addf %dot_general3A_142, %add3A_143 : vector<128x32xf32>
    %reduce_sum3A_145 = arith.constant dense<0.000000e+00> : vector<32xf32>
    %reduce_sum3A_146 = vector.multi_reduction <add>, %slice3A_140, %reduce_sum3A_145 [0] : vector<128x32xf32> to vector<32xf32>
    %broadcast_in_dim3A_147 = vector.shape_cast %reduce_sum3A_146 : vector<32xf32> to vector<1x32xf32>
    %add3A_148 = arith.addf %add3A_139, %broadcast_in_dim3A_147 : vector<1x32xf32>
    %slice3A_149 = vector.extract_strided_slice %convert_element_type3A_36 {offsets = [1536, 0], sizes = [128, 32], strides = [1, 1]} : vector<2048x32xf32> to vector<128x32xf32>
    %dot_general3A_150 = arith.constant dense<0.000000e+00> : vector<128x32xf32>
    %dot_general3A_151 = tpu.matmul %convert_element_type3A_40, %slice3A_149, %dot_general3A_150 {dimension_numbers = #tpu.dot_dimension_numbers<[1], [0], [0], [1], [0, 0, 1, 1], [], []>, transpose_lhs_hint = false} : vector<128x128xf32>, vector<128x32xf32>, vector<128x32xf32> -> vector<128x32xf32>
    %add3A_152 = vector.broadcast %add3A_148 : vector<1x32xf32> to vector<128x32xf32>
    %add3A_153 = arith.addf %dot_general3A_151, %add3A_152 : vector<128x32xf32>
    %reduce_sum3A_154 = arith.constant dense<0.000000e+00> : vector<32xf32>
    %reduce_sum3A_155 = vector.multi_reduction <add>, %slice3A_149, %reduce_sum3A_154 [0] : vector<128x32xf32> to vector<32xf32>
    %broadcast_in_dim3A_156 = vector.shape_cast %reduce_sum3A_155 : vector<32xf32> to vector<1x32xf32>
    %add3A_157 = arith.addf %add3A_148, %broadcast_in_dim3A_156 : vector<1x32xf32>
    %slice3A_158 = vector.extract_strided_slice %convert_element_type3A_36 {offsets = [1664, 0], sizes = [128, 32], strides = [1, 1]} : vector<2048x32xf32> to vector<128x32xf32>
    %dot_general3A_159 = arith.constant dense<0.000000e+00> : vector<128x32xf32>
    %dot_general3A_160 = tpu.matmul %convert_element_type3A_40, %slice3A_158, %dot_general3A_159 {dimension_numbers = #tpu.dot_dimension_numbers<[1], [0], [0], [1], [0, 0, 1, 1], [], []>, transpose_lhs_hint = false} : vector<128x128xf32>, vector<128x32xf32>, vector<128x32xf32> -> vector<128x32xf32>
    %add3A_161 = vector.broadcast %add3A_157 : vector<1x32xf32> to vector<128x32xf32>
    %add3A_162 = arith.addf %dot_general3A_160, %add3A_161 : vector<128x32xf32>
    %reduce_sum3A_163 = arith.constant dense<0.000000e+00> : vector<32xf32>
    %reduce_sum3A_164 = vector.multi_reduction <add>, %slice3A_158, %reduce_sum3A_163 [0] : vector<128x32xf32> to vector<32xf32>
    %broadcast_in_dim3A_165 = vector.shape_cast %reduce_sum3A_164 : vector<32xf32> to vector<1x32xf32>
    %add3A_166 = arith.addf %add3A_157, %broadcast_in_dim3A_165 : vector<1x32xf32>
    %slice3A_167 = vector.extract_strided_slice %convert_element_type3A_36 {offsets = [1792, 0], sizes = [128, 32], strides = [1, 1]} : vector<2048x32xf32> to vector<128x32xf32>
    %dot_general3A_168 = arith.constant dense<0.000000e+00> : vector<128x32xf32>
    %dot_general3A_169 = tpu.matmul %convert_element_type3A_40, %slice3A_167, %dot_general3A_168 {dimension_numbers = #tpu.dot_dimension_numbers<[1], [0], [0], [1], [0, 0, 1, 1], [], []>, transpose_lhs_hint = false} : vector<128x128xf32>, vector<128x32xf32>, vector<128x32xf32> -> vector<128x32xf32>
    %add3A_170 = vector.broadcast %add3A_166 : vector<1x32xf32> to vector<128x32xf32>
    %add3A_171 = arith.addf %dot_general3A_169, %add3A_170 : vector<128x32xf32>
    %reduce_sum3A_172 = arith.constant dense<0.000000e+00> : vector<32xf32>
    %reduce_sum3A_173 = vector.multi_reduction <add>, %slice3A_167, %reduce_sum3A_172 [0] : vector<128x32xf32> to vector<32xf32>
    %broadcast_in_dim3A_174 = vector.shape_cast %reduce_sum3A_173 : vector<32xf32> to vector<1x32xf32>
    %add3A_175 = arith.addf %add3A_166, %broadcast_in_dim3A_174 : vector<1x32xf32>
    %slice3A_176 = vector.extract_strided_slice %convert_element_type3A_36 {offsets = [1920, 0], sizes = [128, 32], strides = [1, 1]} : vector<2048x32xf32> to vector<128x32xf32>
    %dot_general3A_177 = arith.constant dense<0.000000e+00> : vector<128x32xf32>
    %dot_general3A_178 = tpu.matmul %convert_element_type3A_40, %slice3A_176, %dot_general3A_177 {dimension_numbers = #tpu.dot_dimension_numbers<[1], [0], [0], [1], [0, 0, 1, 1], [], []>, transpose_lhs_hint = false} : vector<128x128xf32>, vector<128x32xf32>, vector<128x32xf32> -> vector<128x32xf32>
    %add3A_179 = vector.broadcast %add3A_175 : vector<1x32xf32> to vector<128x32xf32>
    %add3A_180 = arith.addf %dot_general3A_178, %add3A_179 : vector<128x32xf32>
    %reduce_sum3A_181 = arith.constant dense<0.000000e+00> : vector<32xf32>
    %reduce_sum3A_182 = vector.multi_reduction <add>, %slice3A_176, %reduce_sum3A_181 [0] : vector<128x32xf32> to vector<32xf32>
    %broadcast_in_dim3A_183 = vector.shape_cast %reduce_sum3A_182 : vector<32xf32> to vector<1x32xf32>
    %add3A_184 = arith.addf %add3A_175, %broadcast_in_dim3A_183 : vector<1x32xf32>
    %iota3A_185 = tpu.iota {dimensions = array<i32: 0>} : vector<32x32xi32>
    %iota3A_186 = tpu.iota {dimensions = array<i32: 1>} : vector<32x32xi32>
    %lt3A_187 = arith.cmpi slt, %iota3A_185, %iota3A_186 : vector<32x32xi32>
    %convert_element_type3A_188 = arith.extui %lt3A_187 : vector<32x32xi1> to vector<32x32xi32>
    %convert_element_type3A_189 = arith.sitofp %convert_element_type3A_188 : vector<32x32xi32> to vector<32x32xf32>
    %dot_general3A_190 = arith.constant dense<0.000000e+00> : vector<1x32xf32>
    %dot_general3A_191 = tpu.matmul %add3A_184, %convert_element_type3A_189, %dot_general3A_190 {dimension_numbers = #tpu.dot_dimension_numbers<[1], [0], [0], [1], [0, 0, 1, 1], [], []>, precision = #tpu.contract_precision<fp32>, transpose_lhs_hint = false} : vector<1x32xf32>, vector<32x32xf32>, vector<1x32xf32> -> vector<1x32xf32>
    %slice3A_192 = vector.extract_strided_slice %convert_element_type3A_36 {offsets = [0, 0], sizes = [128, 32], strides = [1, 1]} : vector<2048x32xf32> to vector<128x32xf32>
    %add3A_193 = vector.broadcast %dot_general3A_191 : vector<1x32xf32> to vector<128x32xf32>
    %add3A_194 = arith.addf %add3A_46, %add3A_193 : vector<128x32xf32>
    %mul3A = arith.mulf %add3A_194, %slice3A_192 : vector<128x32xf32>
    %reduce_sum3A_195 = arith.constant dense<0.000000e+00> : vector<128xf32>
    %reduce_sum3A_196 = vector.multi_reduction <add>, %mul3A, %reduce_sum3A_195 [1] : vector<128x32xf32> to vector<128xf32>
    %broadcast_in_dim3A_197 = vector.shape_cast %reduce_sum3A_196 : vector<128xf32> to vector<128x1xf32>
    %slice3A_198 = vector.extract_strided_slice %convert_element_type3A_36 {offsets = [128, 0], sizes = [128, 32], strides = [1, 1]} : vector<2048x32xf32> to vector<128x32xf32>
    %add3A_199 = vector.broadcast %dot_general3A_191 : vector<1x32xf32> to vector<128x32xf32>
    %add3A_200 = arith.addf %add3A_54, %add3A_199 : vector<128x32xf32>
    %mul3A_201 = arith.mulf %add3A_200, %slice3A_198 : vector<128x32xf32>
    %reduce_sum3A_202 = arith.constant dense<0.000000e+00> : vector<128xf32>
    %reduce_sum3A_203 = vector.multi_reduction <add>, %mul3A_201, %reduce_sum3A_202 [1] : vector<128x32xf32> to vector<128xf32>
    %broadcast_in_dim3A_204 = vector.shape_cast %reduce_sum3A_203 : vector<128xf32> to vector<128x1xf32>
    %slice3A_205 = vector.extract_strided_slice %convert_element_type3A_36 {offsets = [256, 0], sizes = [128, 32], strides = [1, 1]} : vector<2048x32xf32> to vector<128x32xf32>
    %add3A_206 = vector.broadcast %dot_general3A_191 : vector<1x32xf32> to vector<128x32xf32>
    %add3A_207 = arith.addf %add3A_63, %add3A_206 : vector<128x32xf32>
    %mul3A_208 = arith.mulf %add3A_207, %slice3A_205 : vector<128x32xf32>
    %reduce_sum3A_209 = arith.constant dense<0.000000e+00> : vector<128xf32>
    %reduce_sum3A_210 = vector.multi_reduction <add>, %mul3A_208, %reduce_sum3A_209 [1] : vector<128x32xf32> to vector<128xf32>
    %broadcast_in_dim3A_211 = vector.shape_cast %reduce_sum3A_210 : vector<128xf32> to vector<128x1xf32>
    %slice3A_212 = vector.extract_strided_slice %convert_element_type3A_36 {offsets = [384, 0], sizes = [128, 32], strides = [1, 1]} : vector<2048x32xf32> to vector<128x32xf32>
    %add3A_213 = vector.broadcast %dot_general3A_191 : vector<1x32xf32> to vector<128x32xf32>
    %add3A_214 = arith.addf %add3A_72, %add3A_213 : vector<128x32xf32>
    %mul3A_215 = arith.mulf %add3A_214, %slice3A_212 : vector<128x32xf32>
    %reduce_sum3A_216 = arith.constant dense<0.000000e+00> : vector<128xf32>
    %reduce_sum3A_217 = vector.multi_reduction <add>, %mul3A_215, %reduce_sum3A_216 [1] : vector<128x32xf32> to vector<128xf32>
    %broadcast_in_dim3A_218 = vector.shape_cast %reduce_sum3A_217 : vector<128xf32> to vector<128x1xf32>
    %slice3A_219 = vector.extract_strided_slice %convert_element_type3A_36 {offsets = [512, 0], sizes = [128, 32], strides = [1, 1]} : vector<2048x32xf32> to vector<128x32xf32>
    %add3A_220 = vector.broadcast %dot_general3A_191 : vector<1x32xf32> to vector<128x32xf32>
    %add3A_221 = arith.addf %add3A_81, %add3A_220 : vector<128x32xf32>
    %mul3A_222 = arith.mulf %add3A_221, %slice3A_219 : vector<128x32xf32>
    %reduce_sum3A_223 = arith.constant dense<0.000000e+00> : vector<128xf32>
    %reduce_sum3A_224 = vector.multi_reduction <add>, %mul3A_222, %reduce_sum3A_223 [1] : vector<128x32xf32> to vector<128xf32>
    %broadcast_in_dim3A_225 = vector.shape_cast %reduce_sum3A_224 : vector<128xf32> to vector<128x1xf32>
    %slice3A_226 = vector.extract_strided_slice %convert_element_type3A_36 {offsets = [640, 0], sizes = [128, 32], strides = [1, 1]} : vector<2048x32xf32> to vector<128x32xf32>
    %add3A_227 = vector.broadcast %dot_general3A_191 : vector<1x32xf32> to vector<128x32xf32>
    %add3A_228 = arith.addf %add3A_90, %add3A_227 : vector<128x32xf32>
    %mul3A_229 = arith.mulf %add3A_228, %slice3A_226 : vector<128x32xf32>
    %reduce_sum3A_230 = arith.constant dense<0.000000e+00> : vector<128xf32>
    %reduce_sum3A_231 = vector.multi_reduction <add>, %mul3A_229, %reduce_sum3A_230 [1] : vector<128x32xf32> to vector<128xf32>
    %broadcast_in_dim3A_232 = vector.shape_cast %reduce_sum3A_231 : vector<128xf32> to vector<128x1xf32>
    %slice3A_233 = vector.extract_strided_slice %convert_element_type3A_36 {offsets = [768, 0], sizes = [128, 32], strides = [1, 1]} : vector<2048x32xf32> to vector<128x32xf32>
    %add3A_234 = vector.broadcast %dot_general3A_191 : vector<1x32xf32> to vector<128x32xf32>
    %add3A_235 = arith.addf %add3A_99, %add3A_234 : vector<128x32xf32>
    %mul3A_236 = arith.mulf %add3A_235, %slice3A_233 : vector<128x32xf32>
    %reduce_sum3A_237 = arith.constant dense<0.000000e+00> : vector<128xf32>
    %reduce_sum3A_238 = vector.multi_reduction <add>, %mul3A_236, %reduce_sum3A_237 [1] : vector<128x32xf32> to vector<128xf32>
    %broadcast_in_dim3A_239 = vector.shape_cast %reduce_sum3A_238 : vector<128xf32> to vector<128x1xf32>
    %slice3A_240 = vector.extract_strided_slice %convert_element_type3A_36 {offsets = [896, 0], sizes = [128, 32], strides = [1, 1]} : vector<2048x32xf32> to vector<128x32xf32>
    %add3A_241 = vector.broadcast %dot_general3A_191 : vector<1x32xf32> to vector<128x32xf32>
    %add3A_242 = arith.addf %add3A_108, %add3A_241 : vector<128x32xf32>
    %mul3A_243 = arith.mulf %add3A_242, %slice3A_240 : vector<128x32xf32>
    %reduce_sum3A_244 = arith.constant dense<0.000000e+00> : vector<128xf32>
    %reduce_sum3A_245 = vector.multi_reduction <add>, %mul3A_243, %reduce_sum3A_244 [1] : vector<128x32xf32> to vector<128xf32>
    %broadcast_in_dim3A_246 = vector.shape_cast %reduce_sum3A_245 : vector<128xf32> to vector<128x1xf32>
    %slice3A_247 = vector.extract_strided_slice %convert_element_type3A_36 {offsets = [1024, 0], sizes = [128, 32], strides = [1, 1]} : vector<2048x32xf32> to vector<128x32xf32>
    %add3A_248 = vector.broadcast %dot_general3A_191 : vector<1x32xf32> to vector<128x32xf32>
    %add3A_249 = arith.addf %add3A_117, %add3A_248 : vector<128x32xf32>
    %mul3A_250 = arith.mulf %add3A_249, %slice3A_247 : vector<128x32xf32>
    %reduce_sum3A_251 = arith.constant dense<0.000000e+00> : vector<128xf32>
    %reduce_sum3A_252 = vector.multi_reduction <add>, %mul3A_250, %reduce_sum3A_251 [1] : vector<128x32xf32> to vector<128xf32>
    %broadcast_in_dim3A_253 = vector.shape_cast %reduce_sum3A_252 : vector<128xf32> to vector<128x1xf32>
    %slice3A_254 = vector.extract_strided_slice %convert_element_type3A_36 {offsets = [1152, 0], sizes = [128, 32], strides = [1, 1]} : vector<2048x32xf32> to vector<128x32xf32>
    %add3A_255 = vector.broadcast %dot_general3A_191 : vector<1x32xf32> to vector<128x32xf32>
    %add3A_256 = arith.addf %add3A_126, %add3A_255 : vector<128x32xf32>
    %mul3A_257 = arith.mulf %add3A_256, %slice3A_254 : vector<128x32xf32>
    %reduce_sum3A_258 = arith.constant dense<0.000000e+00> : vector<128xf32>
    %reduce_sum3A_259 = vector.multi_reduction <add>, %mul3A_257, %reduce_sum3A_258 [1] : vector<128x32xf32> to vector<128xf32>
    %broadcast_in_dim3A_260 = vector.shape_cast %reduce_sum3A_259 : vector<128xf32> to vector<128x1xf32>
    %slice3A_261 = vector.extract_strided_slice %convert_element_type3A_36 {offsets = [1280, 0], sizes = [128, 32], strides = [1, 1]} : vector<2048x32xf32> to vector<128x32xf32>
    %add3A_262 = vector.broadcast %dot_general3A_191 : vector<1x32xf32> to vector<128x32xf32>
    %add3A_263 = arith.addf %add3A_135, %add3A_262 : vector<128x32xf32>
    %mul3A_264 = arith.mulf %add3A_263, %slice3A_261 : vector<128x32xf32>
    %reduce_sum3A_265 = arith.constant dense<0.000000e+00> : vector<128xf32>
    %reduce_sum3A_266 = vector.multi_reduction <add>, %mul3A_264, %reduce_sum3A_265 [1] : vector<128x32xf32> to vector<128xf32>
    %broadcast_in_dim3A_267 = vector.shape_cast %reduce_sum3A_266 : vector<128xf32> to vector<128x1xf32>
    %slice3A_268 = vector.extract_strided_slice %convert_element_type3A_36 {offsets = [1408, 0], sizes = [128, 32], strides = [1, 1]} : vector<2048x32xf32> to vector<128x32xf32>
    %add3A_269 = vector.broadcast %dot_general3A_191 : vector<1x32xf32> to vector<128x32xf32>
    %add3A_270 = arith.addf %add3A_144, %add3A_269 : vector<128x32xf32>
    %mul3A_271 = arith.mulf %add3A_270, %slice3A_268 : vector<128x32xf32>
    %reduce_sum3A_272 = arith.constant dense<0.000000e+00> : vector<128xf32>
    %reduce_sum3A_273 = vector.multi_reduction <add>, %mul3A_271, %reduce_sum3A_272 [1] : vector<128x32xf32> to vector<128xf32>
    %broadcast_in_dim3A_274 = vector.shape_cast %reduce_sum3A_273 : vector<128xf32> to vector<128x1xf32>
    %slice3A_275 = vector.extract_strided_slice %convert_element_type3A_36 {offsets = [1536, 0], sizes = [128, 32], strides = [1, 1]} : vector<2048x32xf32> to vector<128x32xf32>
    %add3A_276 = vector.broadcast %dot_general3A_191 : vector<1x32xf32> to vector<128x32xf32>
    %add3A_277 = arith.addf %add3A_153, %add3A_276 : vector<128x32xf32>
    %mul3A_278 = arith.mulf %add3A_277, %slice3A_275 : vector<128x32xf32>
    %reduce_sum3A_279 = arith.constant dense<0.000000e+00> : vector<128xf32>
    %reduce_sum3A_280 = vector.multi_reduction <add>, %mul3A_278, %reduce_sum3A_279 [1] : vector<128x32xf32> to vector<128xf32>
    %broadcast_in_dim3A_281 = vector.shape_cast %reduce_sum3A_280 : vector<128xf32> to vector<128x1xf32>
    %slice3A_282 = vector.extract_strided_slice %convert_element_type3A_36 {offsets = [1664, 0], sizes = [128, 32], strides = [1, 1]} : vector<2048x32xf32> to vector<128x32xf32>
    %add3A_283 = vector.broadcast %dot_general3A_191 : vector<1x32xf32> to vector<128x32xf32>
    %add3A_284 = arith.addf %add3A_162, %add3A_283 : vector<128x32xf32>
    %mul3A_285 = arith.mulf %add3A_284, %slice3A_282 : vector<128x32xf32>
    %reduce_sum3A_286 = arith.constant dense<0.000000e+00> : vector<128xf32>
    %reduce_sum3A_287 = vector.multi_reduction <add>, %mul3A_285, %reduce_sum3A_286 [1] : vector<128x32xf32> to vector<128xf32>
    %broadcast_in_dim3A_288 = vector.shape_cast %reduce_sum3A_287 : vector<128xf32> to vector<128x1xf32>
    %slice3A_289 = vector.extract_strided_slice %convert_element_type3A_36 {offsets = [1792, 0], sizes = [128, 32], strides = [1, 1]} : vector<2048x32xf32> to vector<128x32xf32>
    %add3A_290 = vector.broadcast %dot_general3A_191 : vector<1x32xf32> to vector<128x32xf32>
    %add3A_291 = arith.addf %add3A_171, %add3A_290 : vector<128x32xf32>
    %mul3A_292 = arith.mulf %add3A_291, %slice3A_289 : vector<128x32xf32>
    %reduce_sum3A_293 = arith.constant dense<0.000000e+00> : vector<128xf32>
    %reduce_sum3A_294 = vector.multi_reduction <add>, %mul3A_292, %reduce_sum3A_293 [1] : vector<128x32xf32> to vector<128xf32>
    %broadcast_in_dim3A_295 = vector.shape_cast %reduce_sum3A_294 : vector<128xf32> to vector<128x1xf32>
    %slice3A_296 = vector.extract_strided_slice %convert_element_type3A_36 {offsets = [1920, 0], sizes = [128, 32], strides = [1, 1]} : vector<2048x32xf32> to vector<128x32xf32>
    %add3A_297 = vector.broadcast %dot_general3A_191 : vector<1x32xf32> to vector<128x32xf32>
    %add3A_298 = arith.addf %add3A_180, %add3A_297 : vector<128x32xf32>
    %mul3A_299 = arith.mulf %add3A_298, %slice3A_296 : vector<128x32xf32>
    %reduce_sum3A_300 = arith.constant dense<0.000000e+00> : vector<128xf32>
    %reduce_sum3A_301 = vector.multi_reduction <add>, %mul3A_299, %reduce_sum3A_300 [1] : vector<128x32xf32> to vector<128xf32>
    %broadcast_in_dim3A_302 = vector.shape_cast %reduce_sum3A_301 : vector<128xf32> to vector<128x1xf32>
    %concatenate3A = tpu.concatenate %broadcast_in_dim3A_197, %broadcast_in_dim3A_204, %broadcast_in_dim3A_211, %broadcast_in_dim3A_218, %broadcast_in_dim3A_225, %broadcast_in_dim3A_232, %broadcast_in_dim3A_239, %broadcast_in_dim3A_246, %broadcast_in_dim3A_253, %broadcast_in_dim3A_260, %broadcast_in_dim3A_267, %broadcast_in_dim3A_274, %broadcast_in_dim3A_281, %broadcast_in_dim3A_288, %broadcast_in_dim3A_295, %broadcast_in_dim3A_302 in 1 : vector<128x1xf32>, vector<128x1xf32>, vector<128x1xf32>, vector<128x1xf32>, vector<128x1xf32>, vector<128x1xf32>, vector<128x1xf32>, vector<128x1xf32>, vector<128x1xf32>, vector<128x1xf32>, vector<128x1xf32>, vector<128x1xf32>, vector<128x1xf32>, vector<128x1xf32>, vector<128x1xf32>, vector<128x1xf32> -> vector<128x16xf32>
    %mul3A_303 = arith.constant 32 : i32
    %mul3A_304 = arith.muli %arg0, %mul3A_303 : i32
    %add3A_305 = arith.addi %mul3A_304, %arg1 : i32
    %transpose3A = tpu.transpose %concatenate3A, [1, 0] : vector<128x16xf32> -> vector<16x128xf32>
    %convert_element_type3A_306 = arith.fptosi %transpose3A : vector<16x128xf32> to vector<16x128xi32>
    %mul3A_307 = arith.constant 2048 : i32
    %mul3A_308 = arith.muli %add3A_305, %mul3A_307 : i32
    %add3A_309 = vector.broadcast %mul3A_308 : i32 to vector<16x128xi32>
    %add3A_310 = arith.addi %convert_element_type3A_306, %add3A_309 : vector<16x128xi32>
    %swap3A = arith.constant 0 : index
    %swap3A_311 = arith.constant 0 : index
    %swap3A_312 = vector.load %arg4[%swap3A, %swap3A_311] : memref<16x128xi32, #tpu.memory_space<vmem>>, vector<16x128xi32>
    tpu.vector_store %arg4[%swap3A, %swap3A_311], %add3A_310 {strides = array<i32>} : memref<16x128xi32, #tpu.memory_space<vmem>>, vector<16x128xi32>,
    return
  }
  func.func @transform_0(%arg0: i32, %arg1: i32) -> (i32, i32, i32) {
    %mul3A = arith.constant 32 : i32
    %mul3A_0 = arith.muli %arg0, %mul3A : i32
    %add3A = arith.addi %mul3A_0, %arg1 : i32
    %c0_i32 = arith.constant 0 : i32
    %c0_i32_1 = arith.constant 0 : i32
    %c0_i32_2 = arith.constant 0 : i32
    return %add3A, %c0_i32, %c0_i32_1 : i32, i32, i32
  }
  func.func @transform_1(%arg0: i32, %arg1: i32) -> (i32, i32, i32) {
    %c0_i32 = arith.constant 0 : i32
    %c0_i32_0 = arith.constant 0 : i32
    %c0_i32_1 = arith.constant 0 : i32
    return %arg1, %c0_i32, %c0_i32_0 : i32, i32, i32
  }
  func.func @transform_2(%arg0: i32, %arg1: i32) -> (i32, i32) {
    %mul3A = arith.constant 32 : i32
    %mul3A_0 = arith.muli %arg0, %mul3A : i32
    %add3A = arith.addi %mul3A_0, %arg1 : i32
    %c0_i32 = arith.constant 0 : i32
    %c0_i32_1 = arith.constant 0 : i32
    return %add3A, %c0_i32 : i32, i32
  }
}

module attributes {stable_mosaic.version = 14 : i64} {
  func.func @_k3_body(%arg0: i32, %arg1: memref<1x2048x128xf32, #tpu.memory_space<vmem>>, %arg2: memref<1x2048x128xf32, #tpu.memory_space<vmem>>) attributes {dimension_semantics = [#tpu.dimension_semantics<arbitrary>], iteration_bounds = array<i64: 128>, scalar_prefetch = 0 : i64, scratch_operands = 0 : i64, tpu.core_type = #tpu.core_type<tc>, window_params = [{transform_indices = @transform_0, window_bounds = array<i64: 1, 2048, 128>}, {transform_indices = @transform_1, window_bounds = array<i64: 1, 2048, 128>}]} {
    %get3A = arith.constant 0 : index
    %get3A_0 = arith.constant 0 : index
    %get3A_1 = arith.constant 0 : index
    %get3A_2 = vector.load %arg1[%get3A, %get3A_0, %get3A_1] : memref<1x2048x128xf32, #tpu.memory_space<vmem>>, vector<1x2048x32xf32>
    %get3A_3 = vector.shape_cast %get3A_2 : vector<1x2048x32xf32> to vector<2048x32xf32>
    %get3A_4 = arith.constant 0 : index
    %get3A_5 = arith.constant 0 : index
    %get3A_6 = arith.constant 32 : index
    %get3A_7 = vector.load %arg1[%get3A_4, %get3A_5, %get3A_6] : memref<1x2048x128xf32, #tpu.memory_space<vmem>>, vector<1x2048x32xf32>
    %get3A_8 = vector.shape_cast %get3A_7 : vector<1x2048x32xf32> to vector<2048x32xf32>
    %convert_element_type3A = arith.truncf %get3A_8 : vector<2048x32xf32> to vector<2048x32xbf16>
    %convert_element_type3A_9 = arith.truncf %get3A_3 : vector<2048x32xf32> to vector<2048x32xbf16>
    %mul3A = arith.mulf %get3A_3, %get3A_3 : vector<2048x32xf32>
    %reduce_sum3A = arith.constant dense<0.000000e+00> : vector<2048xf32>
    %reduce_sum3A_10 = vector.multi_reduction <add>, %mul3A, %reduce_sum3A [1] : vector<2048x32xf32> to vector<2048xf32>
    %broadcast_in_dim3A = vector.shape_cast %reduce_sum3A_10 : vector<2048xf32> to vector<2048x1xf32>
    %sqrt3A = math.sqrt %broadcast_in_dim3A : vector<2048x1xf32>
    %add3A = arith.constant 9.99999997E-7 : f32
    %add3A_11 = vector.broadcast %add3A : f32 to vector<2048x1xf32>
    %add3A_12 = arith.addf %sqrt3A, %add3A_11 : vector<2048x1xf32>
    %div3A = vector.broadcast %add3A_12 : vector<2048x1xf32> to vector<2048x32xf32>
    %div3A_13 = arith.divf %get3A_3, %div3A : vector<2048x32xf32>
    %convert_element_type3A_14 = arith.truncf %div3A_13 : vector<2048x32xf32> to vector<2048x32xbf16>
    %sqrt3A_15 = arith.constant 3.200000e+01 : f32
    %sqrt3A_16 = math.sqrt %sqrt3A_15 : f32
    %div3A_17 = arith.constant 1.000000e+00 : f32
    %div3A_18 = arith.divf %div3A_17, %sqrt3A_16 : f32
    %iota3A = tpu.iota {dimensions = array<i32: 0>} : vector<256x256xi32>
    %iota3A_19 = tpu.iota {dimensions = array<i32: 1>} : vector<256x256xi32>
    %div3A_20 = arith.constant 64 : i32
    %div3A_21 = vector.broadcast %div3A_20 : i32 to vector<256x256xi32>
    %div3A_22 = arith.divsi %iota3A, %div3A_21 : vector<256x256xi32>
    %div3A_23 = arith.constant 64 : i32
    %div3A_24 = vector.broadcast %div3A_23 : i32 to vector<256x256xi32>
    %div3A_25 = arith.divsi %iota3A_19, %div3A_24 : vector<256x256xi32>
    %ne3A = arith.cmpi ne, %div3A_22, %div3A_25 : vector<256x256xi32>
    %slice3A = vector.extract_strided_slice %convert_element_type3A_9 {offsets = [0, 0], sizes = [256, 32], strides = [1, 1]} : vector<2048x32xbf16> to vector<256x32xbf16>
    %slice3A_26 = vector.extract_strided_slice %convert_element_type3A_14 {offsets = [0, 0], sizes = [256, 32], strides = [1, 1]} : vector<2048x32xbf16> to vector<256x32xbf16>
    %dot_general3A = arith.constant dense<0.000000e+00> : vector<256x256xf32>
    %dot_general3A_27 = tpu.matmul %slice3A, %slice3A_26, %dot_general3A {dimension_numbers = #tpu.dot_dimension_numbers<[1], [1], [0], [0], [0, 0, 1, 0], [], []>, transpose_lhs_hint = false} : vector<256x32xbf16>, vector<256x32xbf16>, vector<256x256xf32> -> vector<256x256xf32>
    %mul3A_28 = vector.broadcast %div3A_18 : f32 to vector<256x256xf32>
    %mul3A_29 = arith.mulf %dot_general3A_27, %mul3A_28 : vector<256x256xf32>
    %jit3A = arith.constant -1.000000e+30 : f32
    %broadcast_in_dim3A_30 = vector.broadcast %jit3A : f32 to vector<256x256xf32>
    %select_n3A = arith.select %ne3A, %broadcast_in_dim3A_30, %mul3A_29 : vector<256x256xi1>, vector<256x256xf32>
    %exp3A = math.exp %select_n3A : vector<256x256xf32>
    %reduce_sum3A_31 = arith.constant dense<0.000000e+00> : vector<256xf32>
    %reduce_sum3A_32 = vector.multi_reduction <add>, %exp3A, %reduce_sum3A_31 [1] : vector<256x256xf32> to vector<256xf32>
    %broadcast_in_dim3A_33 = vector.shape_cast %reduce_sum3A_32 : vector<256xf32> to vector<256x1xf32>
    %div3A_34 = arith.constant 1.000000e+00 : f32
    %div3A_35 = vector.broadcast %div3A_34 : f32 to vector<256x1xf32>
    %div3A_36 = arith.divf %div3A_35, %broadcast_in_dim3A_33 : vector<256x1xf32>
    %mul3A_37 = vector.broadcast %div3A_36 : vector<256x1xf32> to vector<256x256xf32>
    %mul3A_38 = arith.mulf %exp3A, %mul3A_37 : vector<256x256xf32>
    %convert_element_type3A_39 = arith.truncf %mul3A_38 : vector<256x256xf32> to vector<256x256xbf16>
    %slice3A_40 = vector.extract_strided_slice %convert_element_type3A {offsets = [0, 0], sizes = [256, 32], strides = [1, 1]} : vector<2048x32xbf16> to vector<256x32xbf16>
    %dot_general3A_41 = arith.constant dense<0.000000e+00> : vector<256x32xf32>
    %dot_general3A_42 = tpu.matmul %convert_element_type3A_39, %slice3A_40, %dot_general3A_41 {dimension_numbers = #tpu.dot_dimension_numbers<[1], [0], [0], [1], [0, 0, 1, 1], [], []>, transpose_lhs_hint = false} : vector<256x256xbf16>, vector<256x32xbf16>, vector<256x32xf32> -> vector<256x32xf32>
    %swap3A = arith.constant 0 : index
    %swap3A_43 = arith.constant 0 : index
    %swap3A_44 = arith.constant 0 : index
    %swap3A_45 = vector.load %arg2[%swap3A, %swap3A_43, %swap3A_44] : memref<1x2048x128xf32, #tpu.memory_space<vmem>>, vector<1x256x32xf32>
    %swap3A_46 = vector.shape_cast %swap3A_45 : vector<1x256x32xf32> to vector<256x32xf32>
    %swap3A_47 = vector.shape_cast %dot_general3A_42 : vector<256x32xf32> to vector<1x256x32xf32>
    tpu.vector_store %arg2[%swap3A, %swap3A_43, %swap3A_44], %swap3A_47 {strides = array<i32>} : memref<1x2048x128xf32, #tpu.memory_space<vmem>>, vector<1x256x32xf32>,
    %slice3A_48 = vector.extract_strided_slice %convert_element_type3A_9 {offsets = [256, 0], sizes = [256, 32], strides = [1, 1]} : vector<2048x32xbf16> to vector<256x32xbf16>
    %slice3A_49 = vector.extract_strided_slice %convert_element_type3A_14 {offsets = [256, 0], sizes = [256, 32], strides = [1, 1]} : vector<2048x32xbf16> to vector<256x32xbf16>
    %dot_general3A_50 = arith.constant dense<0.000000e+00> : vector<256x256xf32>
    %dot_general3A_51 = tpu.matmul %slice3A_48, %slice3A_49, %dot_general3A_50 {dimension_numbers = #tpu.dot_dimension_numbers<[1], [1], [0], [0], [0, 0, 1, 0], [], []>, transpose_lhs_hint = false} : vector<256x32xbf16>, vector<256x32xbf16>, vector<256x256xf32> -> vector<256x256xf32>
    %mul3A_52 = vector.broadcast %div3A_18 : f32 to vector<256x256xf32>
    %mul3A_53 = arith.mulf %dot_general3A_51, %mul3A_52 : vector<256x256xf32>
    %jit3A_54 = arith.constant -1.000000e+30 : f32
    %broadcast_in_dim3A_55 = vector.broadcast %jit3A_54 : f32 to vector<256x256xf32>
    %select_n3A_56 = arith.select %ne3A, %broadcast_in_dim3A_55, %mul3A_53 : vector<256x256xi1>, vector<256x256xf32>
    %exp3A_57 = math.exp %select_n3A_56 : vector<256x256xf32>
    %reduce_sum3A_58 = arith.constant dense<0.000000e+00> : vector<256xf32>
    %reduce_sum3A_59 = vector.multi_reduction <add>, %exp3A_57, %reduce_sum3A_58 [1] : vector<256x256xf32> to vector<256xf32>
    %broadcast_in_dim3A_60 = vector.shape_cast %reduce_sum3A_59 : vector<256xf32> to vector<256x1xf32>
    %div3A_61 = arith.constant 1.000000e+00 : f32
    %div3A_62 = vector.broadcast %div3A_61 : f32 to vector<256x1xf32>
    %div3A_63 = arith.divf %div3A_62, %broadcast_in_dim3A_60 : vector<256x1xf32>
    %mul3A_64 = vector.broadcast %div3A_63 : vector<256x1xf32> to vector<256x256xf32>
    %mul3A_65 = arith.mulf %exp3A_57, %mul3A_64 : vector<256x256xf32>
    %convert_element_type3A_66 = arith.truncf %mul3A_65 : vector<256x256xf32> to vector<256x256xbf16>
    %slice3A_67 = vector.extract_strided_slice %convert_element_type3A {offsets = [256, 0], sizes = [256, 32], strides = [1, 1]} : vector<2048x32xbf16> to vector<256x32xbf16>
    %dot_general3A_68 = arith.constant dense<0.000000e+00> : vector<256x32xf32>
    %dot_general3A_69 = tpu.matmul %convert_element_type3A_66, %slice3A_67, %dot_general3A_68 {dimension_numbers = #tpu.dot_dimension_numbers<[1], [0], [0], [1], [0, 0, 1, 1], [], []>, transpose_lhs_hint = false} : vector<256x256xbf16>, vector<256x32xbf16>, vector<256x32xf32> -> vector<256x32xf32>
    %swap3A_70 = arith.constant 0 : index
    %swap3A_71 = arith.constant 256 : index
    %swap3A_72 = arith.constant 0 : index
    %swap3A_73 = vector.load %arg2[%swap3A_70, %swap3A_71, %swap3A_72] : memref<1x2048x128xf32, #tpu.memory_space<vmem>>, vector<1x256x32xf32>
    %swap3A_74 = vector.shape_cast %swap3A_73 : vector<1x256x32xf32> to vector<256x32xf32>
    %swap3A_75 = vector.shape_cast %dot_general3A_69 : vector<256x32xf32> to vector<1x256x32xf32>
    tpu.vector_store %arg2[%swap3A_70, %swap3A_71, %swap3A_72], %swap3A_75 {strides = array<i32>} : memref<1x2048x128xf32, #tpu.memory_space<vmem>>, vector<1x256x32xf32>,
    %slice3A_76 = vector.extract_strided_slice %convert_element_type3A_9 {offsets = [512, 0], sizes = [256, 32], strides = [1, 1]} : vector<2048x32xbf16> to vector<256x32xbf16>
    %slice3A_77 = vector.extract_strided_slice %convert_element_type3A_14 {offsets = [512, 0], sizes = [256, 32], strides = [1, 1]} : vector<2048x32xbf16> to vector<256x32xbf16>
    %dot_general3A_78 = arith.constant dense<0.000000e+00> : vector<256x256xf32>
    %dot_general3A_79 = tpu.matmul %slice3A_76, %slice3A_77, %dot_general3A_78 {dimension_numbers = #tpu.dot_dimension_numbers<[1], [1], [0], [0], [0, 0, 1, 0], [], []>, transpose_lhs_hint = false} : vector<256x32xbf16>, vector<256x32xbf16>, vector<256x256xf32> -> vector<256x256xf32>
    %mul3A_80 = vector.broadcast %div3A_18 : f32 to vector<256x256xf32>
    %mul3A_81 = arith.mulf %dot_general3A_79, %mul3A_80 : vector<256x256xf32>
    %jit3A_82 = arith.constant -1.000000e+30 : f32
    %broadcast_in_dim3A_83 = vector.broadcast %jit3A_82 : f32 to vector<256x256xf32>
    %select_n3A_84 = arith.select %ne3A, %broadcast_in_dim3A_83, %mul3A_81 : vector<256x256xi1>, vector<256x256xf32>
    %exp3A_85 = math.exp %select_n3A_84 : vector<256x256xf32>
    %reduce_sum3A_86 = arith.constant dense<0.000000e+00> : vector<256xf32>
    %reduce_sum3A_87 = vector.multi_reduction <add>, %exp3A_85, %reduce_sum3A_86 [1] : vector<256x256xf32> to vector<256xf32>
    %broadcast_in_dim3A_88 = vector.shape_cast %reduce_sum3A_87 : vector<256xf32> to vector<256x1xf32>
    %div3A_89 = arith.constant 1.000000e+00 : f32
    %div3A_90 = vector.broadcast %div3A_89 : f32 to vector<256x1xf32>
    %div3A_91 = arith.divf %div3A_90, %broadcast_in_dim3A_88 : vector<256x1xf32>
    %mul3A_92 = vector.broadcast %div3A_91 : vector<256x1xf32> to vector<256x256xf32>
    %mul3A_93 = arith.mulf %exp3A_85, %mul3A_92 : vector<256x256xf32>
    %convert_element_type3A_94 = arith.truncf %mul3A_93 : vector<256x256xf32> to vector<256x256xbf16>
    %slice3A_95 = vector.extract_strided_slice %convert_element_type3A {offsets = [512, 0], sizes = [256, 32], strides = [1, 1]} : vector<2048x32xbf16> to vector<256x32xbf16>
    %dot_general3A_96 = arith.constant dense<0.000000e+00> : vector<256x32xf32>
    %dot_general3A_97 = tpu.matmul %convert_element_type3A_94, %slice3A_95, %dot_general3A_96 {dimension_numbers = #tpu.dot_dimension_numbers<[1], [0], [0], [1], [0, 0, 1, 1], [], []>, transpose_lhs_hint = false} : vector<256x256xbf16>, vector<256x32xbf16>, vector<256x32xf32> -> vector<256x32xf32>
    %swap3A_98 = arith.constant 0 : index
    %swap3A_99 = arith.constant 512 : index
    %swap3A_100 = arith.constant 0 : index
    %swap3A_101 = vector.load %arg2[%swap3A_98, %swap3A_99, %swap3A_100] : memref<1x2048x128xf32, #tpu.memory_space<vmem>>, vector<1x256x32xf32>
    %swap3A_102 = vector.shape_cast %swap3A_101 : vector<1x256x32xf32> to vector<256x32xf32>
    %swap3A_103 = vector.shape_cast %dot_general3A_97 : vector<256x32xf32> to vector<1x256x32xf32>
    tpu.vector_store %arg2[%swap3A_98, %swap3A_99, %swap3A_100], %swap3A_103 {strides = array<i32>} : memref<1x2048x128xf32, #tpu.memory_space<vmem>>, vector<1x256x32xf32>,
    %slice3A_104 = vector.extract_strided_slice %convert_element_type3A_9 {offsets = [768, 0], sizes = [256, 32], strides = [1, 1]} : vector<2048x32xbf16> to vector<256x32xbf16>
    %slice3A_105 = vector.extract_strided_slice %convert_element_type3A_14 {offsets = [768, 0], sizes = [256, 32], strides = [1, 1]} : vector<2048x32xbf16> to vector<256x32xbf16>
    %dot_general3A_106 = arith.constant dense<0.000000e+00> : vector<256x256xf32>
    %dot_general3A_107 = tpu.matmul %slice3A_104, %slice3A_105, %dot_general3A_106 {dimension_numbers = #tpu.dot_dimension_numbers<[1], [1], [0], [0], [0, 0, 1, 0], [], []>, transpose_lhs_hint = false} : vector<256x32xbf16>, vector<256x32xbf16>, vector<256x256xf32> -> vector<256x256xf32>
    %mul3A_108 = vector.broadcast %div3A_18 : f32 to vector<256x256xf32>
    %mul3A_109 = arith.mulf %dot_general3A_107, %mul3A_108 : vector<256x256xf32>
    %jit3A_110 = arith.constant -1.000000e+30 : f32
    %broadcast_in_dim3A_111 = vector.broadcast %jit3A_110 : f32 to vector<256x256xf32>
    %select_n3A_112 = arith.select %ne3A, %broadcast_in_dim3A_111, %mul3A_109 : vector<256x256xi1>, vector<256x256xf32>
    %exp3A_113 = math.exp %select_n3A_112 : vector<256x256xf32>
    %reduce_sum3A_114 = arith.constant dense<0.000000e+00> : vector<256xf32>
    %reduce_sum3A_115 = vector.multi_reduction <add>, %exp3A_113, %reduce_sum3A_114 [1] : vector<256x256xf32> to vector<256xf32>
    %broadcast_in_dim3A_116 = vector.shape_cast %reduce_sum3A_115 : vector<256xf32> to vector<256x1xf32>
    %div3A_117 = arith.constant 1.000000e+00 : f32
    %div3A_118 = vector.broadcast %div3A_117 : f32 to vector<256x1xf32>
    %div3A_119 = arith.divf %div3A_118, %broadcast_in_dim3A_116 : vector<256x1xf32>
    %mul3A_120 = vector.broadcast %div3A_119 : vector<256x1xf32> to vector<256x256xf32>
    %mul3A_121 = arith.mulf %exp3A_113, %mul3A_120 : vector<256x256xf32>
    %convert_element_type3A_122 = arith.truncf %mul3A_121 : vector<256x256xf32> to vector<256x256xbf16>
    %slice3A_123 = vector.extract_strided_slice %convert_element_type3A {offsets = [768, 0], sizes = [256, 32], strides = [1, 1]} : vector<2048x32xbf16> to vector<256x32xbf16>
    %dot_general3A_124 = arith.constant dense<0.000000e+00> : vector<256x32xf32>
    %dot_general3A_125 = tpu.matmul %convert_element_type3A_122, %slice3A_123, %dot_general3A_124 {dimension_numbers = #tpu.dot_dimension_numbers<[1], [0], [0], [1], [0, 0, 1, 1], [], []>, transpose_lhs_hint = false} : vector<256x256xbf16>, vector<256x32xbf16>, vector<256x32xf32> -> vector<256x32xf32>
    %swap3A_126 = arith.constant 0 : index
    %swap3A_127 = arith.constant 768 : index
    %swap3A_128 = arith.constant 0 : index
    %swap3A_129 = vector.load %arg2[%swap3A_126, %swap3A_127, %swap3A_128] : memref<1x2048x128xf32, #tpu.memory_space<vmem>>, vector<1x256x32xf32>
    %swap3A_130 = vector.shape_cast %swap3A_129 : vector<1x256x32xf32> to vector<256x32xf32>
    %swap3A_131 = vector.shape_cast %dot_general3A_125 : vector<256x32xf32> to vector<1x256x32xf32>
    tpu.vector_store %arg2[%swap3A_126, %swap3A_127, %swap3A_128], %swap3A_131 {strides = array<i32>} : memref<1x2048x128xf32, #tpu.memory_space<vmem>>, vector<1x256x32xf32>,
    %slice3A_132 = vector.extract_strided_slice %convert_element_type3A_9 {offsets = [1024, 0], sizes = [256, 32], strides = [1, 1]} : vector<2048x32xbf16> to vector<256x32xbf16>
    %slice3A_133 = vector.extract_strided_slice %convert_element_type3A_14 {offsets = [1024, 0], sizes = [256, 32], strides = [1, 1]} : vector<2048x32xbf16> to vector<256x32xbf16>
    %dot_general3A_134 = arith.constant dense<0.000000e+00> : vector<256x256xf32>
    %dot_general3A_135 = tpu.matmul %slice3A_132, %slice3A_133, %dot_general3A_134 {dimension_numbers = #tpu.dot_dimension_numbers<[1], [1], [0], [0], [0, 0, 1, 0], [], []>, transpose_lhs_hint = false} : vector<256x32xbf16>, vector<256x32xbf16>, vector<256x256xf32> -> vector<256x256xf32>
    %mul3A_136 = vector.broadcast %div3A_18 : f32 to vector<256x256xf32>
    %mul3A_137 = arith.mulf %dot_general3A_135, %mul3A_136 : vector<256x256xf32>
    %jit3A_138 = arith.constant -1.000000e+30 : f32
    %broadcast_in_dim3A_139 = vector.broadcast %jit3A_138 : f32 to vector<256x256xf32>
    %select_n3A_140 = arith.select %ne3A, %broadcast_in_dim3A_139, %mul3A_137 : vector<256x256xi1>, vector<256x256xf32>
    %exp3A_141 = math.exp %select_n3A_140 : vector<256x256xf32>
    %reduce_sum3A_142 = arith.constant dense<0.000000e+00> : vector<256xf32>
    %reduce_sum3A_143 = vector.multi_reduction <add>, %exp3A_141, %reduce_sum3A_142 [1] : vector<256x256xf32> to vector<256xf32>
    %broadcast_in_dim3A_144 = vector.shape_cast %reduce_sum3A_143 : vector<256xf32> to vector<256x1xf32>
    %div3A_145 = arith.constant 1.000000e+00 : f32
    %div3A_146 = vector.broadcast %div3A_145 : f32 to vector<256x1xf32>
    %div3A_147 = arith.divf %div3A_146, %broadcast_in_dim3A_144 : vector<256x1xf32>
    %mul3A_148 = vector.broadcast %div3A_147 : vector<256x1xf32> to vector<256x256xf32>
    %mul3A_149 = arith.mulf %exp3A_141, %mul3A_148 : vector<256x256xf32>
    %convert_element_type3A_150 = arith.truncf %mul3A_149 : vector<256x256xf32> to vector<256x256xbf16>
    %slice3A_151 = vector.extract_strided_slice %convert_element_type3A {offsets = [1024, 0], sizes = [256, 32], strides = [1, 1]} : vector<2048x32xbf16> to vector<256x32xbf16>
    %dot_general3A_152 = arith.constant dense<0.000000e+00> : vector<256x32xf32>
    %dot_general3A_153 = tpu.matmul %convert_element_type3A_150, %slice3A_151, %dot_general3A_152 {dimension_numbers = #tpu.dot_dimension_numbers<[1], [0], [0], [1], [0, 0, 1, 1], [], []>, transpose_lhs_hint = false} : vector<256x256xbf16>, vector<256x32xbf16>, vector<256x32xf32> -> vector<256x32xf32>
    %swap3A_154 = arith.constant 0 : index
    %swap3A_155 = arith.constant 1024 : index
    %swap3A_156 = arith.constant 0 : index
    %swap3A_157 = vector.load %arg2[%swap3A_154, %swap3A_155, %swap3A_156] : memref<1x2048x128xf32, #tpu.memory_space<vmem>>, vector<1x256x32xf32>
    %swap3A_158 = vector.shape_cast %swap3A_157 : vector<1x256x32xf32> to vector<256x32xf32>
    %swap3A_159 = vector.shape_cast %dot_general3A_153 : vector<256x32xf32> to vector<1x256x32xf32>
    tpu.vector_store %arg2[%swap3A_154, %swap3A_155, %swap3A_156], %swap3A_159 {strides = array<i32>} : memref<1x2048x128xf32, #tpu.memory_space<vmem>>, vector<1x256x32xf32>,
    %slice3A_160 = vector.extract_strided_slice %convert_element_type3A_9 {offsets = [1280, 0], sizes = [256, 32], strides = [1, 1]} : vector<2048x32xbf16> to vector<256x32xbf16>
    %slice3A_161 = vector.extract_strided_slice %convert_element_type3A_14 {offsets = [1280, 0], sizes = [256, 32], strides = [1, 1]} : vector<2048x32xbf16> to vector<256x32xbf16>
    %dot_general3A_162 = arith.constant dense<0.000000e+00> : vector<256x256xf32>
    %dot_general3A_163 = tpu.matmul %slice3A_160, %slice3A_161, %dot_general3A_162 {dimension_numbers = #tpu.dot_dimension_numbers<[1], [1], [0], [0], [0, 0, 1, 0], [], []>, transpose_lhs_hint = false} : vector<256x32xbf16>, vector<256x32xbf16>, vector<256x256xf32> -> vector<256x256xf32>
    %mul3A_164 = vector.broadcast %div3A_18 : f32 to vector<256x256xf32>
    %mul3A_165 = arith.mulf %dot_general3A_163, %mul3A_164 : vector<256x256xf32>
    %jit3A_166 = arith.constant -1.000000e+30 : f32
    %broadcast_in_dim3A_167 = vector.broadcast %jit3A_166 : f32 to vector<256x256xf32>
    %select_n3A_168 = arith.select %ne3A, %broadcast_in_dim3A_167, %mul3A_165 : vector<256x256xi1>, vector<256x256xf32>
    %exp3A_169 = math.exp %select_n3A_168 : vector<256x256xf32>
    %reduce_sum3A_170 = arith.constant dense<0.000000e+00> : vector<256xf32>
    %reduce_sum3A_171 = vector.multi_reduction <add>, %exp3A_169, %reduce_sum3A_170 [1] : vector<256x256xf32> to vector<256xf32>
    %broadcast_in_dim3A_172 = vector.shape_cast %reduce_sum3A_171 : vector<256xf32> to vector<256x1xf32>
    %div3A_173 = arith.constant 1.000000e+00 : f32
    %div3A_174 = vector.broadcast %div3A_173 : f32 to vector<256x1xf32>
    %div3A_175 = arith.divf %div3A_174, %broadcast_in_dim3A_172 : vector<256x1xf32>
    %mul3A_176 = vector.broadcast %div3A_175 : vector<256x1xf32> to vector<256x256xf32>
    %mul3A_177 = arith.mulf %exp3A_169, %mul3A_176 : vector<256x256xf32>
    %convert_element_type3A_178 = arith.truncf %mul3A_177 : vector<256x256xf32> to vector<256x256xbf16>
    %slice3A_179 = vector.extract_strided_slice %convert_element_type3A {offsets = [1280, 0], sizes = [256, 32], strides = [1, 1]} : vector<2048x32xbf16> to vector<256x32xbf16>
    %dot_general3A_180 = arith.constant dense<0.000000e+00> : vector<256x32xf32>
    %dot_general3A_181 = tpu.matmul %convert_element_type3A_178, %slice3A_179, %dot_general3A_180 {dimension_numbers = #tpu.dot_dimension_numbers<[1], [0], [0], [1], [0, 0, 1, 1], [], []>, transpose_lhs_hint = false} : vector<256x256xbf16>, vector<256x32xbf16>, vector<256x32xf32> -> vector<256x32xf32>
    %swap3A_182 = arith.constant 0 : index
    %swap3A_183 = arith.constant 1280 : index
    %swap3A_184 = arith.constant 0 : index
    %swap3A_185 = vector.load %arg2[%swap3A_182, %swap3A_183, %swap3A_184] : memref<1x2048x128xf32, #tpu.memory_space<vmem>>, vector<1x256x32xf32>
    %swap3A_186 = vector.shape_cast %swap3A_185 : vector<1x256x32xf32> to vector<256x32xf32>
    %swap3A_187 = vector.shape_cast %dot_general3A_181 : vector<256x32xf32> to vector<1x256x32xf32>
    tpu.vector_store %arg2[%swap3A_182, %swap3A_183, %swap3A_184], %swap3A_187 {strides = array<i32>} : memref<1x2048x128xf32, #tpu.memory_space<vmem>>, vector<1x256x32xf32>,
    %slice3A_188 = vector.extract_strided_slice %convert_element_type3A_9 {offsets = [1536, 0], sizes = [256, 32], strides = [1, 1]} : vector<2048x32xbf16> to vector<256x32xbf16>
    %slice3A_189 = vector.extract_strided_slice %convert_element_type3A_14 {offsets = [1536, 0], sizes = [256, 32], strides = [1, 1]} : vector<2048x32xbf16> to vector<256x32xbf16>
    %dot_general3A_190 = arith.constant dense<0.000000e+00> : vector<256x256xf32>
    %dot_general3A_191 = tpu.matmul %slice3A_188, %slice3A_189, %dot_general3A_190 {dimension_numbers = #tpu.dot_dimension_numbers<[1], [1], [0], [0], [0, 0, 1, 0], [], []>, transpose_lhs_hint = false} : vector<256x32xbf16>, vector<256x32xbf16>, vector<256x256xf32> -> vector<256x256xf32>
    %mul3A_192 = vector.broadcast %div3A_18 : f32 to vector<256x256xf32>
    %mul3A_193 = arith.mulf %dot_general3A_191, %mul3A_192 : vector<256x256xf32>
    %jit3A_194 = arith.constant -1.000000e+30 : f32
    %broadcast_in_dim3A_195 = vector.broadcast %jit3A_194 : f32 to vector<256x256xf32>
    %select_n3A_196 = arith.select %ne3A, %broadcast_in_dim3A_195, %mul3A_193 : vector<256x256xi1>, vector<256x256xf32>
    %exp3A_197 = math.exp %select_n3A_196 : vector<256x256xf32>
    %reduce_sum3A_198 = arith.constant dense<0.000000e+00> : vector<256xf32>
    %reduce_sum3A_199 = vector.multi_reduction <add>, %exp3A_197, %reduce_sum3A_198 [1] : vector<256x256xf32> to vector<256xf32>
    %broadcast_in_dim3A_200 = vector.shape_cast %reduce_sum3A_199 : vector<256xf32> to vector<256x1xf32>
    %div3A_201 = arith.constant 1.000000e+00 : f32
    %div3A_202 = vector.broadcast %div3A_201 : f32 to vector<256x1xf32>
    %div3A_203 = arith.divf %div3A_202, %broadcast_in_dim3A_200 : vector<256x1xf32>
    %mul3A_204 = vector.broadcast %div3A_203 : vector<256x1xf32> to vector<256x256xf32>
    %mul3A_205 = arith.mulf %exp3A_197, %mul3A_204 : vector<256x256xf32>
    %convert_element_type3A_206 = arith.truncf %mul3A_205 : vector<256x256xf32> to vector<256x256xbf16>
    %slice3A_207 = vector.extract_strided_slice %convert_element_type3A {offsets = [1536, 0], sizes = [256, 32], strides = [1, 1]} : vector<2048x32xbf16> to vector<256x32xbf16>
    %dot_general3A_208 = arith.constant dense<0.000000e+00> : vector<256x32xf32>
    %dot_general3A_209 = tpu.matmul %convert_element_type3A_206, %slice3A_207, %dot_general3A_208 {dimension_numbers = #tpu.dot_dimension_numbers<[1], [0], [0], [1], [0, 0, 1, 1], [], []>, transpose_lhs_hint = false} : vector<256x256xbf16>, vector<256x32xbf16>, vector<256x32xf32> -> vector<256x32xf32>
    %swap3A_210 = arith.constant 0 : index
    %swap3A_211 = arith.constant 1536 : index
    %swap3A_212 = arith.constant 0 : index
    %swap3A_213 = vector.load %arg2[%swap3A_210, %swap3A_211, %swap3A_212] : memref<1x2048x128xf32, #tpu.memory_space<vmem>>, vector<1x256x32xf32>
    %swap3A_214 = vector.shape_cast %swap3A_213 : vector<1x256x32xf32> to vector<256x32xf32>
    %swap3A_215 = vector.shape_cast %dot_general3A_209 : vector<256x32xf32> to vector<1x256x32xf32>
    tpu.vector_store %arg2[%swap3A_210, %swap3A_211, %swap3A_212], %swap3A_215 {strides = array<i32>} : memref<1x2048x128xf32, #tpu.memory_space<vmem>>, vector<1x256x32xf32>,
    %slice3A_216 = vector.extract_strided_slice %convert_element_type3A_9 {offsets = [1792, 0], sizes = [256, 32], strides = [1, 1]} : vector<2048x32xbf16> to vector<256x32xbf16>
    %slice3A_217 = vector.extract_strided_slice %convert_element_type3A_14 {offsets = [1792, 0], sizes = [256, 32], strides = [1, 1]} : vector<2048x32xbf16> to vector<256x32xbf16>
    %dot_general3A_218 = arith.constant dense<0.000000e+00> : vector<256x256xf32>
    %dot_general3A_219 = tpu.matmul %slice3A_216, %slice3A_217, %dot_general3A_218 {dimension_numbers = #tpu.dot_dimension_numbers<[1], [1], [0], [0], [0, 0, 1, 0], [], []>, transpose_lhs_hint = false} : vector<256x32xbf16>, vector<256x32xbf16>, vector<256x256xf32> -> vector<256x256xf32>
    %mul3A_220 = vector.broadcast %div3A_18 : f32 to vector<256x256xf32>
    %mul3A_221 = arith.mulf %dot_general3A_219, %mul3A_220 : vector<256x256xf32>
    %jit3A_222 = arith.constant -1.000000e+30 : f32
    %broadcast_in_dim3A_223 = vector.broadcast %jit3A_222 : f32 to vector<256x256xf32>
    %select_n3A_224 = arith.select %ne3A, %broadcast_in_dim3A_223, %mul3A_221 : vector<256x256xi1>, vector<256x256xf32>
    %exp3A_225 = math.exp %select_n3A_224 : vector<256x256xf32>
    %reduce_sum3A_226 = arith.constant dense<0.000000e+00> : vector<256xf32>
    %reduce_sum3A_227 = vector.multi_reduction <add>, %exp3A_225, %reduce_sum3A_226 [1] : vector<256x256xf32> to vector<256xf32>
    %broadcast_in_dim3A_228 = vector.shape_cast %reduce_sum3A_227 : vector<256xf32> to vector<256x1xf32>
    %div3A_229 = arith.constant 1.000000e+00 : f32
    %div3A_230 = vector.broadcast %div3A_229 : f32 to vector<256x1xf32>
    %div3A_231 = arith.divf %div3A_230, %broadcast_in_dim3A_228 : vector<256x1xf32>
    %mul3A_232 = vector.broadcast %div3A_231 : vector<256x1xf32> to vector<256x256xf32>
    %mul3A_233 = arith.mulf %exp3A_225, %mul3A_232 : vector<256x256xf32>
    %convert_element_type3A_234 = arith.truncf %mul3A_233 : vector<256x256xf32> to vector<256x256xbf16>
    %slice3A_235 = vector.extract_strided_slice %convert_element_type3A {offsets = [1792, 0], sizes = [256, 32], strides = [1, 1]} : vector<2048x32xbf16> to vector<256x32xbf16>
    %dot_general3A_236 = arith.constant dense<0.000000e+00> : vector<256x32xf32>
    %dot_general3A_237 = tpu.matmul %convert_element_type3A_234, %slice3A_235, %dot_general3A_236 {dimension_numbers = #tpu.dot_dimension_numbers<[1], [0], [0], [1], [0, 0, 1, 1], [], []>, transpose_lhs_hint = false} : vector<256x256xbf16>, vector<256x32xbf16>, vector<256x32xf32> -> vector<256x32xf32>
    %swap3A_238 = arith.constant 0 : index
    %swap3A_239 = arith.constant 1792 : index
    %swap3A_240 = arith.constant 0 : index
    %swap3A_241 = vector.load %arg2[%swap3A_238, %swap3A_239, %swap3A_240] : memref<1x2048x128xf32, #tpu.memory_space<vmem>>, vector<1x256x32xf32>
    %swap3A_242 = vector.shape_cast %swap3A_241 : vector<1x256x32xf32> to vector<256x32xf32>
    %swap3A_243 = vector.shape_cast %dot_general3A_237 : vector<256x32xf32> to vector<1x256x32xf32>
    tpu.vector_store %arg2[%swap3A_238, %swap3A_239, %swap3A_240], %swap3A_243 {strides = array<i32>} : memref<1x2048x128xf32, #tpu.memory_space<vmem>>, vector<1x256x32xf32>,
    return
  }
  func.func @transform_0(%arg0: i32) -> (i32, i32, i32) {
    %c0_i32 = arith.constant 0 : i32
    %c0_i32_0 = arith.constant 0 : i32
    %c0_i32_1 = arith.constant 0 : i32
    return %arg0, %c0_i32, %c0_i32_0 : i32, i32, i32
  }
  func.func @transform_1(%arg0: i32) -> (i32, i32, i32) {
    %c0_i32 = arith.constant 0 : i32
    %c0_i32_0 = arith.constant 0 : i32
    %c0_i32_1 = arith.constant 0 : i32
    return %arg0, %c0_i32, %c0_i32_0 : i32, i32, i32
  }
}

module attributes {stable_mosaic.version = 14 : i64} {
  func.func @_k1_body(%arg0: i32, %arg1: i32, %arg2: memref<1x256x1024xf32, #tpu.memory_space<vmem>>, %arg3: memref<1024x1024xf32, #tpu.memory_space<vmem>>, %arg4: memref<1x1024xf32, #tpu.memory_space<vmem>>, %arg5: memref<1024x1024xf32, #tpu.memory_space<vmem>>, %arg6: memref<1x1024xf32, #tpu.memory_space<vmem>>, %arg7: memref<1x1024xf32, #tpu.memory_space<vmem>>, %arg8: memref<1x1024xf32, #tpu.memory_space<vmem>>, %arg9: memref<32x256x128xf32, #tpu.memory_space<vmem>>) attributes {dimension_semantics = [#tpu.dimension_semantics<arbitrary>, #tpu.dimension_semantics<arbitrary>], iteration_bounds = array<i64: 4, 8>, scalar_prefetch = 0 : i64, scratch_operands = 0 : i64, tpu.core_type = #tpu.core_type<tc>, window_params = [{transform_indices = @transform_0, window_bounds = array<i64: 1, 256, 1024>}, {pipeline_mode = #tpu.pipeline_mode<synchronous>, transform_indices = @transform_1, window_bounds = array<i64: 1024, 1024>}, {pipeline_mode = #tpu.pipeline_mode<synchronous>, transform_indices = @transform_2, window_bounds = array<i64: 1, 1024>}, {pipeline_mode = #tpu.pipeline_mode<synchronous>, transform_indices = @transform_3, window_bounds = array<i64: 1024, 1024>}, {pipeline_mode = #tpu.pipeline_mode<synchronous>, transform_indices = @transform_4, window_bounds = array<i64: 1, 1024>}, {pipeline_mode = #tpu.pipeline_mode<synchronous>, transform_indices = @transform_5, window_bounds = array<i64: 1, 1024>}, {pipeline_mode = #tpu.pipeline_mode<synchronous>, transform_indices = @transform_6, window_bounds = array<i64: 1, 1024>}, {transform_indices = @transform_7, window_bounds = array<i64: 32, 256, 128>}]} {
    %get3A = arith.constant 0 : index
    %get3A_0 = arith.constant 0 : index
    %get3A_1 = arith.constant 0 : index
    %get3A_2 = vector.load %arg2[%get3A, %get3A_0, %get3A_1] : memref<1x256x1024xf32, #tpu.memory_space<vmem>>, vector<1x256x1024xf32>
    %get3A_3 = vector.shape_cast %get3A_2 : vector<1x256x1024xf32> to vector<256x1024xf32>
    %get3A_4 = arith.constant 0 : index
    %get3A_5 = arith.constant 0 : index
    %get3A_6 = vector.load %arg7[%get3A_4, %get3A_5] : memref<1x1024xf32, #tpu.memory_space<vmem>>, vector<1x1024xf32>
    %get3A_7 = arith.constant 0 : index
    %get3A_8 = arith.constant 0 : index
    %get3A_9 = vector.load %arg8[%get3A_7, %get3A_8] : memref<1x1024xf32, #tpu.memory_space<vmem>>, vector<1x1024xf32>
    %reduce_sum3A = arith.constant dense<0.000000e+00> : vector<256xf32>
    %reduce_sum3A_10 = vector.multi_reduction <add>, %get3A_3, %reduce_sum3A [1] : vector<256x1024xf32> to vector<256xf32>
    %broadcast_in_dim3A = vector.shape_cast %reduce_sum3A_10 : vector<256xf32> to vector<256x1xf32>
    %div3A = arith.constant 1.024000e+03 : f32
    %div3A_11 = vector.broadcast %div3A : f32 to vector<256x1xf32>
    %div3A_12 = arith.divf %broadcast_in_dim3A, %div3A_11 : vector<256x1xf32>
    %sub3A = vector.broadcast %div3A_12 : vector<256x1xf32> to vector<256x1024xf32>
    %sub3A_13 = arith.subf %get3A_3, %sub3A : vector<256x1024xf32>
    %mul3A = arith.mulf %sub3A_13, %sub3A_13 : vector<256x1024xf32>
    %reduce_sum3A_14 = arith.constant dense<0.000000e+00> : vector<256xf32>
    %reduce_sum3A_15 = vector.multi_reduction <add>, %mul3A, %reduce_sum3A_14 [1] : vector<256x1024xf32> to vector<256xf32>
    %broadcast_in_dim3A_16 = vector.shape_cast %reduce_sum3A_15 : vector<256xf32> to vector<256x1xf32>
    %mul3A_17 = arith.constant 9.77517105E-4 : f32
    %mul3A_18 = vector.broadcast %mul3A_17 : f32 to vector<256x1xf32>
    %mul3A_19 = arith.mulf %broadcast_in_dim3A_16, %mul3A_18 : vector<256x1xf32>
    %add3A = arith.constant 9.99999997E-7 : f32
    %add3A_20 = vector.broadcast %add3A : f32 to vector<256x1xf32>
    %add3A_21 = arith.addf %mul3A_19, %add3A_20 : vector<256x1xf32>
    %rsqrt3A = math.rsqrt %add3A_21 : vector<256x1xf32>
    %mul3A_22 = vector.broadcast %rsqrt3A : vector<256x1xf32> to vector<256x1024xf32>
    %mul3A_23 = arith.mulf %sub3A_13, %mul3A_22 : vector<256x1024xf32>
    %mul3A_24 = vector.broadcast %get3A_6 : vector<1x1024xf32> to vector<256x1024xf32>
    %mul3A_25 = arith.mulf %mul3A_23, %mul3A_24 : vector<256x1024xf32>
    %add3A_26 = vector.broadcast %get3A_9 : vector<1x1024xf32> to vector<256x1024xf32>
    %add3A_27 = arith.addf %mul3A_25, %add3A_26 : vector<256x1024xf32>
    %get3A_28 = arith.constant 0 : index
    %get3A_29 = arith.constant 0 : index
    %get3A_30 = vector.load %arg3[%get3A_28, %get3A_29] : memref<1024x1024xf32, #tpu.memory_space<vmem>>, vector<1024x1024xf32>
    %dot_general3A = arith.constant dense<0.000000e+00> : vector<256x1024xf32>
    %dot_general3A_31 = tpu.matmul %add3A_27, %get3A_30, %dot_general3A {dimension_numbers = #tpu.dot_dimension_numbers<[1], [0], [0], [1], [0, 0, 1, 1], [], []>, transpose_lhs_hint = false} : vector<256x1024xf32>, vector<1024x1024xf32>, vector<256x1024xf32> -> vector<256x1024xf32>
    %get3A_32 = arith.constant 0 : index
    %get3A_33 = arith.constant 0 : index
    %get3A_34 = vector.load %arg4[%get3A_32, %get3A_33] : memref<1x1024xf32, #tpu.memory_space<vmem>>, vector<1x1024xf32>
    %add3A_35 = vector.broadcast %get3A_34 : vector<1x1024xf32> to vector<256x1024xf32>
    %add3A_36 = arith.addf %dot_general3A_31, %add3A_35 : vector<256x1024xf32>
    %get3A_37 = arith.constant 0 : index
    %get3A_38 = arith.constant 0 : index
    %get3A_39 = vector.load %arg5[%get3A_37, %get3A_38] : memref<1024x1024xf32, #tpu.memory_space<vmem>>, vector<1024x1024xf32>
    %dot_general3A_40 = arith.constant dense<0.000000e+00> : vector<256x1024xf32>
    %dot_general3A_41 = tpu.matmul %add3A_27, %get3A_39, %dot_general3A_40 {dimension_numbers = #tpu.dot_dimension_numbers<[1], [0], [0], [1], [0, 0, 1, 1], [], []>, transpose_lhs_hint = false} : vector<256x1024xf32>, vector<1024x1024xf32>, vector<256x1024xf32> -> vector<256x1024xf32>
    %get3A_42 = arith.constant 0 : index
    %get3A_43 = arith.constant 0 : index
    %get3A_44 = vector.load %arg6[%get3A_42, %get3A_43] : memref<1x1024xf32, #tpu.memory_space<vmem>>, vector<1x1024xf32>
    %add3A_45 = vector.broadcast %get3A_44 : vector<1x1024xf32> to vector<256x1024xf32>
    %add3A_46 = arith.addf %dot_general3A_41, %add3A_45 : vector<256x1024xf32>
    %slice3A = vector.extract_strided_slice %add3A_36 {offsets = [0, 0], sizes = [256, 32], strides = [1, 1]} : vector<256x1024xf32> to vector<256x32xf32>
    %slice3A_47 = vector.extract_strided_slice %add3A_46 {offsets = [0, 0], sizes = [256, 32], strides = [1, 1]} : vector<256x1024xf32> to vector<256x32xf32>
    %concatenate3A = tpu.concatenate %slice3A, %slice3A_47 in 1 : vector<256x32xf32>, vector<256x32xf32> -> vector<256x64xf32>
    %swap3A = arith.constant 0 : index
    %swap3A_48 = arith.constant 0 : index
    %swap3A_49 = arith.constant 0 : index
    %swap3A_50 = vector.load %arg9[%swap3A, %swap3A_48, %swap3A_49] : memref<32x256x128xf32, #tpu.memory_space<vmem>>, vector<1x256x64xf32>
    %swap3A_51 = vector.shape_cast %swap3A_50 : vector<1x256x64xf32> to vector<256x64xf32>
    %swap3A_52 = vector.shape_cast %concatenate3A : vector<256x64xf32> to vector<1x256x64xf32>
    tpu.vector_store %arg9[%swap3A, %swap3A_48, %swap3A_49], %swap3A_52 {strides = array<i32>} : memref<32x256x128xf32, #tpu.memory_space<vmem>>, vector<1x256x64xf32>,
    %slice3A_53 = vector.extract_strided_slice %add3A_36 {offsets = [0, 32], sizes = [256, 32], strides = [1, 1]} : vector<256x1024xf32> to vector<256x32xf32>
    %slice3A_54 = vector.extract_strided_slice %add3A_46 {offsets = [0, 32], sizes = [256, 32], strides = [1, 1]} : vector<256x1024xf32> to vector<256x32xf32>
    %concatenate3A_55 = tpu.concatenate %slice3A_53, %slice3A_54 in 1 : vector<256x32xf32>, vector<256x32xf32> -> vector<256x64xf32>
    %swap3A_56 = arith.constant 1 : index
    %swap3A_57 = arith.constant 0 : index
    %swap3A_58 = arith.constant 0 : index
    %swap3A_59 = vector.load %arg9[%swap3A_56, %swap3A_57, %swap3A_58] : memref<32x256x128xf32, #tpu.memory_space<vmem>>, vector<1x256x64xf32>
    %swap3A_60 = vector.shape_cast %swap3A_59 : vector<1x256x64xf32> to vector<256x64xf32>
    %swap3A_61 = vector.shape_cast %concatenate3A_55 : vector<256x64xf32> to vector<1x256x64xf32>
    tpu.vector_store %arg9[%swap3A_56, %swap3A_57, %swap3A_58], %swap3A_61 {strides = array<i32>} : memref<32x256x128xf32, #tpu.memory_space<vmem>>, vector<1x256x64xf32>,
    %slice3A_62 = vector.extract_strided_slice %add3A_36 {offsets = [0, 64], sizes = [256, 32], strides = [1, 1]} : vector<256x1024xf32> to vector<256x32xf32>
    %slice3A_63 = vector.extract_strided_slice %add3A_46 {offsets = [0, 64], sizes = [256, 32], strides = [1, 1]} : vector<256x1024xf32> to vector<256x32xf32>
    %concatenate3A_64 = tpu.concatenate %slice3A_62, %slice3A_63 in 1 : vector<256x32xf32>, vector<256x32xf32> -> vector<256x64xf32>
    %swap3A_65 = arith.constant 2 : index
    %swap3A_66 = arith.constant 0 : index
    %swap3A_67 = arith.constant 0 : index
    %swap3A_68 = vector.load %arg9[%swap3A_65, %swap3A_66, %swap3A_67] : memref<32x256x128xf32, #tpu.memory_space<vmem>>, vector<1x256x64xf32>
    %swap3A_69 = vector.shape_cast %swap3A_68 : vector<1x256x64xf32> to vector<256x64xf32>
    %swap3A_70 = vector.shape_cast %concatenate3A_64 : vector<256x64xf32> to vector<1x256x64xf32>
    tpu.vector_store %arg9[%swap3A_65, %swap3A_66, %swap3A_67], %swap3A_70 {strides = array<i32>} : memref<32x256x128xf32, #tpu.memory_space<vmem>>, vector<1x256x64xf32>,
    %slice3A_71 = vector.extract_strided_slice %add3A_36 {offsets = [0, 96], sizes = [256, 32], strides = [1, 1]} : vector<256x1024xf32> to vector<256x32xf32>
    %slice3A_72 = vector.extract_strided_slice %add3A_46 {offsets = [0, 96], sizes = [256, 32], strides = [1, 1]} : vector<256x1024xf32> to vector<256x32xf32>
    %concatenate3A_73 = tpu.concatenate %slice3A_71, %slice3A_72 in 1 : vector<256x32xf32>, vector<256x32xf32> -> vector<256x64xf32>
    %swap3A_74 = arith.constant 3 : index
    %swap3A_75 = arith.constant 0 : index
    %swap3A_76 = arith.constant 0 : index
    %swap3A_77 = vector.load %arg9[%swap3A_74, %swap3A_75, %swap3A_76] : memref<32x256x128xf32, #tpu.memory_space<vmem>>, vector<1x256x64xf32>
    %swap3A_78 = vector.shape_cast %swap3A_77 : vector<1x256x64xf32> to vector<256x64xf32>
    %swap3A_79 = vector.shape_cast %concatenate3A_73 : vector<256x64xf32> to vector<1x256x64xf32>
    tpu.vector_store %arg9[%swap3A_74, %swap3A_75, %swap3A_76], %swap3A_79 {strides = array<i32>} : memref<32x256x128xf32, #tpu.memory_space<vmem>>, vector<1x256x64xf32>,
    %slice3A_80 = vector.extract_strided_slice %add3A_36 {offsets = [0, 128], sizes = [256, 32], strides = [1, 1]} : vector<256x1024xf32> to vector<256x32xf32>
    %slice3A_81 = vector.extract_strided_slice %add3A_46 {offsets = [0, 128], sizes = [256, 32], strides = [1, 1]} : vector<256x1024xf32> to vector<256x32xf32>
    %concatenate3A_82 = tpu.concatenate %slice3A_80, %slice3A_81 in 1 : vector<256x32xf32>, vector<256x32xf32> -> vector<256x64xf32>
    %swap3A_83 = arith.constant 4 : index
    %swap3A_84 = arith.constant 0 : index
    %swap3A_85 = arith.constant 0 : index
    %swap3A_86 = vector.load %arg9[%swap3A_83, %swap3A_84, %swap3A_85] : memref<32x256x128xf32, #tpu.memory_space<vmem>>, vector<1x256x64xf32>
    %swap3A_87 = vector.shape_cast %swap3A_86 : vector<1x256x64xf32> to vector<256x64xf32>
    %swap3A_88 = vector.shape_cast %concatenate3A_82 : vector<256x64xf32> to vector<1x256x64xf32>
    tpu.vector_store %arg9[%swap3A_83, %swap3A_84, %swap3A_85], %swap3A_88 {strides = array<i32>} : memref<32x256x128xf32, #tpu.memory_space<vmem>>, vector<1x256x64xf32>,
    %slice3A_89 = vector.extract_strided_slice %add3A_36 {offsets = [0, 160], sizes = [256, 32], strides = [1, 1]} : vector<256x1024xf32> to vector<256x32xf32>
    %slice3A_90 = vector.extract_strided_slice %add3A_46 {offsets = [0, 160], sizes = [256, 32], strides = [1, 1]} : vector<256x1024xf32> to vector<256x32xf32>
    %concatenate3A_91 = tpu.concatenate %slice3A_89, %slice3A_90 in 1 : vector<256x32xf32>, vector<256x32xf32> -> vector<256x64xf32>
    %swap3A_92 = arith.constant 5 : index
    %swap3A_93 = arith.constant 0 : index
    %swap3A_94 = arith.constant 0 : index
    %swap3A_95 = vector.load %arg9[%swap3A_92, %swap3A_93, %swap3A_94] : memref<32x256x128xf32, #tpu.memory_space<vmem>>, vector<1x256x64xf32>
    %swap3A_96 = vector.shape_cast %swap3A_95 : vector<1x256x64xf32> to vector<256x64xf32>
    %swap3A_97 = vector.shape_cast %concatenate3A_91 : vector<256x64xf32> to vector<1x256x64xf32>
    tpu.vector_store %arg9[%swap3A_92, %swap3A_93, %swap3A_94], %swap3A_97 {strides = array<i32>} : memref<32x256x128xf32, #tpu.memory_space<vmem>>, vector<1x256x64xf32>,
    %slice3A_98 = vector.extract_strided_slice %add3A_36 {offsets = [0, 192], sizes = [256, 32], strides = [1, 1]} : vector<256x1024xf32> to vector<256x32xf32>
    %slice3A_99 = vector.extract_strided_slice %add3A_46 {offsets = [0, 192], sizes = [256, 32], strides = [1, 1]} : vector<256x1024xf32> to vector<256x32xf32>
    %concatenate3A_100 = tpu.concatenate %slice3A_98, %slice3A_99 in 1 : vector<256x32xf32>, vector<256x32xf32> -> vector<256x64xf32>
    %swap3A_101 = arith.constant 6 : index
    %swap3A_102 = arith.constant 0 : index
    %swap3A_103 = arith.constant 0 : index
    %swap3A_104 = vector.load %arg9[%swap3A_101, %swap3A_102, %swap3A_103] : memref<32x256x128xf32, #tpu.memory_space<vmem>>, vector<1x256x64xf32>
    %swap3A_105 = vector.shape_cast %swap3A_104 : vector<1x256x64xf32> to vector<256x64xf32>
    %swap3A_106 = vector.shape_cast %concatenate3A_100 : vector<256x64xf32> to vector<1x256x64xf32>
    tpu.vector_store %arg9[%swap3A_101, %swap3A_102, %swap3A_103], %swap3A_106 {strides = array<i32>} : memref<32x256x128xf32, #tpu.memory_space<vmem>>, vector<1x256x64xf32>,
    %slice3A_107 = vector.extract_strided_slice %add3A_36 {offsets = [0, 224], sizes = [256, 32], strides = [1, 1]} : vector<256x1024xf32> to vector<256x32xf32>
    %slice3A_108 = vector.extract_strided_slice %add3A_46 {offsets = [0, 224], sizes = [256, 32], strides = [1, 1]} : vector<256x1024xf32> to vector<256x32xf32>
    %concatenate3A_109 = tpu.concatenate %slice3A_107, %slice3A_108 in 1 : vector<256x32xf32>, vector<256x32xf32> -> vector<256x64xf32>
    %swap3A_110 = arith.constant 7 : index
    %swap3A_111 = arith.constant 0 : index
    %swap3A_112 = arith.constant 0 : index
    %swap3A_113 = vector.load %arg9[%swap3A_110, %swap3A_111, %swap3A_112] : memref<32x256x128xf32, #tpu.memory_space<vmem>>, vector<1x256x64xf32>
    %swap3A_114 = vector.shape_cast %swap3A_113 : vector<1x256x64xf32> to vector<256x64xf32>
    %swap3A_115 = vector.shape_cast %concatenate3A_109 : vector<256x64xf32> to vector<1x256x64xf32>
    tpu.vector_store %arg9[%swap3A_110, %swap3A_111, %swap3A_112], %swap3A_115 {strides = array<i32>} : memref<32x256x128xf32, #tpu.memory_space<vmem>>, vector<1x256x64xf32>,
    %slice3A_116 = vector.extract_strided_slice %add3A_36 {offsets = [0, 256], sizes = [256, 32], strides = [1, 1]} : vector<256x1024xf32> to vector<256x32xf32>
    %slice3A_117 = vector.extract_strided_slice %add3A_46 {offsets = [0, 256], sizes = [256, 32], strides = [1, 1]} : vector<256x1024xf32> to vector<256x32xf32>
    %concatenate3A_118 = tpu.concatenate %slice3A_116, %slice3A_117 in 1 : vector<256x32xf32>, vector<256x32xf32> -> vector<256x64xf32>
    %swap3A_119 = arith.constant 8 : index
    %swap3A_120 = arith.constant 0 : index
    %swap3A_121 = arith.constant 0 : index
    %swap3A_122 = vector.load %arg9[%swap3A_119, %swap3A_120, %swap3A_121] : memref<32x256x128xf32, #tpu.memory_space<vmem>>, vector<1x256x64xf32>
    %swap3A_123 = vector.shape_cast %swap3A_122 : vector<1x256x64xf32> to vector<256x64xf32>
    %swap3A_124 = vector.shape_cast %concatenate3A_118 : vector<256x64xf32> to vector<1x256x64xf32>
    tpu.vector_store %arg9[%swap3A_119, %swap3A_120, %swap3A_121], %swap3A_124 {strides = array<i32>} : memref<32x256x128xf32, #tpu.memory_space<vmem>>, vector<1x256x64xf32>,
    %slice3A_125 = vector.extract_strided_slice %add3A_36 {offsets = [0, 288], sizes = [256, 32], strides = [1, 1]} : vector<256x1024xf32> to vector<256x32xf32>
    %slice3A_126 = vector.extract_strided_slice %add3A_46 {offsets = [0, 288], sizes = [256, 32], strides = [1, 1]} : vector<256x1024xf32> to vector<256x32xf32>
    %concatenate3A_127 = tpu.concatenate %slice3A_125, %slice3A_126 in 1 : vector<256x32xf32>, vector<256x32xf32> -> vector<256x64xf32>
    %swap3A_128 = arith.constant 9 : index
    %swap3A_129 = arith.constant 0 : index
    %swap3A_130 = arith.constant 0 : index
    %swap3A_131 = vector.load %arg9[%swap3A_128, %swap3A_129, %swap3A_130] : memref<32x256x128xf32, #tpu.memory_space<vmem>>, vector<1x256x64xf32>
    %swap3A_132 = vector.shape_cast %swap3A_131 : vector<1x256x64xf32> to vector<256x64xf32>
    %swap3A_133 = vector.shape_cast %concatenate3A_127 : vector<256x64xf32> to vector<1x256x64xf32>
    tpu.vector_store %arg9[%swap3A_128, %swap3A_129, %swap3A_130], %swap3A_133 {strides = array<i32>} : memref<32x256x128xf32, #tpu.memory_space<vmem>>, vector<1x256x64xf32>,
    %slice3A_134 = vector.extract_strided_slice %add3A_36 {offsets = [0, 320], sizes = [256, 32], strides = [1, 1]} : vector<256x1024xf32> to vector<256x32xf32>
    %slice3A_135 = vector.extract_strided_slice %add3A_46 {offsets = [0, 320], sizes = [256, 32], strides = [1, 1]} : vector<256x1024xf32> to vector<256x32xf32>
    %concatenate3A_136 = tpu.concatenate %slice3A_134, %slice3A_135 in 1 : vector<256x32xf32>, vector<256x32xf32> -> vector<256x64xf32>
    %swap3A_137 = arith.constant 10 : index
    %swap3A_138 = arith.constant 0 : index
    %swap3A_139 = arith.constant 0 : index
    %swap3A_140 = vector.load %arg9[%swap3A_137, %swap3A_138, %swap3A_139] : memref<32x256x128xf32, #tpu.memory_space<vmem>>, vector<1x256x64xf32>
    %swap3A_141 = vector.shape_cast %swap3A_140 : vector<1x256x64xf32> to vector<256x64xf32>
    %swap3A_142 = vector.shape_cast %concatenate3A_136 : vector<256x64xf32> to vector<1x256x64xf32>
    tpu.vector_store %arg9[%swap3A_137, %swap3A_138, %swap3A_139], %swap3A_142 {strides = array<i32>} : memref<32x256x128xf32, #tpu.memory_space<vmem>>, vector<1x256x64xf32>,
    %slice3A_143 = vector.extract_strided_slice %add3A_36 {offsets = [0, 352], sizes = [256, 32], strides = [1, 1]} : vector<256x1024xf32> to vector<256x32xf32>
    %slice3A_144 = vector.extract_strided_slice %add3A_46 {offsets = [0, 352], sizes = [256, 32], strides = [1, 1]} : vector<256x1024xf32> to vector<256x32xf32>
    %concatenate3A_145 = tpu.concatenate %slice3A_143, %slice3A_144 in 1 : vector<256x32xf32>, vector<256x32xf32> -> vector<256x64xf32>
    %swap3A_146 = arith.constant 11 : index
    %swap3A_147 = arith.constant 0 : index
    %swap3A_148 = arith.constant 0 : index
    %swap3A_149 = vector.load %arg9[%swap3A_146, %swap3A_147, %swap3A_148] : memref<32x256x128xf32, #tpu.memory_space<vmem>>, vector<1x256x64xf32>
    %swap3A_150 = vector.shape_cast %swap3A_149 : vector<1x256x64xf32> to vector<256x64xf32>
    %swap3A_151 = vector.shape_cast %concatenate3A_145 : vector<256x64xf32> to vector<1x256x64xf32>
    tpu.vector_store %arg9[%swap3A_146, %swap3A_147, %swap3A_148], %swap3A_151 {strides = array<i32>} : memref<32x256x128xf32, #tpu.memory_space<vmem>>, vector<1x256x64xf32>,
    %slice3A_152 = vector.extract_strided_slice %add3A_36 {offsets = [0, 384], sizes = [256, 32], strides = [1, 1]} : vector<256x1024xf32> to vector<256x32xf32>
    %slice3A_153 = vector.extract_strided_slice %add3A_46 {offsets = [0, 384], sizes = [256, 32], strides = [1, 1]} : vector<256x1024xf32> to vector<256x32xf32>
    %concatenate3A_154 = tpu.concatenate %slice3A_152, %slice3A_153 in 1 : vector<256x32xf32>, vector<256x32xf32> -> vector<256x64xf32>
    %swap3A_155 = arith.constant 12 : index
    %swap3A_156 = arith.constant 0 : index
    %swap3A_157 = arith.constant 0 : index
    %swap3A_158 = vector.load %arg9[%swap3A_155, %swap3A_156, %swap3A_157] : memref<32x256x128xf32, #tpu.memory_space<vmem>>, vector<1x256x64xf32>
    %swap3A_159 = vector.shape_cast %swap3A_158 : vector<1x256x64xf32> to vector<256x64xf32>
    %swap3A_160 = vector.shape_cast %concatenate3A_154 : vector<256x64xf32> to vector<1x256x64xf32>
    tpu.vector_store %arg9[%swap3A_155, %swap3A_156, %swap3A_157], %swap3A_160 {strides = array<i32>} : memref<32x256x128xf32, #tpu.memory_space<vmem>>, vector<1x256x64xf32>,
    %slice3A_161 = vector.extract_strided_slice %add3A_36 {offsets = [0, 416], sizes = [256, 32], strides = [1, 1]} : vector<256x1024xf32> to vector<256x32xf32>
    %slice3A_162 = vector.extract_strided_slice %add3A_46 {offsets = [0, 416], sizes = [256, 32], strides = [1, 1]} : vector<256x1024xf32> to vector<256x32xf32>
    %concatenate3A_163 = tpu.concatenate %slice3A_161, %slice3A_162 in 1 : vector<256x32xf32>, vector<256x32xf32> -> vector<256x64xf32>
    %swap3A_164 = arith.constant 13 : index
    %swap3A_165 = arith.constant 0 : index
    %swap3A_166 = arith.constant 0 : index
    %swap3A_167 = vector.load %arg9[%swap3A_164, %swap3A_165, %swap3A_166] : memref<32x256x128xf32, #tpu.memory_space<vmem>>, vector<1x256x64xf32>
    %swap3A_168 = vector.shape_cast %swap3A_167 : vector<1x256x64xf32> to vector<256x64xf32>
    %swap3A_169 = vector.shape_cast %concatenate3A_163 : vector<256x64xf32> to vector<1x256x64xf32>
    tpu.vector_store %arg9[%swap3A_164, %swap3A_165, %swap3A_166], %swap3A_169 {strides = array<i32>} : memref<32x256x128xf32, #tpu.memory_space<vmem>>, vector<1x256x64xf32>,
    %slice3A_170 = vector.extract_strided_slice %add3A_36 {offsets = [0, 448], sizes = [256, 32], strides = [1, 1]} : vector<256x1024xf32> to vector<256x32xf32>
    %slice3A_171 = vector.extract_strided_slice %add3A_46 {offsets = [0, 448], sizes = [256, 32], strides = [1, 1]} : vector<256x1024xf32> to vector<256x32xf32>
    %concatenate3A_172 = tpu.concatenate %slice3A_170, %slice3A_171 in 1 : vector<256x32xf32>, vector<256x32xf32> -> vector<256x64xf32>
    %swap3A_173 = arith.constant 14 : index
    %swap3A_174 = arith.constant 0 : index
    %swap3A_175 = arith.constant 0 : index
    %swap3A_176 = vector.load %arg9[%swap3A_173, %swap3A_174, %swap3A_175] : memref<32x256x128xf32, #tpu.memory_space<vmem>>, vector<1x256x64xf32>
    %swap3A_177 = vector.shape_cast %swap3A_176 : vector<1x256x64xf32> to vector<256x64xf32>
    %swap3A_178 = vector.shape_cast %concatenate3A_172 : vector<256x64xf32> to vector<1x256x64xf32>
    tpu.vector_store %arg9[%swap3A_173, %swap3A_174, %swap3A_175], %swap3A_178 {strides = array<i32>} : memref<32x256x128xf32, #tpu.memory_space<vmem>>, vector<1x256x64xf32>,
    %slice3A_179 = vector.extract_strided_slice %add3A_36 {offsets = [0, 480], sizes = [256, 32], strides = [1, 1]} : vector<256x1024xf32> to vector<256x32xf32>
    %slice3A_180 = vector.extract_strided_slice %add3A_46 {offsets = [0, 480], sizes = [256, 32], strides = [1, 1]} : vector<256x1024xf32> to vector<256x32xf32>
    %concatenate3A_181 = tpu.concatenate %slice3A_179, %slice3A_180 in 1 : vector<256x32xf32>, vector<256x32xf32> -> vector<256x64xf32>
    %swap3A_182 = arith.constant 15 : index
    %swap3A_183 = arith.constant 0 : index
    %swap3A_184 = arith.constant 0 : index
    %swap3A_185 = vector.load %arg9[%swap3A_182, %swap3A_183, %swap3A_184] : memref<32x256x128xf32, #tpu.memory_space<vmem>>, vector<1x256x64xf32>
    %swap3A_186 = vector.shape_cast %swap3A_185 : vector<1x256x64xf32> to vector<256x64xf32>
    %swap3A_187 = vector.shape_cast %concatenate3A_181 : vector<256x64xf32> to vector<1x256x64xf32>
    tpu.vector_store %arg9[%swap3A_182, %swap3A_183, %swap3A_184], %swap3A_187 {strides = array<i32>} : memref<32x256x128xf32, #tpu.memory_space<vmem>>, vector<1x256x64xf32>,
    %slice3A_188 = vector.extract_strided_slice %add3A_36 {offsets = [0, 512], sizes = [256, 32], strides = [1, 1]} : vector<256x1024xf32> to vector<256x32xf32>
    %slice3A_189 = vector.extract_strided_slice %add3A_46 {offsets = [0, 512], sizes = [256, 32], strides = [1, 1]} : vector<256x1024xf32> to vector<256x32xf32>
    %concatenate3A_190 = tpu.concatenate %slice3A_188, %slice3A_189 in 1 : vector<256x32xf32>, vector<256x32xf32> -> vector<256x64xf32>
    %swap3A_191 = arith.constant 16 : index
    %swap3A_192 = arith.constant 0 : index
    %swap3A_193 = arith.constant 0 : index
    %swap3A_194 = vector.load %arg9[%swap3A_191, %swap3A_192, %swap3A_193] : memref<32x256x128xf32, #tpu.memory_space<vmem>>, vector<1x256x64xf32>
    %swap3A_195 = vector.shape_cast %swap3A_194 : vector<1x256x64xf32> to vector<256x64xf32>
    %swap3A_196 = vector.shape_cast %concatenate3A_190 : vector<256x64xf32> to vector<1x256x64xf32>
    tpu.vector_store %arg9[%swap3A_191, %swap3A_192, %swap3A_193], %swap3A_196 {strides = array<i32>} : memref<32x256x128xf32, #tpu.memory_space<vmem>>, vector<1x256x64xf32>,
    %slice3A_197 = vector.extract_strided_slice %add3A_36 {offsets = [0, 544], sizes = [256, 32], strides = [1, 1]} : vector<256x1024xf32> to vector<256x32xf32>
    %slice3A_198 = vector.extract_strided_slice %add3A_46 {offsets = [0, 544], sizes = [256, 32], strides = [1, 1]} : vector<256x1024xf32> to vector<256x32xf32>
    %concatenate3A_199 = tpu.concatenate %slice3A_197, %slice3A_198 in 1 : vector<256x32xf32>, vector<256x32xf32> -> vector<256x64xf32>
    %swap3A_200 = arith.constant 17 : index
    %swap3A_201 = arith.constant 0 : index
    %swap3A_202 = arith.constant 0 : index
    %swap3A_203 = vector.load %arg9[%swap3A_200, %swap3A_201, %swap3A_202] : memref<32x256x128xf32, #tpu.memory_space<vmem>>, vector<1x256x64xf32>
    %swap3A_204 = vector.shape_cast %swap3A_203 : vector<1x256x64xf32> to vector<256x64xf32>
    %swap3A_205 = vector.shape_cast %concatenate3A_199 : vector<256x64xf32> to vector<1x256x64xf32>
    tpu.vector_store %arg9[%swap3A_200, %swap3A_201, %swap3A_202], %swap3A_205 {strides = array<i32>} : memref<32x256x128xf32, #tpu.memory_space<vmem>>, vector<1x256x64xf32>,
    %slice3A_206 = vector.extract_strided_slice %add3A_36 {offsets = [0, 576], sizes = [256, 32], strides = [1, 1]} : vector<256x1024xf32> to vector<256x32xf32>
    %slice3A_207 = vector.extract_strided_slice %add3A_46 {offsets = [0, 576], sizes = [256, 32], strides = [1, 1]} : vector<256x1024xf32> to vector<256x32xf32>
    %concatenate3A_208 = tpu.concatenate %slice3A_206, %slice3A_207 in 1 : vector<256x32xf32>, vector<256x32xf32> -> vector<256x64xf32>
    %swap3A_209 = arith.constant 18 : index
    %swap3A_210 = arith.constant 0 : index
    %swap3A_211 = arith.constant 0 : index
    %swap3A_212 = vector.load %arg9[%swap3A_209, %swap3A_210, %swap3A_211] : memref<32x256x128xf32, #tpu.memory_space<vmem>>, vector<1x256x64xf32>
    %swap3A_213 = vector.shape_cast %swap3A_212 : vector<1x256x64xf32> to vector<256x64xf32>
    %swap3A_214 = vector.shape_cast %concatenate3A_208 : vector<256x64xf32> to vector<1x256x64xf32>
    tpu.vector_store %arg9[%swap3A_209, %swap3A_210, %swap3A_211], %swap3A_214 {strides = array<i32>} : memref<32x256x128xf32, #tpu.memory_space<vmem>>, vector<1x256x64xf32>,
    %slice3A_215 = vector.extract_strided_slice %add3A_36 {offsets = [0, 608], sizes = [256, 32], strides = [1, 1]} : vector<256x1024xf32> to vector<256x32xf32>
    %slice3A_216 = vector.extract_strided_slice %add3A_46 {offsets = [0, 608], sizes = [256, 32], strides = [1, 1]} : vector<256x1024xf32> to vector<256x32xf32>
    %concatenate3A_217 = tpu.concatenate %slice3A_215, %slice3A_216 in 1 : vector<256x32xf32>, vector<256x32xf32> -> vector<256x64xf32>
    %swap3A_218 = arith.constant 19 : index
    %swap3A_219 = arith.constant 0 : index
    %swap3A_220 = arith.constant 0 : index
    %swap3A_221 = vector.load %arg9[%swap3A_218, %swap3A_219, %swap3A_220] : memref<32x256x128xf32, #tpu.memory_space<vmem>>, vector<1x256x64xf32>
    %swap3A_222 = vector.shape_cast %swap3A_221 : vector<1x256x64xf32> to vector<256x64xf32>
    %swap3A_223 = vector.shape_cast %concatenate3A_217 : vector<256x64xf32> to vector<1x256x64xf32>
    tpu.vector_store %arg9[%swap3A_218, %swap3A_219, %swap3A_220], %swap3A_223 {strides = array<i32>} : memref<32x256x128xf32, #tpu.memory_space<vmem>>, vector<1x256x64xf32>,
    %slice3A_224 = vector.extract_strided_slice %add3A_36 {offsets = [0, 640], sizes = [256, 32], strides = [1, 1]} : vector<256x1024xf32> to vector<256x32xf32>
    %slice3A_225 = vector.extract_strided_slice %add3A_46 {offsets = [0, 640], sizes = [256, 32], strides = [1, 1]} : vector<256x1024xf32> to vector<256x32xf32>
    %concatenate3A_226 = tpu.concatenate %slice3A_224, %slice3A_225 in 1 : vector<256x32xf32>, vector<256x32xf32> -> vector<256x64xf32>
    %swap3A_227 = arith.constant 20 : index
    %swap3A_228 = arith.constant 0 : index
    %swap3A_229 = arith.constant 0 : index
    %swap3A_230 = vector.load %arg9[%swap3A_227, %swap3A_228, %swap3A_229] : memref<32x256x128xf32, #tpu.memory_space<vmem>>, vector<1x256x64xf32>
    %swap3A_231 = vector.shape_cast %swap3A_230 : vector<1x256x64xf32> to vector<256x64xf32>
    %swap3A_232 = vector.shape_cast %concatenate3A_226 : vector<256x64xf32> to vector<1x256x64xf32>
    tpu.vector_store %arg9[%swap3A_227, %swap3A_228, %swap3A_229], %swap3A_232 {strides = array<i32>} : memref<32x256x128xf32, #tpu.memory_space<vmem>>, vector<1x256x64xf32>,
    %slice3A_233 = vector.extract_strided_slice %add3A_36 {offsets = [0, 672], sizes = [256, 32], strides = [1, 1]} : vector<256x1024xf32> to vector<256x32xf32>
    %slice3A_234 = vector.extract_strided_slice %add3A_46 {offsets = [0, 672], sizes = [256, 32], strides = [1, 1]} : vector<256x1024xf32> to vector<256x32xf32>
    %concatenate3A_235 = tpu.concatenate %slice3A_233, %slice3A_234 in 1 : vector<256x32xf32>, vector<256x32xf32> -> vector<256x64xf32>
    %swap3A_236 = arith.constant 21 : index
    %swap3A_237 = arith.constant 0 : index
    %swap3A_238 = arith.constant 0 : index
    %swap3A_239 = vector.load %arg9[%swap3A_236, %swap3A_237, %swap3A_238] : memref<32x256x128xf32, #tpu.memory_space<vmem>>, vector<1x256x64xf32>
    %swap3A_240 = vector.shape_cast %swap3A_239 : vector<1x256x64xf32> to vector<256x64xf32>
    %swap3A_241 = vector.shape_cast %concatenate3A_235 : vector<256x64xf32> to vector<1x256x64xf32>
    tpu.vector_store %arg9[%swap3A_236, %swap3A_237, %swap3A_238], %swap3A_241 {strides = array<i32>} : memref<32x256x128xf32, #tpu.memory_space<vmem>>, vector<1x256x64xf32>,
    %slice3A_242 = vector.extract_strided_slice %add3A_36 {offsets = [0, 704], sizes = [256, 32], strides = [1, 1]} : vector<256x1024xf32> to vector<256x32xf32>
    %slice3A_243 = vector.extract_strided_slice %add3A_46 {offsets = [0, 704], sizes = [256, 32], strides = [1, 1]} : vector<256x1024xf32> to vector<256x32xf32>
    %concatenate3A_244 = tpu.concatenate %slice3A_242, %slice3A_243 in 1 : vector<256x32xf32>, vector<256x32xf32> -> vector<256x64xf32>
    %swap3A_245 = arith.constant 22 : index
    %swap3A_246 = arith.constant 0 : index
    %swap3A_247 = arith.constant 0 : index
    %swap3A_248 = vector.load %arg9[%swap3A_245, %swap3A_246, %swap3A_247] : memref<32x256x128xf32, #tpu.memory_space<vmem>>, vector<1x256x64xf32>
    %swap3A_249 = vector.shape_cast %swap3A_248 : vector<1x256x64xf32> to vector<256x64xf32>
    %swap3A_250 = vector.shape_cast %concatenate3A_244 : vector<256x64xf32> to vector<1x256x64xf32>
    tpu.vector_store %arg9[%swap3A_245, %swap3A_246, %swap3A_247], %swap3A_250 {strides = array<i32>} : memref<32x256x128xf32, #tpu.memory_space<vmem>>, vector<1x256x64xf32>,
    %slice3A_251 = vector.extract_strided_slice %add3A_36 {offsets = [0, 736], sizes = [256, 32], strides = [1, 1]} : vector<256x1024xf32> to vector<256x32xf32>
    %slice3A_252 = vector.extract_strided_slice %add3A_46 {offsets = [0, 736], sizes = [256, 32], strides = [1, 1]} : vector<256x1024xf32> to vector<256x32xf32>
    %concatenate3A_253 = tpu.concatenate %slice3A_251, %slice3A_252 in 1 : vector<256x32xf32>, vector<256x32xf32> -> vector<256x64xf32>
    %swap3A_254 = arith.constant 23 : index
    %swap3A_255 = arith.constant 0 : index
    %swap3A_256 = arith.constant 0 : index
    %swap3A_257 = vector.load %arg9[%swap3A_254, %swap3A_255, %swap3A_256] : memref<32x256x128xf32, #tpu.memory_space<vmem>>, vector<1x256x64xf32>
    %swap3A_258 = vector.shape_cast %swap3A_257 : vector<1x256x64xf32> to vector<256x64xf32>
    %swap3A_259 = vector.shape_cast %concatenate3A_253 : vector<256x64xf32> to vector<1x256x64xf32>
    tpu.vector_store %arg9[%swap3A_254, %swap3A_255, %swap3A_256], %swap3A_259 {strides = array<i32>} : memref<32x256x128xf32, #tpu.memory_space<vmem>>, vector<1x256x64xf32>,
    %slice3A_260 = vector.extract_strided_slice %add3A_36 {offsets = [0, 768], sizes = [256, 32], strides = [1, 1]} : vector<256x1024xf32> to vector<256x32xf32>
    %slice3A_261 = vector.extract_strided_slice %add3A_46 {offsets = [0, 768], sizes = [256, 32], strides = [1, 1]} : vector<256x1024xf32> to vector<256x32xf32>
    %concatenate3A_262 = tpu.concatenate %slice3A_260, %slice3A_261 in 1 : vector<256x32xf32>, vector<256x32xf32> -> vector<256x64xf32>
    %swap3A_263 = arith.constant 24 : index
    %swap3A_264 = arith.constant 0 : index
    %swap3A_265 = arith.constant 0 : index
    %swap3A_266 = vector.load %arg9[%swap3A_263, %swap3A_264, %swap3A_265] : memref<32x256x128xf32, #tpu.memory_space<vmem>>, vector<1x256x64xf32>
    %swap3A_267 = vector.shape_cast %swap3A_266 : vector<1x256x64xf32> to vector<256x64xf32>
    %swap3A_268 = vector.shape_cast %concatenate3A_262 : vector<256x64xf32> to vector<1x256x64xf32>
    tpu.vector_store %arg9[%swap3A_263, %swap3A_264, %swap3A_265], %swap3A_268 {strides = array<i32>} : memref<32x256x128xf32, #tpu.memory_space<vmem>>, vector<1x256x64xf32>,
    %slice3A_269 = vector.extract_strided_slice %add3A_36 {offsets = [0, 800], sizes = [256, 32], strides = [1, 1]} : vector<256x1024xf32> to vector<256x32xf32>
    %slice3A_270 = vector.extract_strided_slice %add3A_46 {offsets = [0, 800], sizes = [256, 32], strides = [1, 1]} : vector<256x1024xf32> to vector<256x32xf32>
    %concatenate3A_271 = tpu.concatenate %slice3A_269, %slice3A_270 in 1 : vector<256x32xf32>, vector<256x32xf32> -> vector<256x64xf32>
    %swap3A_272 = arith.constant 25 : index
    %swap3A_273 = arith.constant 0 : index
    %swap3A_274 = arith.constant 0 : index
    %swap3A_275 = vector.load %arg9[%swap3A_272, %swap3A_273, %swap3A_274] : memref<32x256x128xf32, #tpu.memory_space<vmem>>, vector<1x256x64xf32>
    %swap3A_276 = vector.shape_cast %swap3A_275 : vector<1x256x64xf32> to vector<256x64xf32>
    %swap3A_277 = vector.shape_cast %concatenate3A_271 : vector<256x64xf32> to vector<1x256x64xf32>
    tpu.vector_store %arg9[%swap3A_272, %swap3A_273, %swap3A_274], %swap3A_277 {strides = array<i32>} : memref<32x256x128xf32, #tpu.memory_space<vmem>>, vector<1x256x64xf32>,
    %slice3A_278 = vector.extract_strided_slice %add3A_36 {offsets = [0, 832], sizes = [256, 32], strides = [1, 1]} : vector<256x1024xf32> to vector<256x32xf32>
    %slice3A_279 = vector.extract_strided_slice %add3A_46 {offsets = [0, 832], sizes = [256, 32], strides = [1, 1]} : vector<256x1024xf32> to vector<256x32xf32>
    %concatenate3A_280 = tpu.concatenate %slice3A_278, %slice3A_279 in 1 : vector<256x32xf32>, vector<256x32xf32> -> vector<256x64xf32>
    %swap3A_281 = arith.constant 26 : index
    %swap3A_282 = arith.constant 0 : index
    %swap3A_283 = arith.constant 0 : index
    %swap3A_284 = vector.load %arg9[%swap3A_281, %swap3A_282, %swap3A_283] : memref<32x256x128xf32, #tpu.memory_space<vmem>>, vector<1x256x64xf32>
    %swap3A_285 = vector.shape_cast %swap3A_284 : vector<1x256x64xf32> to vector<256x64xf32>
    %swap3A_286 = vector.shape_cast %concatenate3A_280 : vector<256x64xf32> to vector<1x256x64xf32>
    tpu.vector_store %arg9[%swap3A_281, %swap3A_282, %swap3A_283], %swap3A_286 {strides = array<i32>} : memref<32x256x128xf32, #tpu.memory_space<vmem>>, vector<1x256x64xf32>,
    %slice3A_287 = vector.extract_strided_slice %add3A_36 {offsets = [0, 864], sizes = [256, 32], strides = [1, 1]} : vector<256x1024xf32> to vector<256x32xf32>
    %slice3A_288 = vector.extract_strided_slice %add3A_46 {offsets = [0, 864], sizes = [256, 32], strides = [1, 1]} : vector<256x1024xf32> to vector<256x32xf32>
    %concatenate3A_289 = tpu.concatenate %slice3A_287, %slice3A_288 in 1 : vector<256x32xf32>, vector<256x32xf32> -> vector<256x64xf32>
    %swap3A_290 = arith.constant 27 : index
    %swap3A_291 = arith.constant 0 : index
    %swap3A_292 = arith.constant 0 : index
    %swap3A_293 = vector.load %arg9[%swap3A_290, %swap3A_291, %swap3A_292] : memref<32x256x128xf32, #tpu.memory_space<vmem>>, vector<1x256x64xf32>
    %swap3A_294 = vector.shape_cast %swap3A_293 : vector<1x256x64xf32> to vector<256x64xf32>
    %swap3A_295 = vector.shape_cast %concatenate3A_289 : vector<256x64xf32> to vector<1x256x64xf32>
    tpu.vector_store %arg9[%swap3A_290, %swap3A_291, %swap3A_292], %swap3A_295 {strides = array<i32>} : memref<32x256x128xf32, #tpu.memory_space<vmem>>, vector<1x256x64xf32>,
    %slice3A_296 = vector.extract_strided_slice %add3A_36 {offsets = [0, 896], sizes = [256, 32], strides = [1, 1]} : vector<256x1024xf32> to vector<256x32xf32>
    %slice3A_297 = vector.extract_strided_slice %add3A_46 {offsets = [0, 896], sizes = [256, 32], strides = [1, 1]} : vector<256x1024xf32> to vector<256x32xf32>
    %concatenate3A_298 = tpu.concatenate %slice3A_296, %slice3A_297 in 1 : vector<256x32xf32>, vector<256x32xf32> -> vector<256x64xf32>
    %swap3A_299 = arith.constant 28 : index
    %swap3A_300 = arith.constant 0 : index
    %swap3A_301 = arith.constant 0 : index
    %swap3A_302 = vector.load %arg9[%swap3A_299, %swap3A_300, %swap3A_301] : memref<32x256x128xf32, #tpu.memory_space<vmem>>, vector<1x256x64xf32>
    %swap3A_303 = vector.shape_cast %swap3A_302 : vector<1x256x64xf32> to vector<256x64xf32>
    %swap3A_304 = vector.shape_cast %concatenate3A_298 : vector<256x64xf32> to vector<1x256x64xf32>
    tpu.vector_store %arg9[%swap3A_299, %swap3A_300, %swap3A_301], %swap3A_304 {strides = array<i32>} : memref<32x256x128xf32, #tpu.memory_space<vmem>>, vector<1x256x64xf32>,
    %slice3A_305 = vector.extract_strided_slice %add3A_36 {offsets = [0, 928], sizes = [256, 32], strides = [1, 1]} : vector<256x1024xf32> to vector<256x32xf32>
    %slice3A_306 = vector.extract_strided_slice %add3A_46 {offsets = [0, 928], sizes = [256, 32], strides = [1, 1]} : vector<256x1024xf32> to vector<256x32xf32>
    %concatenate3A_307 = tpu.concatenate %slice3A_305, %slice3A_306 in 1 : vector<256x32xf32>, vector<256x32xf32> -> vector<256x64xf32>
    %swap3A_308 = arith.constant 29 : index
    %swap3A_309 = arith.constant 0 : index
    %swap3A_310 = arith.constant 0 : index
    %swap3A_311 = vector.load %arg9[%swap3A_308, %swap3A_309, %swap3A_310] : memref<32x256x128xf32, #tpu.memory_space<vmem>>, vector<1x256x64xf32>
    %swap3A_312 = vector.shape_cast %swap3A_311 : vector<1x256x64xf32> to vector<256x64xf32>
    %swap3A_313 = vector.shape_cast %concatenate3A_307 : vector<256x64xf32> to vector<1x256x64xf32>
    tpu.vector_store %arg9[%swap3A_308, %swap3A_309, %swap3A_310], %swap3A_313 {strides = array<i32>} : memref<32x256x128xf32, #tpu.memory_space<vmem>>, vector<1x256x64xf32>,
    %slice3A_314 = vector.extract_strided_slice %add3A_36 {offsets = [0, 960], sizes = [256, 32], strides = [1, 1]} : vector<256x1024xf32> to vector<256x32xf32>
    %slice3A_315 = vector.extract_strided_slice %add3A_46 {offsets = [0, 960], sizes = [256, 32], strides = [1, 1]} : vector<256x1024xf32> to vector<256x32xf32>
    %concatenate3A_316 = tpu.concatenate %slice3A_314, %slice3A_315 in 1 : vector<256x32xf32>, vector<256x32xf32> -> vector<256x64xf32>
    %swap3A_317 = arith.constant 30 : index
    %swap3A_318 = arith.constant 0 : index
    %swap3A_319 = arith.constant 0 : index
    %swap3A_320 = vector.load %arg9[%swap3A_317, %swap3A_318, %swap3A_319] : memref<32x256x128xf32, #tpu.memory_space<vmem>>, vector<1x256x64xf32>
    %swap3A_321 = vector.shape_cast %swap3A_320 : vector<1x256x64xf32> to vector<256x64xf32>
    %swap3A_322 = vector.shape_cast %concatenate3A_316 : vector<256x64xf32> to vector<1x256x64xf32>
    tpu.vector_store %arg9[%swap3A_317, %swap3A_318, %swap3A_319], %swap3A_322 {strides = array<i32>} : memref<32x256x128xf32, #tpu.memory_space<vmem>>, vector<1x256x64xf32>,
    %slice3A_323 = vector.extract_strided_slice %add3A_36 {offsets = [0, 992], sizes = [256, 32], strides = [1, 1]} : vector<256x1024xf32> to vector<256x32xf32>
    %slice3A_324 = vector.extract_strided_slice %add3A_46 {offsets = [0, 992], sizes = [256, 32], strides = [1, 1]} : vector<256x1024xf32> to vector<256x32xf32>
    %concatenate3A_325 = tpu.concatenate %slice3A_323, %slice3A_324 in 1 : vector<256x32xf32>, vector<256x32xf32> -> vector<256x64xf32>
    %swap3A_326 = arith.constant 31 : index
    %swap3A_327 = arith.constant 0 : index
    %swap3A_328 = arith.constant 0 : index
    %swap3A_329 = vector.load %arg9[%swap3A_326, %swap3A_327, %swap3A_328] : memref<32x256x128xf32, #tpu.memory_space<vmem>>, vector<1x256x64xf32>
    %swap3A_330 = vector.shape_cast %swap3A_329 : vector<1x256x64xf32> to vector<256x64xf32>
    %swap3A_331 = vector.shape_cast %concatenate3A_325 : vector<256x64xf32> to vector<1x256x64xf32>
    tpu.vector_store %arg9[%swap3A_326, %swap3A_327, %swap3A_328], %swap3A_331 {strides = array<i32>} : memref<32x256x128xf32, #tpu.memory_space<vmem>>, vector<1x256x64xf32>,
    return
  }
  func.func @transform_0(%arg0: i32, %arg1: i32) -> (i32, i32, i32) {
    %c0_i32 = arith.constant 0 : i32
    %c0_i32_0 = arith.constant 0 : i32
    return %arg0, %arg1, %c0_i32 : i32, i32, i32
  }
  func.func @transform_1(%arg0: i32, %arg1: i32) -> (i32, i32) {
    %c0_i32 = arith.constant 0 : i32
    %c0_i32_0 = arith.constant 0 : i32
    %c0_i32_1 = arith.constant 0 : i32
    return %c0_i32, %c0_i32_0 : i32, i32
  }
  func.func @transform_2(%arg0: i32, %arg1: i32) -> (i32, i32) {
    %c0_i32 = arith.constant 0 : i32
    %c0_i32_0 = arith.constant 0 : i32
    %c0_i32_1 = arith.constant 0 : i32
    return %c0_i32, %c0_i32_0 : i32, i32
  }
  func.func @transform_3(%arg0: i32, %arg1: i32) -> (i32, i32) {
    %c0_i32 = arith.constant 0 : i32
    %c0_i32_0 = arith.constant 0 : i32
    %c0_i32_1 = arith.constant 0 : i32
    return %c0_i32, %c0_i32_0 : i32, i32
  }
  func.func @transform_4(%arg0: i32, %arg1: i32) -> (i32, i32) {
    %c0_i32 = arith.constant 0 : i32
    %c0_i32_0 = arith.constant 0 : i32
    %c0_i32_1 = arith.constant 0 : i32
    return %c0_i32, %c0_i32_0 : i32, i32
  }
  func.func @transform_5(%arg0: i32, %arg1: i32) -> (i32, i32) {
    %c0_i32 = arith.constant 0 : i32
    %c0_i32_0 = arith.constant 0 : i32
    %c0_i32_1 = arith.constant 0 : i32
    return %c0_i32, %c0_i32_0 : i32, i32
  }
  func.func @transform_6(%arg0: i32, %arg1: i32) -> (i32, i32) {
    %c0_i32 = arith.constant 0 : i32
    %c0_i32_0 = arith.constant 0 : i32
    %c0_i32_1 = arith.constant 0 : i32
    return %c0_i32, %c0_i32_0 : i32, i32
  }
  func.func @transform_7(%arg0: i32, %arg1: i32) -> (i32, i32, i32) {
    %c0_i32 = arith.constant 0 : i32
    %c0_i32_0 = arith.constant 0 : i32
    return %arg0, %arg1, %c0_i32 : i32, i32, i32
  }
}

module attributes {stable_mosaic.version = 14 : i64} {
  func.func @_k4_body(%arg0: i32, %arg1: i32, %arg2: memref<32x256x128xf32, #tpu.memory_space<vmem>>, %arg3: memref<1x256x1024xf32, #tpu.memory_space<vmem>>, %arg4: memref<1024x1024xbf16, #tpu.memory_space<vmem>>, %arg5: memref<1x1024xf32, #tpu.memory_space<vmem>>, %arg6: memref<1x1024xf32, #tpu.memory_space<vmem>>, %arg7: memref<1x1024xf32, #tpu.memory_space<vmem>>, %arg8: memref<1024x3072xbf16, #tpu.memory_space<vmem>>, %arg9: memref<1x3072xf32, #tpu.memory_space<vmem>>, %arg10: memref<1024x3072xbf16, #tpu.memory_space<vmem>>, %arg11: memref<1x3072xf32, #tpu.memory_space<vmem>>, %arg12: memref<3072x1024xbf16, #tpu.memory_space<vmem>>, %arg13: memref<1x1024xf32, #tpu.memory_space<vmem>>, %arg14: memref<1x256x1024xf32, #tpu.memory_space<vmem>>) attributes {dimension_semantics = [#tpu.dimension_semantics<arbitrary>, #tpu.dimension_semantics<arbitrary>], iteration_bounds = array<i64: 4, 8>, scalar_prefetch = 0 : i64, scratch_operands = 0 : i64, tpu.core_type = #tpu.core_type<tc>, window_params = [{transform_indices = @transform_0, window_bounds = array<i64: 32, 256, 128>}, {transform_indices = @transform_1, window_bounds = array<i64: 1, 256, 1024>}, {pipeline_mode = #tpu.pipeline_mode<synchronous>, transform_indices = @transform_2, window_bounds = array<i64: 1024, 1024>}, {pipeline_mode = #tpu.pipeline_mode<synchronous>, transform_indices = @transform_3, window_bounds = array<i64: 1, 1024>}, {pipeline_mode = #tpu.pipeline_mode<synchronous>, transform_indices = @transform_4, window_bounds = array<i64: 1, 1024>}, {pipeline_mode = #tpu.pipeline_mode<synchronous>, transform_indices = @transform_5, window_bounds = array<i64: 1, 1024>}, {pipeline_mode = #tpu.pipeline_mode<synchronous>, transform_indices = @transform_6, window_bounds = array<i64: 1024, 3072>}, {pipeline_mode = #tpu.pipeline_mode<synchronous>, transform_indices = @transform_7, window_bounds = array<i64: 1, 3072>}, {pipeline_mode = #tpu.pipeline_mode<synchronous>, transform_indices = @transform_8, window_bounds = array<i64: 1024, 3072>}, {pipeline_mode = #tpu.pipeline_mode<synchronous>, transform_indices = @transform_9, window_bounds = array<i64: 1, 3072>}, {pipeline_mode = #tpu.pipeline_mode<synchronous>, transform_indices = @transform_10, window_bounds = array<i64: 3072, 1024>}, {pipeline_mode = #tpu.pipeline_mode<synchronous>, transform_indices = @transform_11, window_bounds = array<i64: 1, 1024>}, {transform_indices = @transform_12, window_bounds = array<i64: 1, 256, 1024>}]} {
    %get3A = arith.constant 0 : index
    %get3A_0 = arith.constant 0 : index
    %get3A_1 = arith.constant 0 : index
    %get3A_2 = vector.load %arg2[%get3A, %get3A_0, %get3A_1] : memref<32x256x128xf32, #tpu.memory_space<vmem>>, vector<1x256x32xf32>
    %get3A_3 = vector.shape_cast %get3A_2 : vector<1x256x32xf32> to vector<256x32xf32>
    %get3A_4 = arith.constant 1 : index
    %get3A_5 = arith.constant 0 : index
    %get3A_6 = arith.constant 0 : index
    %get3A_7 = vector.load %arg2[%get3A_4, %get3A_5, %get3A_6] : memref<32x256x128xf32, #tpu.memory_space<vmem>>, vector<1x256x32xf32>
    %get3A_8 = vector.shape_cast %get3A_7 : vector<1x256x32xf32> to vector<256x32xf32>
    %get3A_9 = arith.constant 2 : index
    %get3A_10 = arith.constant 0 : index
    %get3A_11 = arith.constant 0 : index
    %get3A_12 = vector.load %arg2[%get3A_9, %get3A_10, %get3A_11] : memref<32x256x128xf32, #tpu.memory_space<vmem>>, vector<1x256x32xf32>
    %get3A_13 = vector.shape_cast %get3A_12 : vector<1x256x32xf32> to vector<256x32xf32>
    %get3A_14 = arith.constant 3 : index
    %get3A_15 = arith.constant 0 : index
    %get3A_16 = arith.constant 0 : index
    %get3A_17 = vector.load %arg2[%get3A_14, %get3A_15, %get3A_16] : memref<32x256x128xf32, #tpu.memory_space<vmem>>, vector<1x256x32xf32>
    %get3A_18 = vector.shape_cast %get3A_17 : vector<1x256x32xf32> to vector<256x32xf32>
    %get3A_19 = arith.constant 4 : index
    %get3A_20 = arith.constant 0 : index
    %get3A_21 = arith.constant 0 : index
    %get3A_22 = vector.load %arg2[%get3A_19, %get3A_20, %get3A_21] : memref<32x256x128xf32, #tpu.memory_space<vmem>>, vector<1x256x32xf32>
    %get3A_23 = vector.shape_cast %get3A_22 : vector<1x256x32xf32> to vector<256x32xf32>
    %get3A_24 = arith.constant 5 : index
    %get3A_25 = arith.constant 0 : index
    %get3A_26 = arith.constant 0 : index
    %get3A_27 = vector.load %arg2[%get3A_24, %get3A_25, %get3A_26] : memref<32x256x128xf32, #tpu.memory_space<vmem>>, vector<1x256x32xf32>
    %get3A_28 = vector.shape_cast %get3A_27 : vector<1x256x32xf32> to vector<256x32xf32>
    %get3A_29 = arith.constant 6 : index
    %get3A_30 = arith.constant 0 : index
    %get3A_31 = arith.constant 0 : index
    %get3A_32 = vector.load %arg2[%get3A_29, %get3A_30, %get3A_31] : memref<32x256x128xf32, #tpu.memory_space<vmem>>, vector<1x256x32xf32>
    %get3A_33 = vector.shape_cast %get3A_32 : vector<1x256x32xf32> to vector<256x32xf32>
    %get3A_34 = arith.constant 7 : index
    %get3A_35 = arith.constant 0 : index
    %get3A_36 = arith.constant 0 : index
    %get3A_37 = vector.load %arg2[%get3A_34, %get3A_35, %get3A_36] : memref<32x256x128xf32, #tpu.memory_space<vmem>>, vector<1x256x32xf32>
    %get3A_38 = vector.shape_cast %get3A_37 : vector<1x256x32xf32> to vector<256x32xf32>
    %get3A_39 = arith.constant 8 : index
    %get3A_40 = arith.constant 0 : index
    %get3A_41 = arith.constant 0 : index
    %get3A_42 = vector.load %arg2[%get3A_39, %get3A_40, %get3A_41] : memref<32x256x128xf32, #tpu.memory_space<vmem>>, vector<1x256x32xf32>
    %get3A_43 = vector.shape_cast %get3A_42 : vector<1x256x32xf32> to vector<256x32xf32>
    %get3A_44 = arith.constant 9 : index
    %get3A_45 = arith.constant 0 : index
    %get3A_46 = arith.constant 0 : index
    %get3A_47 = vector.load %arg2[%get3A_44, %get3A_45, %get3A_46] : memref<32x256x128xf32, #tpu.memory_space<vmem>>, vector<1x256x32xf32>
    %get3A_48 = vector.shape_cast %get3A_47 : vector<1x256x32xf32> to vector<256x32xf32>
    %get3A_49 = arith.constant 10 : index
    %get3A_50 = arith.constant 0 : index
    %get3A_51 = arith.constant 0 : index
    %get3A_52 = vector.load %arg2[%get3A_49, %get3A_50, %get3A_51] : memref<32x256x128xf32, #tpu.memory_space<vmem>>, vector<1x256x32xf32>
    %get3A_53 = vector.shape_cast %get3A_52 : vector<1x256x32xf32> to vector<256x32xf32>
    %get3A_54 = arith.constant 11 : index
    %get3A_55 = arith.constant 0 : index
    %get3A_56 = arith.constant 0 : index
    %get3A_57 = vector.load %arg2[%get3A_54, %get3A_55, %get3A_56] : memref<32x256x128xf32, #tpu.memory_space<vmem>>, vector<1x256x32xf32>
    %get3A_58 = vector.shape_cast %get3A_57 : vector<1x256x32xf32> to vector<256x32xf32>
    %get3A_59 = arith.constant 12 : index
    %get3A_60 = arith.constant 0 : index
    %get3A_61 = arith.constant 0 : index
    %get3A_62 = vector.load %arg2[%get3A_59, %get3A_60, %get3A_61] : memref<32x256x128xf32, #tpu.memory_space<vmem>>, vector<1x256x32xf32>
    %get3A_63 = vector.shape_cast %get3A_62 : vector<1x256x32xf32> to vector<256x32xf32>
    %get3A_64 = arith.constant 13 : index
    %get3A_65 = arith.constant 0 : index
    %get3A_66 = arith.constant 0 : index
    %get3A_67 = vector.load %arg2[%get3A_64, %get3A_65, %get3A_66] : memref<32x256x128xf32, #tpu.memory_space<vmem>>, vector<1x256x32xf32>
    %get3A_68 = vector.shape_cast %get3A_67 : vector<1x256x32xf32> to vector<256x32xf32>
    %get3A_69 = arith.constant 14 : index
    %get3A_70 = arith.constant 0 : index
    %get3A_71 = arith.constant 0 : index
    %get3A_72 = vector.load %arg2[%get3A_69, %get3A_70, %get3A_71] : memref<32x256x128xf32, #tpu.memory_space<vmem>>, vector<1x256x32xf32>
    %get3A_73 = vector.shape_cast %get3A_72 : vector<1x256x32xf32> to vector<256x32xf32>
    %get3A_74 = arith.constant 15 : index
    %get3A_75 = arith.constant 0 : index
    %get3A_76 = arith.constant 0 : index
    %get3A_77 = vector.load %arg2[%get3A_74, %get3A_75, %get3A_76] : memref<32x256x128xf32, #tpu.memory_space<vmem>>, vector<1x256x32xf32>
    %get3A_78 = vector.shape_cast %get3A_77 : vector<1x256x32xf32> to vector<256x32xf32>
    %get3A_79 = arith.constant 16 : index
    %get3A_80 = arith.constant 0 : index
    %get3A_81 = arith.constant 0 : index
    %get3A_82 = vector.load %arg2[%get3A_79, %get3A_80, %get3A_81] : memref<32x256x128xf32, #tpu.memory_space<vmem>>, vector<1x256x32xf32>
    %get3A_83 = vector.shape_cast %get3A_82 : vector<1x256x32xf32> to vector<256x32xf32>
    %get3A_84 = arith.constant 17 : index
    %get3A_85 = arith.constant 0 : index
    %get3A_86 = arith.constant 0 : index
    %get3A_87 = vector.load %arg2[%get3A_84, %get3A_85, %get3A_86] : memref<32x256x128xf32, #tpu.memory_space<vmem>>, vector<1x256x32xf32>
    %get3A_88 = vector.shape_cast %get3A_87 : vector<1x256x32xf32> to vector<256x32xf32>
    %get3A_89 = arith.constant 18 : index
    %get3A_90 = arith.constant 0 : index
    %get3A_91 = arith.constant 0 : index
    %get3A_92 = vector.load %arg2[%get3A_89, %get3A_90, %get3A_91] : memref<32x256x128xf32, #tpu.memory_space<vmem>>, vector<1x256x32xf32>
    %get3A_93 = vector.shape_cast %get3A_92 : vector<1x256x32xf32> to vector<256x32xf32>
    %get3A_94 = arith.constant 19 : index
    %get3A_95 = arith.constant 0 : index
    %get3A_96 = arith.constant 0 : index
    %get3A_97 = vector.load %arg2[%get3A_94, %get3A_95, %get3A_96] : memref<32x256x128xf32, #tpu.memory_space<vmem>>, vector<1x256x32xf32>
    %get3A_98 = vector.shape_cast %get3A_97 : vector<1x256x32xf32> to vector<256x32xf32>
    %get3A_99 = arith.constant 20 : index
    %get3A_100 = arith.constant 0 : index
    %get3A_101 = arith.constant 0 : index
    %get3A_102 = vector.load %arg2[%get3A_99, %get3A_100, %get3A_101] : memref<32x256x128xf32, #tpu.memory_space<vmem>>, vector<1x256x32xf32>
    %get3A_103 = vector.shape_cast %get3A_102 : vector<1x256x32xf32> to vector<256x32xf32>
    %get3A_104 = arith.constant 21 : index
    %get3A_105 = arith.constant 0 : index
    %get3A_106 = arith.constant 0 : index
    %get3A_107 = vector.load %arg2[%get3A_104, %get3A_105, %get3A_106] : memref<32x256x128xf32, #tpu.memory_space<vmem>>, vector<1x256x32xf32>
    %get3A_108 = vector.shape_cast %get3A_107 : vector<1x256x32xf32> to vector<256x32xf32>
    %get3A_109 = arith.constant 22 : index
    %get3A_110 = arith.constant 0 : index
    %get3A_111 = arith.constant 0 : index
    %get3A_112 = vector.load %arg2[%get3A_109, %get3A_110, %get3A_111] : memref<32x256x128xf32, #tpu.memory_space<vmem>>, vector<1x256x32xf32>
    %get3A_113 = vector.shape_cast %get3A_112 : vector<1x256x32xf32> to vector<256x32xf32>
    %get3A_114 = arith.constant 23 : index
    %get3A_115 = arith.constant 0 : index
    %get3A_116 = arith.constant 0 : index
    %get3A_117 = vector.load %arg2[%get3A_114, %get3A_115, %get3A_116] : memref<32x256x128xf32, #tpu.memory_space<vmem>>, vector<1x256x32xf32>
    %get3A_118 = vector.shape_cast %get3A_117 : vector<1x256x32xf32> to vector<256x32xf32>
    %get3A_119 = arith.constant 24 : index
    %get3A_120 = arith.constant 0 : index
    %get3A_121 = arith.constant 0 : index
    %get3A_122 = vector.load %arg2[%get3A_119, %get3A_120, %get3A_121] : memref<32x256x128xf32, #tpu.memory_space<vmem>>, vector<1x256x32xf32>
    %get3A_123 = vector.shape_cast %get3A_122 : vector<1x256x32xf32> to vector<256x32xf32>
    %get3A_124 = arith.constant 25 : index
    %get3A_125 = arith.constant 0 : index
    %get3A_126 = arith.constant 0 : index
    %get3A_127 = vector.load %arg2[%get3A_124, %get3A_125, %get3A_126] : memref<32x256x128xf32, #tpu.memory_space<vmem>>, vector<1x256x32xf32>
    %get3A_128 = vector.shape_cast %get3A_127 : vector<1x256x32xf32> to vector<256x32xf32>
    %get3A_129 = arith.constant 26 : index
    %get3A_130 = arith.constant 0 : index
    %get3A_131 = arith.constant 0 : index
    %get3A_132 = vector.load %arg2[%get3A_129, %get3A_130, %get3A_131] : memref<32x256x128xf32, #tpu.memory_space<vmem>>, vector<1x256x32xf32>
    %get3A_133 = vector.shape_cast %get3A_132 : vector<1x256x32xf32> to vector<256x32xf32>
    %get3A_134 = arith.constant 27 : index
    %get3A_135 = arith.constant 0 : index
    %get3A_136 = arith.constant 0 : index
    %get3A_137 = vector.load %arg2[%get3A_134, %get3A_135, %get3A_136] : memref<32x256x128xf32, #tpu.memory_space<vmem>>, vector<1x256x32xf32>
    %get3A_138 = vector.shape_cast %get3A_137 : vector<1x256x32xf32> to vector<256x32xf32>
    %get3A_139 = arith.constant 28 : index
    %get3A_140 = arith.constant 0 : index
    %get3A_141 = arith.constant 0 : index
    %get3A_142 = vector.load %arg2[%get3A_139, %get3A_140, %get3A_141] : memref<32x256x128xf32, #tpu.memory_space<vmem>>, vector<1x256x32xf32>
    %get3A_143 = vector.shape_cast %get3A_142 : vector<1x256x32xf32> to vector<256x32xf32>
    %get3A_144 = arith.constant 29 : index
    %get3A_145 = arith.constant 0 : index
    %get3A_146 = arith.constant 0 : index
    %get3A_147 = vector.load %arg2[%get3A_144, %get3A_145, %get3A_146] : memref<32x256x128xf32, #tpu.memory_space<vmem>>, vector<1x256x32xf32>
    %get3A_148 = vector.shape_cast %get3A_147 : vector<1x256x32xf32> to vector<256x32xf32>
    %get3A_149 = arith.constant 30 : index
    %get3A_150 = arith.constant 0 : index
    %get3A_151 = arith.constant 0 : index
    %get3A_152 = vector.load %arg2[%get3A_149, %get3A_150, %get3A_151] : memref<32x256x128xf32, #tpu.memory_space<vmem>>, vector<1x256x32xf32>
    %get3A_153 = vector.shape_cast %get3A_152 : vector<1x256x32xf32> to vector<256x32xf32>
    %get3A_154 = arith.constant 31 : index
    %get3A_155 = arith.constant 0 : index
    %get3A_156 = arith.constant 0 : index
    %get3A_157 = vector.load %arg2[%get3A_154, %get3A_155, %get3A_156] : memref<32x256x128xf32, #tpu.memory_space<vmem>>, vector<1x256x32xf32>
    %get3A_158 = vector.shape_cast %get3A_157 : vector<1x256x32xf32> to vector<256x32xf32>
    %concatenate3A = tpu.concatenate %get3A_3, %get3A_8, %get3A_13, %get3A_18, %get3A_23, %get3A_28, %get3A_33, %get3A_38, %get3A_43, %get3A_48, %get3A_53, %get3A_58, %get3A_63, %get3A_68, %get3A_73, %get3A_78, %get3A_83, %get3A_88, %get3A_93, %get3A_98, %get3A_103, %get3A_108, %get3A_113, %get3A_118, %get3A_123, %get3A_128, %get3A_133, %get3A_138, %get3A_143, %get3A_148, %get3A_153, %get3A_158 in 1 : vector<256x32xf32>, vector<256x32xf32>, vector<256x32xf32>, vector<256x32xf32>, vector<256x32xf32>, vector<256x32xf32>, vector<256x32xf32>, vector<256x32xf32>, vector<256x32xf32>, vector<256x32xf32>, vector<256x32xf32>, vector<256x32xf32>, vector<256x32xf32>, vector<256x32xf32>, vector<256x32xf32>, vector<256x32xf32>, vector<256x32xf32>, vector<256x32xf32>, vector<256x32xf32>, vector<256x32xf32>, vector<256x32xf32>, vector<256x32xf32>, vector<256x32xf32>, vector<256x32xf32>, vector<256x32xf32>, vector<256x32xf32>, vector<256x32xf32>, vector<256x32xf32>, vector<256x32xf32>, vector<256x32xf32>, vector<256x32xf32>, vector<256x32xf32> -> vector<256x1024xf32>
    %convert_element_type3A = arith.truncf %concatenate3A : vector<256x1024xf32> to vector<256x1024xbf16>
    %get3A_159 = arith.constant 0 : index
    %get3A_160 = arith.constant 0 : index
    %get3A_161 = vector.load %arg4[%get3A_159, %get3A_160] : memref<1024x1024xbf16, #tpu.memory_space<vmem>>, vector<1024x1024xbf16>
    %dot_general3A = arith.constant dense<0.000000e+00> : vector<256x1024xf32>
    %dot_general3A_162 = tpu.matmul %convert_element_type3A, %get3A_161, %dot_general3A {dimension_numbers = #tpu.dot_dimension_numbers<[1], [0], [0], [1], [0, 0, 1, 1], [], []>, transpose_lhs_hint = false} : vector<256x1024xbf16>, vector<1024x1024xbf16>, vector<256x1024xf32> -> vector<256x1024xf32>
    %get3A_163 = arith.constant 0 : index
    %get3A_164 = arith.constant 0 : index
    %get3A_165 = vector.load %arg5[%get3A_163, %get3A_164] : memref<1x1024xf32, #tpu.memory_space<vmem>>, vector<1x1024xf32>
    %add3A = vector.broadcast %get3A_165 : vector<1x1024xf32> to vector<256x1024xf32>
    %add3A_166 = arith.addf %dot_general3A_162, %add3A : vector<256x1024xf32>
    %get3A_167 = arith.constant 0 : index
    %get3A_168 = arith.constant 0 : index
    %get3A_169 = arith.constant 0 : index
    %get3A_170 = vector.load %arg3[%get3A_167, %get3A_168, %get3A_169] : memref<1x256x1024xf32, #tpu.memory_space<vmem>>, vector<1x256x1024xf32>
    %get3A_171 = vector.shape_cast %get3A_170 : vector<1x256x1024xf32> to vector<256x1024xf32>
    %add3A_172 = arith.addf %get3A_171, %add3A_166 : vector<256x1024xf32>
    %get3A_173 = arith.constant 0 : index
    %get3A_174 = arith.constant 0 : index
    %get3A_175 = vector.load %arg6[%get3A_173, %get3A_174] : memref<1x1024xf32, #tpu.memory_space<vmem>>, vector<1x1024xf32>
    %get3A_176 = arith.constant 0 : index
    %get3A_177 = arith.constant 0 : index
    %get3A_178 = vector.load %arg7[%get3A_176, %get3A_177] : memref<1x1024xf32, #tpu.memory_space<vmem>>, vector<1x1024xf32>
    %reduce_sum3A = arith.constant dense<0.000000e+00> : vector<256xf32>
    %reduce_sum3A_179 = vector.multi_reduction <add>, %add3A_172, %reduce_sum3A [1] : vector<256x1024xf32> to vector<256xf32>
    %broadcast_in_dim3A = vector.shape_cast %reduce_sum3A_179 : vector<256xf32> to vector<256x1xf32>
    %div3A = arith.constant 1.024000e+03 : f32
    %div3A_180 = vector.broadcast %div3A : f32 to vector<256x1xf32>
    %div3A_181 = arith.divf %broadcast_in_dim3A, %div3A_180 : vector<256x1xf32>
    %sub3A = vector.broadcast %div3A_181 : vector<256x1xf32> to vector<256x1024xf32>
    %sub3A_182 = arith.subf %add3A_172, %sub3A : vector<256x1024xf32>
    %mul3A = arith.mulf %sub3A_182, %sub3A_182 : vector<256x1024xf32>
    %reduce_sum3A_183 = arith.constant dense<0.000000e+00> : vector<256xf32>
    %reduce_sum3A_184 = vector.multi_reduction <add>, %mul3A, %reduce_sum3A_183 [1] : vector<256x1024xf32> to vector<256xf32>
    %broadcast_in_dim3A_185 = vector.shape_cast %reduce_sum3A_184 : vector<256xf32> to vector<256x1xf32>
    %mul3A_186 = arith.constant 9.77517105E-4 : f32
    %mul3A_187 = vector.broadcast %mul3A_186 : f32 to vector<256x1xf32>
    %mul3A_188 = arith.mulf %broadcast_in_dim3A_185, %mul3A_187 : vector<256x1xf32>
    %add3A_189 = arith.constant 9.99999997E-7 : f32
    %add3A_190 = vector.broadcast %add3A_189 : f32 to vector<256x1xf32>
    %add3A_191 = arith.addf %mul3A_188, %add3A_190 : vector<256x1xf32>
    %rsqrt3A = math.rsqrt %add3A_191 : vector<256x1xf32>
    %mul3A_192 = vector.broadcast %rsqrt3A : vector<256x1xf32> to vector<256x1024xf32>
    %mul3A_193 = arith.mulf %sub3A_182, %mul3A_192 : vector<256x1024xf32>
    %mul3A_194 = vector.broadcast %get3A_175 : vector<1x1024xf32> to vector<256x1024xf32>
    %mul3A_195 = arith.mulf %mul3A_193, %mul3A_194 : vector<256x1024xf32>
    %add3A_196 = vector.broadcast %get3A_178 : vector<1x1024xf32> to vector<256x1024xf32>
    %add3A_197 = arith.addf %mul3A_195, %add3A_196 : vector<256x1024xf32>
    %convert_element_type3A_198 = arith.truncf %add3A_197 : vector<256x1024xf32> to vector<256x1024xbf16>
    %get3A_199 = arith.constant 0 : index
    %get3A_200 = arith.constant 0 : index
    %get3A_201 = vector.load %arg8[%get3A_199, %get3A_200] : memref<1024x3072xbf16, #tpu.memory_space<vmem>>, vector<1024x3072xbf16>
    %dot_general3A_202 = arith.constant dense<0.000000e+00> : vector<256x3072xf32>
    %dot_general3A_203 = tpu.matmul %convert_element_type3A_198, %get3A_201, %dot_general3A_202 {dimension_numbers = #tpu.dot_dimension_numbers<[1], [0], [0], [1], [0, 0, 1, 1], [], []>, transpose_lhs_hint = false} : vector<256x1024xbf16>, vector<1024x3072xbf16>, vector<256x3072xf32> -> vector<256x3072xf32>
    %get3A_204 = arith.constant 0 : index
    %get3A_205 = arith.constant 0 : index
    %get3A_206 = vector.load %arg9[%get3A_204, %get3A_205] : memref<1x3072xf32, #tpu.memory_space<vmem>>, vector<1x3072xf32>
    %add3A_207 = vector.broadcast %get3A_206 : vector<1x3072xf32> to vector<256x3072xf32>
    %add3A_208 = arith.addf %dot_general3A_203, %add3A_207 : vector<256x3072xf32>
    %get3A_209 = arith.constant 0 : index
    %get3A_210 = arith.constant 0 : index
    %get3A_211 = vector.load %arg10[%get3A_209, %get3A_210] : memref<1024x3072xbf16, #tpu.memory_space<vmem>>, vector<1024x3072xbf16>
    %dot_general3A_212 = arith.constant dense<0.000000e+00> : vector<256x3072xf32>
    %dot_general3A_213 = tpu.matmul %convert_element_type3A_198, %get3A_211, %dot_general3A_212 {dimension_numbers = #tpu.dot_dimension_numbers<[1], [0], [0], [1], [0, 0, 1, 1], [], []>, transpose_lhs_hint = false} : vector<256x1024xbf16>, vector<1024x3072xbf16>, vector<256x3072xf32> -> vector<256x3072xf32>
    %get3A_214 = arith.constant 0 : index
    %get3A_215 = arith.constant 0 : index
    %get3A_216 = vector.load %arg11[%get3A_214, %get3A_215] : memref<1x3072xf32, #tpu.memory_space<vmem>>, vector<1x3072xf32>
    %add3A_217 = vector.broadcast %get3A_216 : vector<1x3072xf32> to vector<256x3072xf32>
    %add3A_218 = arith.addf %dot_general3A_213, %add3A_217 : vector<256x3072xf32>
    %max3A = arith.constant 0.000000e+00 : f32
    %max3A_219 = vector.broadcast %max3A : f32 to vector<256x3072xf32>
    %max3A_220 = arith.maximumf %add3A_218, %max3A_219 : vector<256x3072xf32>
    %mul3A_221 = arith.mulf %add3A_208, %max3A_220 : vector<256x3072xf32>
    %convert_element_type3A_222 = arith.truncf %mul3A_221 : vector<256x3072xf32> to vector<256x3072xbf16>
    %get3A_223 = arith.constant 0 : index
    %get3A_224 = arith.constant 0 : index
    %get3A_225 = vector.load %arg12[%get3A_223, %get3A_224] : memref<3072x1024xbf16, #tpu.memory_space<vmem>>, vector<3072x1024xbf16>
    %dot_general3A_226 = arith.constant dense<0.000000e+00> : vector<256x1024xf32>
    %dot_general3A_227 = tpu.matmul %convert_element_type3A_222, %get3A_225, %dot_general3A_226 {dimension_numbers = #tpu.dot_dimension_numbers<[1], [0], [0], [1], [0, 0, 1, 1], [], []>, transpose_lhs_hint = false} : vector<256x3072xbf16>, vector<3072x1024xbf16>, vector<256x1024xf32> -> vector<256x1024xf32>
    %add3A_228 = arith.addf %add3A_172, %dot_general3A_227 : vector<256x1024xf32>
    %get3A_229 = arith.constant 0 : index
    %get3A_230 = arith.constant 0 : index
    %get3A_231 = vector.load %arg13[%get3A_229, %get3A_230] : memref<1x1024xf32, #tpu.memory_space<vmem>>, vector<1x1024xf32>
    %add3A_232 = vector.broadcast %get3A_231 : vector<1x1024xf32> to vector<256x1024xf32>
    %add3A_233 = arith.addf %add3A_228, %add3A_232 : vector<256x1024xf32>
    %swap3A = arith.constant 0 : index
    %swap3A_234 = arith.constant 0 : index
    %swap3A_235 = arith.constant 0 : index
    %swap3A_236 = vector.load %arg14[%swap3A, %swap3A_234, %swap3A_235] : memref<1x256x1024xf32, #tpu.memory_space<vmem>>, vector<1x256x1024xf32>
    %swap3A_237 = vector.shape_cast %swap3A_236 : vector<1x256x1024xf32> to vector<256x1024xf32>
    %swap3A_238 = vector.shape_cast %add3A_233 : vector<256x1024xf32> to vector<1x256x1024xf32>
    tpu.vector_store %arg14[%swap3A, %swap3A_234, %swap3A_235], %swap3A_238 {strides = array<i32>} : memref<1x256x1024xf32, #tpu.memory_space<vmem>>, vector<1x256x1024xf32>,
    return
  }
  func.func @transform_0(%arg0: i32, %arg1: i32) -> (i32, i32, i32) {
    %c0_i32 = arith.constant 0 : i32
    %c0_i32_0 = arith.constant 0 : i32
    return %arg0, %arg1, %c0_i32 : i32, i32, i32
  }
  func.func @transform_1(%arg0: i32, %arg1: i32) -> (i32, i32, i32) {
    %c0_i32 = arith.constant 0 : i32
    %c0_i32_0 = arith.constant 0 : i32
    return %arg0, %arg1, %c0_i32 : i32, i32, i32
  }
  func.func @transform_2(%arg0: i32, %arg1: i32) -> (i32, i32) {
    %c0_i32 = arith.constant 0 : i32
    %c0_i32_0 = arith.constant 0 : i32
    %c0_i32_1 = arith.constant 0 : i32
    return %c0_i32, %c0_i32_0 : i32, i32
  }
  func.func @transform_3(%arg0: i32, %arg1: i32) -> (i32, i32) {
    %c0_i32 = arith.constant 0 : i32
    %c0_i32_0 = arith.constant 0 : i32
    %c0_i32_1 = arith.constant 0 : i32
    return %c0_i32, %c0_i32_0 : i32, i32
  }
  func.func @transform_4(%arg0: i32, %arg1: i32) -> (i32, i32) {
    %c0_i32 = arith.constant 0 : i32
    %c0_i32_0 = arith.constant 0 : i32
    %c0_i32_1 = arith.constant 0 : i32
    return %c0_i32, %c0_i32_0 : i32, i32
  }
  func.func @transform_5(%arg0: i32, %arg1: i32) -> (i32, i32) {
    %c0_i32 = arith.constant 0 : i32
    %c0_i32_0 = arith.constant 0 : i32
    %c0_i32_1 = arith.constant 0 : i32
    return %c0_i32, %c0_i32_0 : i32, i32
  }
  func.func @transform_6(%arg0: i32, %arg1: i32) -> (i32, i32) {
    %c0_i32 = arith.constant 0 : i32
    %c0_i32_0 = arith.constant 0 : i32
    %c0_i32_1 = arith.constant 0 : i32
    return %c0_i32, %c0_i32_0 : i32, i32
  }
  func.func @transform_7(%arg0: i32, %arg1: i32) -> (i32, i32) {
    %c0_i32 = arith.constant 0 : i32
    %c0_i32_0 = arith.constant 0 : i32
    %c0_i32_1 = arith.constant 0 : i32
    return %c0_i32, %c0_i32_0 : i32, i32
  }
  func.func @transform_8(%arg0: i32, %arg1: i32) -> (i32, i32) {
    %c0_i32 = arith.constant 0 : i32
    %c0_i32_0 = arith.constant 0 : i32
    %c0_i32_1 = arith.constant 0 : i32
    return %c0_i32, %c0_i32_0 : i32, i32
  }
  func.func @transform_9(%arg0: i32, %arg1: i32) -> (i32, i32) {
    %c0_i32 = arith.constant 0 : i32
    %c0_i32_0 = arith.constant 0 : i32
    %c0_i32_1 = arith.constant 0 : i32
    return %c0_i32, %c0_i32_0 : i32, i32
  }
  func.func @transform_10(%arg0: i32, %arg1: i32) -> (i32, i32) {
    %c0_i32 = arith.constant 0 : i32
    %c0_i32_0 = arith.constant 0 : i32
    %c0_i32_1 = arith.constant 0 : i32
    return %c0_i32, %c0_i32_0 : i32, i32
  }
  func.func @transform_11(%arg0: i32, %arg1: i32) -> (i32, i32) {
    %c0_i32 = arith.constant 0 : i32
    %c0_i32_0 = arith.constant 0 : i32
    %c0_i32_1 = arith.constant 0 : i32
    return %c0_i32, %c0_i32_0 : i32, i32
  }
  func.func @transform_12(%arg0: i32, %arg1: i32) -> (i32, i32, i32) {
    %c0_i32 = arith.constant 0 : i32
    %c0_i32_0 = arith.constant 0 : i32
    return %arg0, %arg1, %c0_i32 : i32, i32, i32
  }
}

</mosaic_0001>

<sc_bundles>
// kernel: kernel.11.cloned.1.call-start
scs
__scs_entry_jumppad:
0x0: {  	(pc) =	sbr.rel $0x88, $3  }
0x1: {  	(tag) =	ssettag $0x0;
	lr =	simm.s32 $0x1  }
0x2: {  	[smem:$0x3F8F] =	sst lr;
	_ =	strace $0xD0000000  }
0x3: {  	_ = 	snop  }
0x4: {  	_ = 	snop  }
0x5: {  	_ = 	snop  }
0x6: {  	_ = 	snop  }
0x7: {  	_ = 	snop  }
__scs_overlays_trampoline_lowered:
0x8: {  	[smem:$0x3F9E] =	sst s0  }
0x9: {  	[smem:$0x3F9F] =	sst s1  }
0xa: {  	[smem:$0x3FA0] =	sst s2  }
0xb: {  	[smem:$0x3FA1] =	sst s3  }
0xc: {  	[smem:$0x3FA2] =	sst s4  }
0xd: {  	[smem:$0x3FA3] =	sst s5  }
0xe: {  	[smem:$0x3FA4] =	sst s6  }
0xf: {  	[smem:$0x3FA5] =	sst s7  }
0x10: {  	[smem:$0x3FA6] =	sst s8  }
0x11: {  	[smem:$0x3FA7] =	sst s9;
	s0 =	simm.s32 @!p0 $0x0  }
0x12: {  	s1 =	sld [smem:$0x3F8D];
	s0 =	simm.s32 @p0 $0x1  }
0x13: {  	[smem:$0x3FA8] =	sst s0;
	s0 =	simm.s32 @!p1 $0x0  }
0x14: {  	s2 =	sld [smem:$0x3F8C];
	s0 =	simm.s32 @p1 $0x1  }
0x15: {  	[smem:$0x3FA9] =	sst s0;
	s0 =	simm.s32 @!p2 $0x0  }
0x16: {  	s3 =	sld [smem:$0x3FDB];
	s0 =	simm.s32 @p2 $0x1  }
0x17: {  	s4 =	simm.s32 $0x1BF5;
	[smem:$0x3FAB] =	sst s0  }
0x18: {  	s0 =	sld [smem:$0x3F8E];
	_ =	swait.ge [sflag:s4], $0x0  }
0x19: {  	s7 =	sld [smem:$0x3F8F]  }
0x1a: {  	s8 =	sadd.s32 $0xFFFFE003, lr  }
0x1b: {  	s9 =	sadd.s32 $0xFFFFFEF7, lr;
	s5 =	simm.s32 $0xFFFFFFFF;
	p2 =	slt.u32 s8, $0xFFFFF086  }
0x1c: {  	p1 =	slt.u32 s9, $0xF7A;
	s5 =	simm.s32 @!p2 $0x0  }
0x1d: {  	s5 =	simm.s32 @p1 $0x1;
	p0 =	seq.s32 s7, s2  }
0x1e: {  	s7 =	smul.u32 @!p0 $0xF7A, s2;
	p2 =	seq.s32 @!p0 s5, $0x0  }
0x1f: {  	s9 =	smul.u32 $0xF7A, s1;
	s8 =	simm.s32 @!p0 $0x1BF5;
	p2 =	por !p2, p0  }
0x20: {  	[sflag:s8] =	ssyncset.s32 @!p0 $0xFFFFF086;
	s6 =	sadd.s32 @!p0 s3, s7;
	s7 =	simm.s32 @!p0 $0x108  }
0x21: {  	s3 =	sadd.s32 s3, s9;
	s6 =	sadd.s32 @!p0 $0x88, s6;
	s7 =	simm.s32 @p2 $0x1082  }
0x22: {  	[simem:s7], [sflag:s8] =	dma.local @!p0 [hbm:s6], $0xF7A  }
0x23: {  	s9 =	sor.u32 $0xD0000000, s2;
	s6 =	simm.s32 $0x108;
	_ =	swait.ge @!p0 [sflag:s8], $0x0  }
0x24: {  	s3 =	sadd.s32 $0x88, s3;
	s6 =	simm.s32 @!p1 $0x1082;
	[sflag:s4] =	ssyncset.s32 $0xFFFFF086  }
0x25: {  	[simem:s6], [sflag:s4] =	dma.local [hbm:s3], $0xF7A  }
0x26: {  	[smem:$0x3F8F] =	sst s1;
	(tag) =	ssettag s2;
	_ =	strace s9  }
0x27: {  	s1 =	sld [smem:$0x3F9F]  }
0x28: {  	s2 =	sld [smem:$0x3FA0]  }
0x29: {  	s4 =	sld [smem:$0x3FA2]  }
0x2a: {  	p0 =	seq.s32 s5, $0x0;
	s5 =	sld [smem:$0x3FA3]  }
0x2b: {  	s6 =	sld [smem:$0x3FA4]  }
0x2c: {  	s7 =	sld [smem:$0x3FA5]  }
0x2d: {  	s3 =	simm.s32 $0x108;
	s8 =	sld [smem:$0x3FA6]  }
0x2e: {  	s3 =	simm.s32 @!p0 $0x1082;
	s9 =	sld [smem:$0x3FA7]  }
0x2f: {  	lr =	sadd.s32 s0, s3;
	s0 =	sld [smem:$0x3F9E]  }
0x30: {  	s3 =	sld [smem:$0x3FA1]  }
0x31: {  	[smem:$0x3FAA] =	sst s10  }
0x32: {  	s10 =	sld [smem:$0x3FA8];
	_ =	sdelay $0x3  }
0x33: {  	p0 =	seq.s32 s10, $0x1;
	s10 =	sld [smem:$0x3FAA];
	_ =	sdelay $0x3  }
0x34: {  	[smem:$0x3FAA] =	sst s10  }
0x35: {  	s10 =	sld [smem:$0x3FA9];
	_ =	sdelay $0x3  }
0x36: {  	p1 =	seq.s32 s10, $0x1;
	s10 =	sld [smem:$0x3FAA];
	_ =	sdelay $0x3  }
0x37: {  	[smem:$0x3FAA] =	sst s10  }
0x38: {  	s10 =	sld [smem:$0x3FAB]  }
0x39: {  	_ = 	snop;
	(pc) =	sbr.ind lr, $3  }
0x3a: {  	_ = 	snop  }
0x3b: {  	_ = 	snop  }
0x3c: {  	p2 =	seq.s32 s10, $0x1;
	s10 =	sld [smem:$0x3FAA]  }
0x3d: {  	_ =	shalt  }
0x3e: {  	_ =	shalt  }
0x3f: {  	_ =	shalt  }
0x40: {  	_ =	shalt  }
0x41: {  	_ =	shalt  }
0x42: {  	_ =	shalt  }
0x43: {  	_ =	shalt  }
0x44: {  	_ =	shalt  }
0x45: {  	_ =	shalt  }
0x46: {  	_ =	shalt  }
0x47: {  	_ =	shalt  }
0x48: {  	_ =	shalt  }
0x49: {  	_ =	shalt  }
0x4a: {  	_ =	shalt  }
0x4b: {  	_ =	shalt  }
0x4c: {  	_ =	shalt  }
0x4d: {  	_ =	shalt  }
0x4e: {  	_ =	shalt  }
0x4f: {  	_ =	shalt  }
0x50: {  	_ =	shalt  }
0x51: {  	_ =	shalt  }
0x52: {  	_ =	shalt  }
0x53: {  	_ =	shalt  }
0x54: {  	_ =	shalt  }
0x55: {  	_ =	shalt  }
0x56: {  	_ =	shalt  }
0x57: {  	_ =	shalt  }
0x58: {  	_ =	shalt  }
0x59: {  	_ =	shalt  }
0x5a: {  	_ =	shalt  }
0x5b: {  	_ =	shalt  }
0x5c: {  	_ =	shalt  }
0x5d: {  	_ =	shalt  }
0x5e: {  	_ =	shalt  }
0x5f: {  	_ =	shalt  }
0x60: {  	_ =	shalt  }
0x61: {  	_ =	shalt  }
0x62: {  	_ =	shalt  }
0x63: {  	_ =	shalt  }
0x64: {  	_ =	shalt  }
0x65: {  	_ =	shalt  }
0x66: {  	_ =	shalt  }
0x67: {  	_ =	shalt  }
0x68: {  	_ =	shalt  }
0x69: {  	_ =	shalt  }
0x6a: {  	_ =	shalt  }
0x6b: {  	_ =	shalt  }
0x6c: {  	_ =	shalt  }
0x6d: {  	_ =	shalt  }
0x6e: {  	_ =	shalt  }
0x6f: {  	_ =	shalt  }
0x70: {  	_ =	shalt  }
0x71: {  	_ =	shalt  }
0x72: {  	_ =	shalt  }
0x73: {  	_ =	shalt  }
0x74: {  	_ =	shalt  }
0x75: {  	_ =	shalt  }
0x76: {  	_ =	shalt  }
0x77: {  	_ =	shalt  }
0x78: {  	_ =	shalt  }
0x79: {  	_ =	shalt  }
0x7a: {  	_ =	shalt  }
0x7b: {  	_ =	shalt  }
0x7c: {  	_ =	shalt  }
0x7d: {  	_ =	shalt  }
0x7e: {  	_ =	shalt  }
0x7f: {  	_ =	shalt  }
0x80: {  	_ =	shalt  }
0x81: {  	_ =	shalt  }
0x82: {  	_ =	shalt  }
0x83: {  	_ =	shalt  }
0x84: {  	_ =	shalt  }
0x85: {  	_ =	shalt  }
0x86: {  	_ =	shalt  }
0x87: {  	_ =	shalt  }
.Lfunc_end0:
.L_simem_size_0:
called_computation.1_lowered:
.L_overlay_start_0:
0x88: {  	s2 =	sld [smem:$0x3FD9]  }
0x89: {  	s3 =	sld [smem:$0x3FFE];
	_ =	sdelay $0x1  }
0x8a: {  	s1 =	srdreg.scid  }
0x8b: {  	s0 =	sand.u32 $0x1, s1  }
0x8c: {  	s17 =	sshll.u32 s0, $0xA;
	s2 =	sadd.s32 s3, s2  }
0x8d: {  	s2 =	sadd.s32 s2, s17  }
0x8e: {  	[smem:$0x3FB6] =	sst s2  }
0x8f: {  	_ = 	snop  }
0x90: {  	s2 =	sld [smem:$0x3FD0];
	(tm) =	ssettm $0x1  }
0x91: {  	s18 =	sld [smem:$0x3FFB];
	_ =	sdelay $0x3  }
0x92: {  	_ =	strace s18  }
0x93: {  	s3 =	sld [smem:$0x3FFC];
	_ =	sdelay $0x3  }
0x94: {  	_ =	strace s3  }
0x95: {  	s3 =	sld [smem:$0x3FFD];
	_ =	sdelay $0x3  }
0x96: {  	_ =	strace s3  }
0x97: {  	_ =	strace $0x8FFFFFFF  }
0x98: {  	s19 =	sld [smem:$0x3FDB];
	_ =	sdelay $0x1  }
0x99: {  	s4 =	simm.s32 $_scs_section_size  }
0x9a: {  	s5 =	simm.s32 $_size__tile_overlayer_lowered;
	s6 =	simm.s32 $_tile_overlayer_lowered  }
0x9b: {  	s22 =	simm.s32 $0x1BFF;
	s21 =	sshll.u32 s6, $0x1;
	s3 =	sadd.s32 s4, s19  }
0x9c: {  	s7 =	simm.s32 $0x0;
	s20 =	sshll.u32 s5, $0x1;
	s5 =	sadd.s32 s21, s3  }
0x9d: {  	[timem:s7], [sflag:s22] =	dma.local [hbm:s5], s20  }
0x9e: {  	_ =	swait.ge [sflag:s22], s20  }
0x9f: {  	s4 =	ssub.s32 $0x0, s20;
	[sflag:s22] =	ssyncset.done $0x0  }
0xa0: {  	[sflag:s22] =	ssyncadd.s32 s4;
	_ =	sdelay $0x1  }
0xa1: {  	s23 =	simm.s32 $0x1B8B  }
0xa2: {  	_ =	swait.ge [sflag:s23], $0x1  }
0xa3: {  	[sflag:s23] =	ssyncset.done $0x0  }
0xa4: {  	s25 =	simm.s32 $0x1B8E;
	s24 =	sld [smem:$0x3FFE];
	[sflag:s23] =	ssyncadd.s32 $0xFFFFFFFF  }
0xa5: {  	s26 =	simm.s32 $execute0_lowered;
	[smem:$0x3FD2] =	sst s25  }
0xa6: {  	s5 =	sshll.u32 s26, $0x1;
	_ =	strace $0x80000049;
	[dreg:$0x1] =	wrdreg $0xFFFFFFFF  }
0xa7: {  	s28 =	simm.s32 $_size_execute0_lowered;
	s3 =	sadd.s32 s3, s5;
	[dreg:$0x0] =	wrdreg $0x0  }
0xa8: {  	s5 =	sshll.u32 s28, $0x1;
	[dreg:$0x2] =	wrdreg s3  }
0xa9: {  	[dreg:$0x3] =	wrdreg s5  }
0xaa: {  	[dreg:$0x4] =	wrdreg $0xC0  }
0xab: {  	_ =	task [dreg:s7], $0x5FFFF  }
0xac: {  	[dreg:$0x1] =	wrdreg $0xFFFFFFFF  }
0xad: {  	[dreg:$0x0] =	wrdreg $0x60  }
0xae: {  	[dreg:$0x2] =	wrdreg s24  }
0xaf: {  	[dreg:$0x3] =	wrdreg s2  }
0xb0: {  	[dreg:$0x4] =	wrdreg $0x9  }
0xb1: {  	_ =	task.clear_ibuf [dreg:s7], $0x5FFFF;
	_ =	strace $0x90000049  }
0xb2: {  	s29 =	simm.s32 $0x9;
	_ =	strace $0x8000004B  }
0xb3: {  	_ =	swait.ge [sflag:s29], $0x1  }
0xb4: {  	[sflag:s29] =	ssyncadd.s32 $0xFFFFFFFF  }
0xb5: {  	_ =	strace $0x9000004B  }
0xb6: {  	_ =	sfence  }
0xb7: {  	s30 =	sld [smem:$0x0];
	_ =	sdelay $0x2  }
0xb8: {  	s31 =	sshll.u32 s1, $0xD;
	s1 =	sshrl.u32 s1, $0x2  }
0xb9: {  	s3 =	sand.u32 $0x4000, s31;
	s1 =	sadd.s32 s1, s30  }
0xba: {  	s0 =	sor.u32 s3, s0;
	s1 =	sshll.u32 s1, $0x11  }
0xbb: {  	s0 =	sor.u32 s1, s0  }
0xbc: {  	s0 =	sadd.s32 $0x8F2B, s0  }
0xbd: {  	[sflag:s0] =	ssyncadd.remote.s32 $0x1  }
0xbe: {  	_ =	sfence.sel $0xFFFF  }
0xbf: {  	[dreg:$0x0] =	wrdreg $0xFFFFFFFF;
	(pc) =	sbr.abs _section_cstart, $3  }
0xc0: {  	[dreg:$0x1] =	wrdreg $0xFFFFFFFF  }
0xc1: {  	_ =	task.clear_ibuf [dreg:s7], $0x2FFFF;
	_ =	strace $0x9FFFFFFF  }
0xc2: {  	(tm) =	ssettm $0x7FFFFFFF  }
0xc3: {  	_ =	shalt  }
tec
execute0_lowered:
.L_overlay_start_1:
0x0: {  	(tag) =	ssettag $0x1  }
0x1: {  	s4 =	rddreg [dreg:$0x0]  }
0x2: {  	s5 =	rddreg [dreg:$0x1]  }
0x3: {  	s0 =	rddreg [dreg:$0x2]  }
0x4: {  	s2 =	simm.s32 $0x0;
	s3 =	srdreg.scid;
	s1 =	stileid.u32  }
0x5: {  	s13 =	simm.s32 $0x2000;
	s14 =	simm.s32 $0x6000;
	s15 =	simm.s32 $0xA000  }
0x6: {  	s16 =	simm.s32 $0xE000;
	s17 =	simm.s32 $0x1;
	s18 =	simm.s32 $0x2  }
0x7: {  	s19 =	simm.s32 $0x3;
	s20 =	simm.s32 $0x4;
	s21 =	simm.s32 $0x1F00  }
0x8: {  	s22 =	simm.s32 $0x1F80;
	s23 =	simm.s32 $0x0;
	[smem:$0x7FF] =	sst s2  }
0x9: {  	s9 =	sand.u32 $0x1, s3;
	s3 =	sadd.s32 $0x2800, s4;
	s10 =	sadd.s32 $0x402800, s4  }
0xa: {  	s7 =	sshll.u32 s1, $0x1;
	s12 =	sshll.u32 s1, $0x12;
	_ =	strace $0x8000004A  }
0xb: {  	s6 =	ssub.s32 $0x2, s9;
	s7 =	sor.u32 s9, s7;
	s31 =	sshll.u32 s9, $0x11  }
0xc: {  	s29 =	sshrl.u32 s6, $0x1;
	s30 =	sshll.u32 s7, $0xA;
	s7 =	sshll.u32 s7, $0x11  }
0xd: {  	s6 =	ssub.s32 s6, s29;
	s4 =	sadd.s32 s5, s30;
	s11 =	sadd.s32 s10, s7  }
0xe: {  	s10 =	sadd.s32 s12, s10;
	s12 =	simm.s32 $0x80;
	s5 =	smax.u32 s6, $0x1  }
0xf: {  	s6 =	sadd.s32 $0x1E000, s11;
	s7 =	sadd.s32 $0x1E800, s11;
	s8 =	sadd.s32 $0x1F000, s11  }
0x10: {  	s9 =	sadd.s32 $0x1F800, s11;
	s10 =	sadd.s32 s31, s10;
	s11 =	simm.s32 $0x5  }
.LBB2_1:
0x11: {  	[tilespmem:s2], [sflag:$0x5] =	stream.linear.gather [hbm4b:s4+s2], $0x2000, $0x38;
	[tilespmem:$0x12000] =	vst v63  }
0x12: {  	_ =	swait.ge [sflag:s11], $0x2000  }
0x13: {  	[sflag:s11] =	ssyncset.done $0x0  }
0x14: {  	[sflag:s11] =	ssyncadd.s32 $0xFFFFE000  }
0x15: {  	[tilespmem:s13], [sflag:$0x1] =	stream.indirect.gather [hbm4b:s3+s12], $0x80, s2, s12, $0xb8;
	[tilespmem:$0x12000] =	vst v63  }
0x16: {  	_ = 	snop  }
0x17: {  	[tilespmem:s14], [sflag:$0x1] =	stream.indirect.gather [hbm4b:s3+s12], $0x80, s12, s12, $0xb8;
	[tilespmem:$0x12000] =	vst v63  }
0x18: {  	s24 =	simm.s32 $0x100  }
0x19: {  	[tilespmem:s15], [sflag:$0x2] =	stream.indirect.gather [hbm4b:s3+s12], $0x80, s24, s12, $0xb8;
	[tilespmem:$0x12000] =	vst v63  }
0x1a: {  	s26 =	simm.s32 $0x180  }
0x1b: {  	[tilespmem:s16], [sflag:$0x2] =	stream.indirect.gather [hbm4b:s3+s12], $0x80, s26, s12, $0xb8;
	[tilespmem:$0x12000] =	vst v63  }
0x1c: {  	_ =	swait.ge [sflag:s17], $0x4000  }
0x1d: {  	[sflag:s17] =	ssyncset.done $0x0  }
0x1e: {  	[sflag:s17] =	ssyncadd.s32 $0xFFFFC000  }
0x1f: {  	_ =	swait.ge [sflag:s17], $0x4000  }
0x20: {  	[sflag:s17] =	ssyncset.done $0x0  }
0x21: {  	s28 =	sadd.s32 $0x0, s10;
	[sflag:s17] =	ssyncadd.s32 $0xFFFFC000  }
0x22: {  	[hbm4b:s28+s2] =	stream.linear.scatter [tilespmem:s13], [sflag:$0x3], $0x4000, $0x38;
	[tilespmem:$0x12000] =	vst v63  }
0x23: {  	s25 =	sadd.s32 $0x800, s28  }
0x24: {  	[hbm4b:s25+s2] =	stream.linear.scatter [tilespmem:s14], [sflag:$0x3], $0x4000, $0x38;
	[tilespmem:$0x12000] =	vst v63  }
0x25: {  	_ =	swait.ge [sflag:s18], $0x4000  }
0x26: {  	[sflag:s18] =	ssyncset.done $0x0  }
0x27: {  	[sflag:s18] =	ssyncadd.s32 $0xFFFFC000  }
0x28: {  	_ =	swait.ge [sflag:s18], $0x4000  }
0x29: {  	[sflag:s18] =	ssyncset.done $0x0  }
0x2a: {  	s29 =	sadd.s32 $0x1000, s28;
	[sflag:s18] =	ssyncadd.s32 $0xFFFFC000  }
0x2b: {  	[hbm4b:s29+s2] =	stream.linear.scatter [tilespmem:s15], [sflag:$0x4], $0x4000, $0x38;
	[tilespmem:$0x12000] =	vst v63  }
0x2c: {  	s24 =	sadd.s32 $0x1800, s28  }
0x2d: {  	[hbm4b:s24+s2] =	stream.linear.scatter [tilespmem:s16], [sflag:$0x4], $0x4000, $0x38;
	[tilespmem:$0x12000] =	vst v63  }
0x2e: {  	_ =	swait.ge [sflag:s19], $0x4000  }
0x2f: {  	[sflag:s19] =	ssyncset.done $0x0  }
0x30: {  	[sflag:s19] =	ssyncadd.s32 $0xFFFFC000  }
0x31: {  	_ =	swait.ge [sflag:s19], $0x4000  }
0x32: {  	[sflag:s19] =	ssyncset.done $0x0  }
0x33: {  	s30 =	simm.s32 $0x200;
	[sflag:s19] =	ssyncadd.s32 $0xFFFFC000  }
0x34: {  	[tilespmem:s13], [sflag:$0x1] =	stream.indirect.gather [hbm4b:s3+s12], $0x80, s30, s12, $0xb8;
	[tilespmem:$0x12000] =	vst v63  }
0x35: {  	s31 =	simm.s32 $0x280  }
0x36: {  	[tilespmem:s14], [sflag:$0x1] =	stream.indirect.gather [hbm4b:s3+s12], $0x80, s31, s12, $0xb8;
	[tilespmem:$0x12000] =	vst v63  }
0x37: {  	_ =	swait.ge [sflag:s20], $0x4000  }
0x38: {  	[sflag:s20] =	ssyncset.done $0x0  }
0x39: {  	[sflag:s20] =	ssyncadd.s32 $0xFFFFC000  }
0x3a: {  	s26 =	simm.s32 $0x4000;
	_ =	swait.ge [sflag:s20], $0x4000  }
0x3b: {  	s25 =	simm.s32 $0x2000;
	s24 =	simm.s32 $0x480;
	[sflag:s20] =	ssyncset.done $0x0  }
.LBB2_2:
0x3c: {  	p0 =	sne.s32 s26, $0x1C000;
	s28 =	sadd.s32 $0xFFFFFE80, s24;
	[sflag:s20] =	ssyncadd.s32 $0xFFFFC000  }
0x3d: {  	[tilespmem:s15], [sflag:$0x2] =	stream.indirect.gather [hbm4b:s3+s12], $0x80, s28, s12, $0xb8;
	[tilespmem:$0x12000] =	vst v63  }
0x3e: {  	s29 =	smov.u32 s26;
	s26 =	sadd.s32 $0x2000, s26;
	s28 =	sadd.s32 $0xFFFFFF00, s24  }
0x3f: {  	[tilespmem:s16], [sflag:$0x2] =	stream.indirect.gather [hbm4b:s3+s12], $0x80, s28, s12, $0xb8;
	[tilespmem:$0x12000] =	vst v63  }
0x40: {  	_ =	swait.ge [sflag:s17], $0x4000  }
0x41: {  	[sflag:s17] =	ssyncset.done $0x0  }
0x42: {  	[sflag:s17] =	ssyncadd.s32 $0xFFFFC000  }
0x43: {  	_ =	swait.ge [sflag:s17], $0x4000  }
0x44: {  	[sflag:s17] =	ssyncset.done $0x0  }
0x45: {  	s28 =	sadd.s32 s25, s10;
	s25 =	smov.u32 s29;
	[sflag:s17] =	ssyncadd.s32 $0xFFFFC000  }
0x46: {  	[hbm4b:s28+s2] =	stream.linear.scatter [tilespmem:s13], [sflag:$0x3], $0x4000, $0x38;
	[tilespmem:$0x12000] =	vst v63  }
0x47: {  	s29 =	sadd.s32 $0x800, s28  }
0x48: {  	[hbm4b:s29+s2] =	stream.linear.scatter [tilespmem:s14], [sflag:$0x3], $0x4000, $0x38;
	[tilespmem:$0x12000] =	vst v63  }
0x49: {  	_ =	swait.ge [sflag:s18], $0x4000  }
0x4a: {  	[sflag:s18] =	ssyncset.done $0x0  }
0x4b: {  	[sflag:s18] =	ssyncadd.s32 $0xFFFFC000  }
0x4c: {  	_ =	swait.ge [sflag:s18], $0x4000  }
0x4d: {  	[sflag:s18] =	ssyncset.done $0x0  }
0x4e: {  	s29 =	sadd.s32 $0x1000, s28;
	[sflag:s18] =	ssyncadd.s32 $0xFFFFC000  }
0x4f: {  	[hbm4b:s29+s2] =	stream.linear.scatter [tilespmem:s15], [sflag:$0x4], $0x4000, $0x38;
	[tilespmem:$0x12000] =	vst v63  }
0x50: {  	s28 =	sadd.s32 $0x1800, s28  }
0x51: {  	[hbm4b:s28+s2] =	stream.linear.scatter [tilespmem:s16], [sflag:$0x4], $0x4000, $0x38;
	[tilespmem:$0x12000] =	vst v63  }
0x52: {  	_ =	swait.ge [sflag:s19], $0x4000  }
0x53: {  	[sflag:s19] =	ssyncset.done $0x0  }
0x54: {  	[sflag:s19] =	ssyncadd.s32 $0xFFFFC000  }
0x55: {  	_ =	swait.ge [sflag:s19], $0x4000  }
0x56: {  	[sflag:s19] =	ssyncset.done $0x0  }
0x57: {  	s28 =	sadd.s32 $0xFFFFFF80, s24;
	[sflag:s19] =	ssyncadd.s32 $0xFFFFC000  }
0x58: {  	[tilespmem:s13], [sflag:$0x1] =	stream.indirect.gather [hbm4b:s3+s12], $0x80, s28, s12, $0xb8;
	[tilespmem:$0x12000] =	vst v63  }
0x59: {  	_ = 	snop  }
0x5a: {  	[tilespmem:s14], [sflag:$0x1] =	stream.indirect.gather [hbm4b:s3+s12], $0x80, s24, s12, $0xb8;
	[tilespmem:$0x12000] =	vst v63  }
.Ltmp0:
0x5b: {  	_ =	swait.ge [sflag:s20], $0x4000;
	(pc) =	sbr.rel @p0 .LBB2_2-.Ltmp0, $4  }
0x5c: {  	[sflag:s20] =	ssyncset.done $0x0  }
0x5d: {  	[sflag:s20] =	ssyncadd.s32 $0xFFFFC000  }
0x5e: {  	_ =	swait.ge [sflag:s20], $0x4000  }
0x5f: {  	s24 =	sadd.s32 $0x200, s24;
	[sflag:s20] =	ssyncset.done $0x0  }
0x60: {  	s26 =	sadd.s32 $0xFFFFFE80, s24;
	[sflag:s20] =	ssyncadd.s32 $0xFFFFC000  }
0x61: {  	[tilespmem:s15], [sflag:$0x2] =	stream.indirect.gather [hbm4b:s3+s12], $0x80, s26, s12, $0xb8;
	[tilespmem:$0x12000] =	vst v63  }
0x62: {  	s28 =	sadd.s32 $0xFFFFFF00, s24  }
0x63: {  	[tilespmem:s16], [sflag:$0x2] =	stream.indirect.gather [hbm4b:s3+s12], $0x80, s28, s12, $0xb8;
	[tilespmem:$0x12000] =	vst v63  }
0x64: {  	_ =	swait.ge [sflag:s17], $0x4000  }
0x65: {  	[sflag:s17] =	ssyncset.done $0x0  }
0x66: {  	[sflag:s17] =	ssyncadd.s32 $0xFFFFC000  }
0x67: {  	_ =	swait.ge [sflag:s17], $0x4000  }
0x68: {  	[sflag:s17] =	ssyncset.done $0x0  }
0x69: {  	s25 =	sadd.s32 s25, s10;
	[sflag:s17] =	ssyncadd.s32 $0xFFFFC000  }
0x6a: {  	[hbm4b:s25+s2] =	stream.linear.scatter [tilespmem:s13], [sflag:$0x3], $0x4000, $0x38;
	[tilespmem:$0x12000] =	vst v63  }
0x6b: {  	s29 =	sadd.s32 $0x800, s25  }
0x6c: {  	[hbm4b:s29+s2] =	stream.linear.scatter [tilespmem:s14], [sflag:$0x3], $0x4000, $0x38;
	[tilespmem:$0x12000] =	vst v63  }
0x6d: {  	_ =	swait.ge [sflag:s18], $0x4000  }
0x6e: {  	[sflag:s18] =	ssyncset.done $0x0  }
0x6f: {  	[sflag:s18] =	ssyncadd.s32 $0xFFFFC000  }
0x70: {  	_ =	swait.ge [sflag:s18], $0x4000  }
0x71: {  	[sflag:s18] =	ssyncset.done $0x0  }
0x72: {  	s30 =	sadd.s32 $0x1000, s25;
	[sflag:s18] =	ssyncadd.s32 $0xFFFFC000  }
0x73: {  	[hbm4b:s30+s2] =	stream.linear.scatter [tilespmem:s15], [sflag:$0x4], $0x4000, $0x38;
	[tilespmem:$0x12000] =	vst v63  }
0x74: {  	s25 =	sadd.s32 $0x1800, s25  }
0x75: {  	[hbm4b:s25+s2] =	stream.linear.scatter [tilespmem:s16], [sflag:$0x4], $0x4000, $0x38;
	[tilespmem:$0x12000] =	vst v63  }
0x76: {  	_ =	swait.ge [sflag:s19], $0x4000  }
0x77: {  	[sflag:s19] =	ssyncset.done $0x0  }
0x78: {  	[sflag:s19] =	ssyncadd.s32 $0xFFFFC000  }
0x79: {  	_ =	swait.ge [sflag:s19], $0x4000  }
0x7a: {  	[sflag:s19] =	ssyncset.done $0x0  }
0x7b: {  	s31 =	sadd.s32 $0xFFFFFF80, s24;
	[sflag:s19] =	ssyncadd.s32 $0xFFFFC000  }
0x7c: {  	[tilespmem:s13], [sflag:$0x1] =	stream.indirect.gather [hbm4b:s3+s12], $0x80, s31, s12, $0xb8;
	[tilespmem:$0x12000] =	vst v63  }
0x7d: {  	_ = 	snop  }
0x7e: {  	[tilespmem:s14], [sflag:$0x1] =	stream.indirect.gather [hbm4b:s3+s12], $0x80, s24, s12, $0xb8;
	[tilespmem:$0x12000] =	vst v63  }
0x7f: {  	_ =	swait.ge [sflag:s20], $0x4000  }
0x80: {  	[sflag:s20] =	ssyncset.done $0x0  }
0x81: {  	[sflag:s20] =	ssyncadd.s32 $0xFFFFC000  }
0x82: {  	_ =	swait.ge [sflag:s20], $0x4000  }
0x83: {  	[sflag:s20] =	ssyncset.done $0x0  }
0x84: {  	[sflag:s20] =	ssyncadd.s32 $0xFFFFC000  }
0x85: {  	[tilespmem:s15], [sflag:$0x2] =	stream.indirect.gather [hbm4b:s3+s12], $0x80, s21, s12, $0xb8;
	[tilespmem:$0x12000] =	vst v63  }
0x86: {  	_ = 	snop  }
0x87: {  	[tilespmem:s16], [sflag:$0x2] =	stream.indirect.gather [hbm4b:s3+s12], $0x80, s22, s12, $0xb8;
	[tilespmem:$0x12000] =	vst v63  }
0x88: {  	_ =	swait.ge [sflag:s17], $0x4000  }
0x89: {  	[sflag:s17] =	ssyncset.done $0x0  }
0x8a: {  	[sflag:s17] =	ssyncadd.s32 $0xFFFFC000  }
0x8b: {  	_ =	swait.ge [sflag:s17], $0x4000  }
0x8c: {  	[sflag:s17] =	ssyncset.done $0x0  }
0x8d: {  	[sflag:s17] =	ssyncadd.s32 $0xFFFFC000  }
0x8e: {  	[hbm4b:s6+s2] =	stream.linear.scatter [tilespmem:s13], [sflag:$0x3], $0x4000, $0x38;
	[tilespmem:$0x12000] =	vst v63  }
0x8f: {  	_ = 	snop  }
0x90: {  	[hbm4b:s7+s2] =	stream.linear.scatter [tilespmem:s14], [sflag:$0x3], $0x4000, $0x38;
	[tilespmem:$0x12000] =	vst v63  }
0x91: {  	_ =	swait.ge [sflag:s18], $0x4000  }
0x92: {  	[sflag:s18] =	ssyncset.done $0x0  }
0x93: {  	[sflag:s18] =	ssyncadd.s32 $0xFFFFC000  }
0x94: {  	_ =	swait.ge [sflag:s18], $0x4000  }
0x95: {  	[sflag:s18] =	ssyncset.done $0x0  }
0x96: {  	[sflag:s18] =	ssyncadd.s32 $0xFFFFC000  }
0x97: {  	[hbm4b:s8+s2] =	stream.linear.scatter [tilespmem:s15], [sflag:$0x4], $0x4000, $0x38;
	[tilespmem:$0x12000] =	vst v63  }
0x98: {  	_ = 	snop  }
0x99: {  	[hbm4b:s9+s2] =	stream.linear.scatter [tilespmem:s16], [sflag:$0x4], $0x4000, $0x38;
	[tilespmem:$0x12000] =	vst v63  }
0x9a: {  	_ =	swait.ge [sflag:s19], $0x4000  }
0x9b: {  	[sflag:s19] =	ssyncset.done $0x0  }
0x9c: {  	[sflag:s19] =	ssyncadd.s32 $0xFFFFC000  }
0x9d: {  	_ =	swait.ge [sflag:s19], $0x4000  }
0x9e: {  	[sflag:s19] =	ssyncset.done $0x0  }
0x9f: {  	s23 =	sadd.s32 $0x1, s23;
	[sflag:s19] =	ssyncadd.s32 $0xFFFFC000  }
0xa0: {  	p0 =	sne.s32 s23, s5;
	_ =	swait.ge [sflag:s20], $0x4000  }
.Ltmp1:
0xa1: {  	[sflag:s20] =	ssyncset.done $0x0;
	(pc) =	sbr.rel @p0 .LBB2_1-.Ltmp1, $4  }
0xa2: {  	[sflag:s20] =	ssyncadd.s32 $0xFFFFC000  }
0xa3: {  	_ =	swait.ge [sflag:s20], $0x4000  }
0xa4: {  	[sflag:s20] =	ssyncset.done $0x0  }
0xa5: {  	[sflag:s20] =	ssyncadd.s32 $0xFFFFC000  }
0xa6: {  	_ =	sfence.sel $0x180000  }
0xa7: {  	[bflag:$0x0] =	sbarrier.arrive $0xFFFF  }
0xa8: {  	p0 =	sne.s32 s1, $0x0;
	_ =	strace $0x9000004A  }
0xa9: {  	s0 =	sadd.s32 @!p0 $0x100000, s0;
	[bflag:$0x2] =	sbarrier.arrive $0xFFFF  }
0xaa: {  	[sflag:s0] =	ssyncadd.tile.s32 @!p0 $0x1;
	_ =	shalt  }
.Lfunc_end2:
_tile_overlayer_lowered:
.L_overlay_start_2:
0xab: {  	(tag) =	ssettag $0x2  }
0xac: {  	s0 =	rddreg [dreg:$0x0];
	s2 =	stileid.u32  }
0xad: {  	s1 =	rddreg [dreg:$0x1];
	p0 =	sne.s32 s2, $0x0  }
0xae: {  	s3 =	rddreg [dreg:$0x2];
	[bflag:$0x3] =	sbarrier.arrive $0xFFFF;
	s2 =	simm.s32 @!p0 $0x1C05  }
0xaf: {  	[timem:s3], [sflag:s2] =	dma.local @!p0 [hbm:s0], s1  }
0xb0: {  	s0 =	simm.s32 @!p0 $0x5  }
0xb1: {  	_ =	swait.ge @!p0 [sflag:s0], s1  }
0xb2: {  	s1 =	ssub.s32 @!p0 $0x0, s1;
	[sflag:s0] =	ssyncset.done @!p0 $0x0  }
0xb3: {  	[sflag:s0] =	ssyncadd.s32 @!p0 s1  }
0xb4: {  	[bflag:$0x3] =	sbarrier.arrive $0xFFFF  }
0xb5: {  	_ =	shalt  }

// kernel: kernel.8.cloned.1.call-start
scs
__scs_entry_jumppad:
0x0: {  	(pc) =	sbr.rel $0x88, $3  }
0x1: {  	(tag) =	ssettag $0x0;
	lr =	simm.s32 $0x1  }
0x2: {  	[smem:$0x3F8F] =	sst lr;
	_ =	strace $0xD0000000  }
0x3: {  	_ = 	snop  }
0x4: {  	_ = 	snop  }
0x5: {  	_ = 	snop  }
0x6: {  	_ = 	snop  }
0x7: {  	_ = 	snop  }
__scs_overlays_trampoline_lowered:
0x8: {  	[smem:$0x3F9E] =	sst s0  }
0x9: {  	[smem:$0x3F9F] =	sst s1  }
0xa: {  	[smem:$0x3FA0] =	sst s2  }
0xb: {  	[smem:$0x3FA1] =	sst s3  }
0xc: {  	[smem:$0x3FA2] =	sst s4  }
0xd: {  	[smem:$0x3FA3] =	sst s5  }
0xe: {  	[smem:$0x3FA4] =	sst s6  }
0xf: {  	[smem:$0x3FA5] =	sst s7  }
0x10: {  	[smem:$0x3FA6] =	sst s8  }
0x11: {  	[smem:$0x3FA7] =	sst s9;
	s0 =	simm.s32 @!p0 $0x0  }
0x12: {  	s1 =	sld [smem:$0x3F8D];
	s0 =	simm.s32 @p0 $0x1  }
0x13: {  	[smem:$0x3FA8] =	sst s0;
	s0 =	simm.s32 @!p1 $0x0  }
0x14: {  	s2 =	sld [smem:$0x3F8C];
	s0 =	simm.s32 @p1 $0x1  }
0x15: {  	[smem:$0x3FA9] =	sst s0;
	s0 =	simm.s32 @!p2 $0x0  }
0x16: {  	s3 =	sld [smem:$0x3FDB];
	s0 =	simm.s32 @p2 $0x1  }
0x17: {  	s4 =	simm.s32 $0x1BF5;
	[smem:$0x3FAB] =	sst s0  }
0x18: {  	s0 =	sld [smem:$0x3F8E];
	_ =	swait.ge [sflag:s4], $0x0  }
0x19: {  	s7 =	sld [smem:$0x3F8F]  }
0x1a: {  	s8 =	sadd.s32 $0xFFFFE003, lr  }
0x1b: {  	s9 =	sadd.s32 $0xFFFFFEF7, lr;
	s5 =	simm.s32 $0xFFFFFFFF;
	p2 =	slt.u32 s8, $0xFFFFF086  }
0x1c: {  	p1 =	slt.u32 s9, $0xF7A;
	s5 =	simm.s32 @!p2 $0x0  }
0x1d: {  	s5 =	simm.s32 @p1 $0x1;
	p0 =	seq.s32 s7, s2  }
0x1e: {  	s7 =	smul.u32 @!p0 $0xF7A, s2;
	p2 =	seq.s32 @!p0 s5, $0x0  }
0x1f: {  	s9 =	smul.u32 $0xF7A, s1;
	s8 =	simm.s32 @!p0 $0x1BF5;
	p2 =	por !p2, p0  }
0x20: {  	[sflag:s8] =	ssyncset.s32 @!p0 $0xFFFFF086;
	s6 =	sadd.s32 @!p0 s3, s7;
	s7 =	simm.s32 @!p0 $0x108  }
0x21: {  	s3 =	sadd.s32 s3, s9;
	s6 =	sadd.s32 @!p0 $0x88, s6;
	s7 =	simm.s32 @p2 $0x1082  }
0x22: {  	[simem:s7], [sflag:s8] =	dma.local @!p0 [hbm:s6], $0xF7A  }
0x23: {  	s9 =	sor.u32 $0xD0000000, s2;
	s6 =	simm.s32 $0x108;
	_ =	swait.ge @!p0 [sflag:s8], $0x0  }
0x24: {  	s3 =	sadd.s32 $0x88, s3;
	s6 =	simm.s32 @!p1 $0x1082;
	[sflag:s4] =	ssyncset.s32 $0xFFFFF086  }
0x25: {  	[simem:s6], [sflag:s4] =	dma.local [hbm:s3], $0xF7A  }
0x26: {  	[smem:$0x3F8F] =	sst s1;
	(tag) =	ssettag s2;
	_ =	strace s9  }
0x27: {  	s1 =	sld [smem:$0x3F9F]  }
0x28: {  	s2 =	sld [smem:$0x3FA0]  }
0x29: {  	s4 =	sld [smem:$0x3FA2]  }
0x2a: {  	p0 =	seq.s32 s5, $0x0;
	s5 =	sld [smem:$0x3FA3]  }
0x2b: {  	s6 =	sld [smem:$0x3FA4]  }
0x2c: {  	s7 =	sld [smem:$0x3FA5]  }
0x2d: {  	s3 =	simm.s32 $0x108;
	s8 =	sld [smem:$0x3FA6]  }
0x2e: {  	s3 =	simm.s32 @!p0 $0x1082;
	s9 =	sld [smem:$0x3FA7]  }
0x2f: {  	lr =	sadd.s32 s0, s3;
	s0 =	sld [smem:$0x3F9E]  }
0x30: {  	s3 =	sld [smem:$0x3FA1]  }
0x31: {  	[smem:$0x3FAA] =	sst s10  }
0x32: {  	s10 =	sld [smem:$0x3FA8];
	_ =	sdelay $0x3  }
0x33: {  	p0 =	seq.s32 s10, $0x1;
	s10 =	sld [smem:$0x3FAA];
	_ =	sdelay $0x3  }
0x34: {  	[smem:$0x3FAA] =	sst s10  }
0x35: {  	s10 =	sld [smem:$0x3FA9];
	_ =	sdelay $0x3  }
0x36: {  	p1 =	seq.s32 s10, $0x1;
	s10 =	sld [smem:$0x3FAA];
	_ =	sdelay $0x3  }
0x37: {  	[smem:$0x3FAA] =	sst s10  }
0x38: {  	s10 =	sld [smem:$0x3FAB]  }
0x39: {  	_ = 	snop;
	(pc) =	sbr.ind lr, $3  }
0x3a: {  	_ = 	snop  }
0x3b: {  	_ = 	snop  }
0x3c: {  	p2 =	seq.s32 s10, $0x1;
	s10 =	sld [smem:$0x3FAA]  }
0x3d: {  	_ =	shalt  }
0x3e: {  	_ =	shalt  }
0x3f: {  	_ =	shalt  }
0x40: {  	_ =	shalt  }
0x41: {  	_ =	shalt  }
0x42: {  	_ =	shalt  }
0x43: {  	_ =	shalt  }
0x44: {  	_ =	shalt  }
0x45: {  	_ =	shalt  }
0x46: {  	_ =	shalt  }
0x47: {  	_ =	shalt  }
0x48: {  	_ =	shalt  }
0x49: {  	_ =	shalt  }
0x4a: {  	_ =	shalt  }
0x4b: {  	_ =	shalt  }
0x4c: {  	_ =	shalt  }
0x4d: {  	_ =	shalt  }
0x4e: {  	_ =	shalt  }
0x4f: {  	_ =	shalt  }
0x50: {  	_ =	shalt  }
0x51: {  	_ =	shalt  }
0x52: {  	_ =	shalt  }
0x53: {  	_ =	shalt  }
0x54: {  	_ =	shalt  }
0x55: {  	_ =	shalt  }
0x56: {  	_ =	shalt  }
0x57: {  	_ =	shalt  }
0x58: {  	_ =	shalt  }
0x59: {  	_ =	shalt  }
0x5a: {  	_ =	shalt  }
0x5b: {  	_ =	shalt  }
0x5c: {  	_ =	shalt  }
0x5d: {  	_ =	shalt  }
0x5e: {  	_ =	shalt  }
0x5f: {  	_ =	shalt  }
0x60: {  	_ =	shalt  }
0x61: {  	_ =	shalt  }
0x62: {  	_ =	shalt  }
0x63: {  	_ =	shalt  }
0x64: {  	_ =	shalt  }
0x65: {  	_ =	shalt  }
0x66: {  	_ =	shalt  }
0x67: {  	_ =	shalt  }
0x68: {  	_ =	shalt  }
0x69: {  	_ =	shalt  }
0x6a: {  	_ =	shalt  }
0x6b: {  	_ =	shalt  }
0x6c: {  	_ =	shalt  }
0x6d: {  	_ =	shalt  }
0x6e: {  	_ =	shalt  }
0x6f: {  	_ =	shalt  }
0x70: {  	_ =	shalt  }
0x71: {  	_ =	shalt  }
0x72: {  	_ =	shalt  }
0x73: {  	_ =	shalt  }
0x74: {  	_ =	shalt  }
0x75: {  	_ =	shalt  }
0x76: {  	_ =	shalt  }
0x77: {  	_ =	shalt  }
0x78: {  	_ =	shalt  }
0x79: {  	_ =	shalt  }
0x7a: {  	_ =	shalt  }
0x7b: {  	_ =	shalt  }
0x7c: {  	_ =	shalt  }
0x7d: {  	_ =	shalt  }
0x7e: {  	_ =	shalt  }
0x7f: {  	_ =	shalt  }
0x80: {  	_ =	shalt  }
0x81: {  	_ =	shalt  }
0x82: {  	_ =	shalt  }
0x83: {  	_ =	shalt  }
0x84: {  	_ =	shalt  }
0x85: {  	_ =	shalt  }
0x86: {  	_ =	shalt  }
0x87: {  	_ =	shalt  }
.Lfunc_end0:
.L_simem_size_0:
called_computation_lowered:
.L_overlay_start_0:
0x88: {  	s2 =	sld [smem:$0x3FD9]  }
0x89: {  	s3 =	sld [smem:$0x3FFE];
	_ =	sdelay $0x1  }
0x8a: {  	s1 =	srdreg.scid  }
0x8b: {  	s0 =	sand.u32 $0x1, s1  }
0x8c: {  	s17 =	sshll.u32 s0, $0xA;
	s2 =	sadd.s32 s3, s2  }
0x8d: {  	s2 =	sadd.s32 s2, s17  }
0x8e: {  	[smem:$0x3FB6] =	sst s2  }
0x8f: {  	_ = 	snop  }
0x90: {  	s2 =	sld [smem:$0x3FD0];
	(tm) =	ssettm $0x1  }
0x91: {  	s18 =	sld [smem:$0x3FFB];
	_ =	sdelay $0x3  }
0x92: {  	_ =	strace s18  }
0x93: {  	s3 =	sld [smem:$0x3FFC];
	_ =	sdelay $0x3  }
0x94: {  	_ =	strace s3  }
0x95: {  	s3 =	sld [smem:$0x3FFD];
	_ =	sdelay $0x3  }
0x96: {  	_ =	strace s3  }
0x97: {  	_ =	strace $0x8FFFFFFF  }
0x98: {  	s19 =	sld [smem:$0x3FDB];
	_ =	sdelay $0x1  }
0x99: {  	s4 =	simm.s32 $_scs_section_size  }
0x9a: {  	s5 =	simm.s32 $_size__tile_overlayer_lowered;
	s6 =	simm.s32 $_tile_overlayer_lowered  }
0x9b: {  	s22 =	simm.s32 $0x1BFF;
	s21 =	sshll.u32 s6, $0x1;
	s3 =	sadd.s32 s4, s19  }
0x9c: {  	s7 =	simm.s32 $0x0;
	s20 =	sshll.u32 s5, $0x1;
	s5 =	sadd.s32 s21, s3  }
0x9d: {  	[timem:s7], [sflag:s22] =	dma.local [hbm:s5], s20  }
0x9e: {  	_ =	swait.ge [sflag:s22], s20  }
0x9f: {  	s4 =	ssub.s32 $0x0, s20;
	[sflag:s22] =	ssyncset.done $0x0  }
0xa0: {  	[sflag:s22] =	ssyncadd.s32 s4;
	_ =	sdelay $0x1  }
0xa1: {  	s23 =	simm.s32 $0x1B8B  }
0xa2: {  	_ =	swait.ge [sflag:s23], $0x1  }
0xa3: {  	[sflag:s23] =	ssyncset.done $0x0  }
0xa4: {  	s25 =	simm.s32 $0x1B8E;
	s24 =	sld [smem:$0x3FFE];
	[sflag:s23] =	ssyncadd.s32 $0xFFFFFFFF  }
0xa5: {  	s26 =	simm.s32 $execute0_lowered;
	[smem:$0x3FD2] =	sst s25  }
0xa6: {  	s5 =	sshll.u32 s26, $0x1;
	_ =	strace $0x80000046;
	[dreg:$0x1] =	wrdreg $0xFFFFFFFF  }
0xa7: {  	s28 =	simm.s32 $_size_execute0_lowered;
	s3 =	sadd.s32 s3, s5;
	[dreg:$0x0] =	wrdreg $0x0  }
0xa8: {  	s5 =	sshll.u32 s28, $0x1;
	[dreg:$0x2] =	wrdreg s3  }
0xa9: {  	[dreg:$0x3] =	wrdreg s5  }
0xaa: {  	[dreg:$0x4] =	wrdreg $0xC0  }
0xab: {  	_ =	task [dreg:s7], $0x5FFFF  }
0xac: {  	[dreg:$0x1] =	wrdreg $0xFFFFFFFF  }
0xad: {  	[dreg:$0x0] =	wrdreg $0x60  }
0xae: {  	[dreg:$0x2] =	wrdreg s24  }
0xaf: {  	[dreg:$0x3] =	wrdreg s2  }
0xb0: {  	[dreg:$0x4] =	wrdreg $0x9  }
0xb1: {  	_ =	task.clear_ibuf [dreg:s7], $0x5FFFF;
	_ =	strace $0x90000046  }
0xb2: {  	s29 =	simm.s32 $0x9;
	_ =	strace $0x80000048  }
0xb3: {  	_ =	swait.ge [sflag:s29], $0x1  }
0xb4: {  	[sflag:s29] =	ssyncadd.s32 $0xFFFFFFFF  }
0xb5: {  	_ =	strace $0x90000048  }
0xb6: {  	_ =	sfence  }
0xb7: {  	s30 =	sld [smem:$0x0];
	_ =	sdelay $0x2  }
0xb8: {  	s31 =	sshll.u32 s1, $0xD;
	s1 =	sshrl.u32 s1, $0x2  }
0xb9: {  	s3 =	sand.u32 $0x4000, s31;
	s1 =	sadd.s32 s1, s30  }
0xba: {  	s0 =	sor.u32 s3, s0;
	s1 =	sshll.u32 s1, $0x11  }
0xbb: {  	s0 =	sor.u32 s1, s0  }
0xbc: {  	s0 =	sadd.s32 $0x8F2B, s0  }
0xbd: {  	[sflag:s0] =	ssyncadd.remote.s32 $0x1  }
0xbe: {  	_ =	sfence.sel $0xFFFF  }
0xbf: {  	[dreg:$0x0] =	wrdreg $0xFFFFFFFF;
	(pc) =	sbr.abs _section_cstart, $3  }
0xc0: {  	[dreg:$0x1] =	wrdreg $0xFFFFFFFF  }
0xc1: {  	_ =	task.clear_ibuf [dreg:s7], $0x2FFFF;
	_ =	strace $0x9FFFFFFF  }
0xc2: {  	(tm) =	ssettm $0x7FFFFFFF  }
0xc3: {  	_ =	shalt  }
tec
execute0_lowered:
.L_overlay_start_1:
0x0: {  	(tag) =	ssettag $0x1  }
0x1: {  	s3 =	rddreg [dreg:$0x0]  }
0x2: {  	s5 =	rddreg [dreg:$0x1];
	s2 =	simm.s32 $0x0  }
0x3: {  	s4 =	srdreg.scid;
	s1 =	stileid.u32;
	s12 =	simm.s32 $0x2000  }
0x4: {  	s13 =	simm.s32 $0x6000;
	s14 =	simm.s32 $0xA000;
	s15 =	simm.s32 $0xE000  }
0x5: {  	s16 =	simm.s32 $0x1;
	s17 =	simm.s32 $0x80;
	s18 =	simm.s32 $0x2  }
0x6: {  	s19 =	simm.s32 $0x3;
	s20 =	simm.s32 $0x4;
	s21 =	simm.s32 $0x1E00  }
0x7: {  	s22 =	simm.s32 $0x1E80;
	s23 =	simm.s32 $0x1F00;
	s24 =	simm.s32 $0x1F80  }
0x8: {  	s25 =	simm.s32 $0x0;
	[smem:$0x7FF] =	sst s2;
	s8 =	sand.u32 $0x1, s4  }
0x9: {  	s29 =	sshll.u32 s1, $0x1;
	s9 =	sadd.s32 $0x2800, s3;
	s3 =	sadd.s32 $0x402800, s3  }
0xa: {  	s31 =	sshll.u32 s1, $0x12;
	_ =	strace $0x80000047;
	s6 =	ssub.s32 $0x2, s8  }
0xb: {  	s4 =	sor.u32 s8, s29;
	s11 =	sshll.u32 s8, $0x11;
	s7 =	sshrl.u32 s6, $0x1  }
0xc: {  	s10 =	sshll.u32 s4, $0x11;
	s30 =	sshll.u32 s4, $0xA;
	s7 =	ssub.s32 s6, s7  }
0xd: {  	s4 =	sadd.s32 s9, s10;
	s5 =	sadd.s32 s5, s30;
	s10 =	sadd.s32 s31, s9  }
0xe: {  	s6 =	sadd.s32 $0x800, s4;
	s7 =	smax.u32 s7, $0x1;
	s8 =	sadd.s32 $0x1F000, s4  }
0xf: {  	s9 =	sadd.s32 $0x1F800, s4;
	s10 =	sadd.s32 s11, s10;
	s11 =	simm.s32 $0x5  }
.LBB2_1:
0x10: {  	[tilespmem:s2], [sflag:$0x5] =	stream.linear.gather [hbm4b:s5+s2], $0x2000, $0x38;
	[tilespmem:$0x12000] =	vst v63  }
0x11: {  	_ =	swait.ge [sflag:s11], $0x2000  }
0x12: {  	[sflag:s11] =	ssyncset.done $0x0  }
0x13: {  	[sflag:s11] =	ssyncadd.s32 $0xFFFFE000  }
0x14: {  	[tilespmem:s12], [sflag:$0x1] =	stream.linear.gather [hbm4b:s4+s2], $0x4000, $0x38;
	[tilespmem:$0x12000] =	vst v63  }
0x15: {  	s26 =	sadd.s32 $0x0, s10  }
0x16: {  	[tilespmem:s13], [sflag:$0x1] =	stream.linear.gather [hbm4b:s6+s2], $0x4000, $0x38;
	[tilespmem:$0x12000] =	vst v63  }
0x17: {  	s28 =	sadd.s32 $0x1000, s26  }
0x18: {  	[tilespmem:s14], [sflag:$0x2] =	stream.linear.gather [hbm4b:s28+s2], $0x4000, $0x38;
	[tilespmem:$0x12000] =	vst v63  }
0x19: {  	s28 =	sadd.s32 $0x1800, s26  }
0x1a: {  	[tilespmem:s15], [sflag:$0x2] =	stream.linear.gather [hbm4b:s28+s2], $0x4000, $0x38;
	[tilespmem:$0x12000] =	vst v63  }
0x1b: {  	_ =	swait.ge [sflag:s16], $0x4000  }
0x1c: {  	[sflag:s16] =	ssyncset.done $0x0  }
0x1d: {  	[sflag:s16] =	ssyncadd.s32 $0xFFFFC000  }
0x1e: {  	_ =	swait.ge [sflag:s16], $0x4000  }
0x1f: {  	[sflag:s16] =	ssyncset.done $0x0  }
0x20: {  	[sflag:s16] =	ssyncadd.s32 $0xFFFFC000  }
0x21: {  	[hbm4b:s3+s17] =	stream.indirect.scatter [tilespmem:s12], [sflag:$0x3], $0x80, s2, s17, $0xb8;
	[tilespmem:$0x12000] =	vst v63  }
0x22: {  	s28 =	simm.s32 $0x80  }
0x23: {  	[hbm4b:s3+s17] =	stream.indirect.scatter [tilespmem:s13], [sflag:$0x3], $0x80, s28, s17, $0xb8;
	[tilespmem:$0x12000] =	vst v63  }
0x24: {  	_ =	swait.ge [sflag:s18], $0x4000  }
0x25: {  	[sflag:s18] =	ssyncset.done $0x0  }
0x26: {  	[sflag:s18] =	ssyncadd.s32 $0xFFFFC000  }
0x27: {  	_ =	swait.ge [sflag:s18], $0x4000  }
0x28: {  	[sflag:s18] =	ssyncset.done $0x0  }
0x29: {  	s28 =	simm.s32 $0x100;
	[sflag:s18] =	ssyncadd.s32 $0xFFFFC000  }
0x2a: {  	[hbm4b:s3+s17] =	stream.indirect.scatter [tilespmem:s14], [sflag:$0x4], $0x80, s28, s17, $0xb8;
	[tilespmem:$0x12000] =	vst v63  }
0x2b: {  	s28 =	simm.s32 $0x180  }
0x2c: {  	[hbm4b:s3+s17] =	stream.indirect.scatter [tilespmem:s15], [sflag:$0x4], $0x80, s28, s17, $0xb8;
	[tilespmem:$0x12000] =	vst v63  }
0x2d: {  	_ =	swait.ge [sflag:s19], $0x4000  }
0x2e: {  	[sflag:s19] =	ssyncset.done $0x0  }
0x2f: {  	[sflag:s19] =	ssyncadd.s32 $0xFFFFC000  }
0x30: {  	_ =	swait.ge [sflag:s19], $0x4000  }
0x31: {  	[sflag:s19] =	ssyncset.done $0x0  }
0x32: {  	s28 =	sadd.s32 $0x2000, s26;
	[sflag:s19] =	ssyncadd.s32 $0xFFFFC000  }
0x33: {  	[tilespmem:s12], [sflag:$0x1] =	stream.linear.gather [hbm4b:s28+s2], $0x4000, $0x38;
	[tilespmem:$0x12000] =	vst v63  }
0x34: {  	s26 =	sadd.s32 $0x2800, s26  }
0x35: {  	[tilespmem:s13], [sflag:$0x1] =	stream.linear.gather [hbm4b:s26+s2], $0x4000, $0x38;
	[tilespmem:$0x12000] =	vst v63  }
0x36: {  	_ =	swait.ge [sflag:s20], $0x4000  }
0x37: {  	[sflag:s20] =	ssyncset.done $0x0  }
0x38: {  	[sflag:s20] =	ssyncadd.s32 $0xFFFFC000  }
0x39: {  	s31 =	simm.s32 $0x4000;
	_ =	swait.ge [sflag:s20], $0x4000  }
0x3a: {  	s28 =	simm.s32 $0x200;
	s26 =	sadd.s32 $0x2000, s10;
	[sflag:s20] =	ssyncset.done $0x0  }
.LBB2_2:
0x3b: {  	s0 =	sadd.s32 $0x1000, s26  }
0x3c: {  	[sflag:s20] =	ssyncadd.s32 $0xFFFFC000;
	s30 =	smov.u32 s31;
	s29 =	sadd.s32 $0x2000, s31  }
0x3d: {  	[tilespmem:s14], [sflag:$0x2] =	stream.linear.gather [hbm4b:s0+s2], $0x4000, $0x38;
	[tilespmem:$0x12000] =	vst v63  }
0x3e: {  	p0 =	sne.s32 s31, $0x1C000;
	s0 =	sadd.s32 $0x1800, s26  }
0x3f: {  	[tilespmem:s15], [sflag:$0x2] =	stream.linear.gather [hbm4b:s0+s2], $0x4000, $0x38;
	[tilespmem:$0x12000] =	vst v63  }
0x40: {  	_ =	swait.ge [sflag:s16], $0x4000  }
0x41: {  	[sflag:s16] =	ssyncset.done $0x0  }
0x42: {  	[sflag:s16] =	ssyncadd.s32 $0xFFFFC000  }
0x43: {  	_ =	swait.ge [sflag:s16], $0x4000  }
0x44: {  	[sflag:s16] =	ssyncset.done $0x0  }
0x45: {  	[sflag:s16] =	ssyncadd.s32 $0xFFFFC000  }
0x46: {  	[hbm4b:s3+s17] =	stream.indirect.scatter [tilespmem:s12], [sflag:$0x3], $0x80, s28, s17, $0xb8;
	[tilespmem:$0x12000] =	vst v63  }
0x47: {  	s0 =	sadd.s32 $0x80, s28  }
0x48: {  	[hbm4b:s3+s17] =	stream.indirect.scatter [tilespmem:s13], [sflag:$0x3], $0x80, s0, s17, $0xb8;
	[tilespmem:$0x12000] =	vst v63  }
0x49: {  	_ =	swait.ge [sflag:s18], $0x4000  }
0x4a: {  	[sflag:s18] =	ssyncset.done $0x0  }
0x4b: {  	[sflag:s18] =	ssyncadd.s32 $0xFFFFC000  }
0x4c: {  	_ =	swait.ge [sflag:s18], $0x4000  }
0x4d: {  	[sflag:s18] =	ssyncset.done $0x0  }
0x4e: {  	s0 =	sadd.s32 $0x100, s28;
	[sflag:s18] =	ssyncadd.s32 $0xFFFFC000  }
0x4f: {  	[hbm4b:s3+s17] =	stream.indirect.scatter [tilespmem:s14], [sflag:$0x4], $0x80, s0, s17, $0xb8;
	[tilespmem:$0x12000] =	vst v63  }
0x50: {  	s0 =	sadd.s32 $0x180, s28  }
0x51: {  	[hbm4b:s3+s17] =	stream.indirect.scatter [tilespmem:s15], [sflag:$0x4], $0x80, s0, s17, $0xb8;
	[tilespmem:$0x12000] =	vst v63  }
0x52: {  	_ =	swait.ge [sflag:s19], $0x4000  }
0x53: {  	[sflag:s19] =	ssyncset.done $0x0  }
0x54: {  	[sflag:s19] =	ssyncadd.s32 $0xFFFFC000  }
0x55: {  	_ =	swait.ge [sflag:s19], $0x4000  }
0x56: {  	[sflag:s19] =	ssyncset.done $0x0  }
0x57: {  	s0 =	sadd.s32 $0x2000, s26;
	[sflag:s19] =	ssyncadd.s32 $0xFFFFC000  }
0x58: {  	[tilespmem:s12], [sflag:$0x1] =	stream.linear.gather [hbm4b:s0+s2], $0x4000, $0x38;
	[tilespmem:$0x12000] =	vst v63  }
0x59: {  	s0 =	sadd.s32 $0x2800, s26  }
0x5a: {  	[tilespmem:s13], [sflag:$0x1] =	stream.linear.gather [hbm4b:s0+s2], $0x4000, $0x38;
	[tilespmem:$0x12000] =	vst v63  }
.Ltmp0:
0x5b: {  	_ =	swait.ge [sflag:s20], $0x4000;
	(pc) =	sbr.rel @p0 .LBB2_2-.Ltmp0, $4  }
0x5c: {  	[sflag:s20] =	ssyncset.done $0x0  }
0x5d: {  	[sflag:s20] =	ssyncadd.s32 $0xFFFFC000  }
0x5e: {  	s31 =	smov.u32 s29;
	_ =	swait.ge [sflag:s20], $0x4000  }
0x5f: {  	s28 =	sadd.s32 $0x200, s28;
	s26 =	sadd.s32 s30, s10;
	[sflag:s20] =	ssyncset.done $0x0  }
0x60: {  	s0 =	sadd.s32 $0x1000, s26;
	[sflag:s20] =	ssyncadd.s32 $0xFFFFC000  }
0x61: {  	[tilespmem:s14], [sflag:$0x2] =	stream.linear.gather [hbm4b:s0+s2], $0x4000, $0x38;
	[tilespmem:$0x12000] =	vst v63  }
0x62: {  	s29 =	sadd.s32 $0x1800, s26  }
0x63: {  	[tilespmem:s15], [sflag:$0x2] =	stream.linear.gather [hbm4b:s29+s2], $0x4000, $0x38;
	[tilespmem:$0x12000] =	vst v63  }
0x64: {  	_ =	swait.ge [sflag:s16], $0x4000  }
0x65: {  	[sflag:s16] =	ssyncset.done $0x0  }
0x66: {  	[sflag:s16] =	ssyncadd.s32 $0xFFFFC000  }
0x67: {  	_ =	swait.ge [sflag:s16], $0x4000  }
0x68: {  	[sflag:s16] =	ssyncset.done $0x0  }
0x69: {  	[sflag:s16] =	ssyncadd.s32 $0xFFFFC000  }
0x6a: {  	[hbm4b:s3+s17] =	stream.indirect.scatter [tilespmem:s12], [sflag:$0x3], $0x80, s28, s17, $0xb8;
	[tilespmem:$0x12000] =	vst v63  }
0x6b: {  	s30 =	sadd.s32 $0x80, s28  }
0x6c: {  	[hbm4b:s3+s17] =	stream.indirect.scatter [tilespmem:s13], [sflag:$0x3], $0x80, s30, s17, $0xb8;
	[tilespmem:$0x12000] =	vst v63  }
0x6d: {  	_ =	swait.ge [sflag:s18], $0x4000  }
0x6e: {  	[sflag:s18] =	ssyncset.done $0x0  }
0x6f: {  	[sflag:s18] =	ssyncadd.s32 $0xFFFFC000  }
0x70: {  	_ =	swait.ge [sflag:s18], $0x4000  }
0x71: {  	[sflag:s18] =	ssyncset.done $0x0  }
0x72: {  	s31 =	sadd.s32 $0x100, s28;
	[sflag:s18] =	ssyncadd.s32 $0xFFFFC000  }
0x73: {  	[hbm4b:s3+s17] =	stream.indirect.scatter [tilespmem:s14], [sflag:$0x4], $0x80, s31, s17, $0xb8;
	[tilespmem:$0x12000] =	vst v63  }
0x74: {  	s29 =	sadd.s32 $0x180, s28  }
0x75: {  	[hbm4b:s3+s17] =	stream.indirect.scatter [tilespmem:s15], [sflag:$0x4], $0x80, s29, s17, $0xb8;
	[tilespmem:$0x12000] =	vst v63  }
0x76: {  	_ =	swait.ge [sflag:s19], $0x4000  }
0x77: {  	[sflag:s19] =	ssyncset.done $0x0  }
0x78: {  	[sflag:s19] =	ssyncadd.s32 $0xFFFFC000  }
0x79: {  	_ =	swait.ge [sflag:s19], $0x4000  }
0x7a: {  	[sflag:s19] =	ssyncset.done $0x0  }
0x7b: {  	s30 =	sadd.s32 $0x2000, s26;
	[sflag:s19] =	ssyncadd.s32 $0xFFFFC000  }
0x7c: {  	[tilespmem:s12], [sflag:$0x1] =	stream.linear.gather [hbm4b:s30+s2], $0x4000, $0x38;
	[tilespmem:$0x12000] =	vst v63  }
0x7d: {  	s31 =	sadd.s32 $0x2800, s26  }
0x7e: {  	[tilespmem:s13], [sflag:$0x1] =	stream.linear.gather [hbm4b:s31+s2], $0x4000, $0x38;
	[tilespmem:$0x12000] =	vst v63  }
0x7f: {  	_ =	swait.ge [sflag:s20], $0x4000  }
0x80: {  	[sflag:s20] =	ssyncset.done $0x0  }
0x81: {  	[sflag:s20] =	ssyncadd.s32 $0xFFFFC000  }
0x82: {  	_ =	swait.ge [sflag:s20], $0x4000  }
0x83: {  	[sflag:s20] =	ssyncset.done $0x0  }
0x84: {  	[sflag:s20] =	ssyncadd.s32 $0xFFFFC000  }
0x85: {  	[tilespmem:s14], [sflag:$0x2] =	stream.linear.gather [hbm4b:s8+s2], $0x4000, $0x38;
	[tilespmem:$0x12000] =	vst v63  }
0x86: {  	_ = 	snop  }
0x87: {  	[tilespmem:s15], [sflag:$0x2] =	stream.linear.gather [hbm4b:s9+s2], $0x4000, $0x38;
	[tilespmem:$0x12000] =	vst v63  }
0x88: {  	_ =	swait.ge [sflag:s16], $0x4000  }
0x89: {  	[sflag:s16] =	ssyncset.done $0x0  }
0x8a: {  	[sflag:s16] =	ssyncadd.s32 $0xFFFFC000  }
0x8b: {  	_ =	swait.ge [sflag:s16], $0x4000  }
0x8c: {  	[sflag:s16] =	ssyncset.done $0x0  }
0x8d: {  	[sflag:s16] =	ssyncadd.s32 $0xFFFFC000  }
0x8e: {  	[hbm4b:s3+s17] =	stream.indirect.scatter [tilespmem:s12], [sflag:$0x3], $0x80, s21, s17, $0xb8;
	[tilespmem:$0x12000] =	vst v63  }
0x8f: {  	_ = 	snop  }
0x90: {  	[hbm4b:s3+s17] =	stream.indirect.scatter [tilespmem:s13], [sflag:$0x3], $0x80, s22, s17, $0xb8;
	[tilespmem:$0x12000] =	vst v63  }
0x91: {  	_ =	swait.ge [sflag:s18], $0x4000  }
0x92: {  	[sflag:s18] =	ssyncset.done $0x0  }
0x93: {  	[sflag:s18] =	ssyncadd.s32 $0xFFFFC000  }
0x94: {  	_ =	swait.ge [sflag:s18], $0x4000  }
0x95: {  	[sflag:s18] =	ssyncset.done $0x0  }
0x96: {  	[sflag:s18] =	ssyncadd.s32 $0xFFFFC000  }
0x97: {  	[hbm4b:s3+s17] =	stream.indirect.scatter [tilespmem:s14], [sflag:$0x4], $0x80, s23, s17, $0xb8;
	[tilespmem:$0x12000] =	vst v63  }
0x98: {  	_ = 	snop  }
0x99: {  	[hbm4b:s3+s17] =	stream.indirect.scatter [tilespmem:s15], [sflag:$0x4], $0x80, s24, s17, $0xb8;
	[tilespmem:$0x12000] =	vst v63  }
0x9a: {  	_ =	swait.ge [sflag:s19], $0x4000  }
0x9b: {  	[sflag:s19] =	ssyncset.done $0x0  }
0x9c: {  	[sflag:s19] =	ssyncadd.s32 $0xFFFFC000  }
0x9d: {  	_ =	swait.ge [sflag:s19], $0x4000  }
0x9e: {  	[sflag:s19] =	ssyncset.done $0x0  }
0x9f: {  	s25 =	sadd.s32 $0x1, s25;
	[sflag:s19] =	ssyncadd.s32 $0xFFFFC000  }
0xa0: {  	p0 =	sne.s32 s25, s7;
	_ =	swait.ge [sflag:s20], $0x4000  }
.Ltmp1:
0xa1: {  	[sflag:s20] =	ssyncset.done $0x0;
	(pc) =	sbr.rel @p0 .LBB2_1-.Ltmp1, $4  }
0xa2: {  	[sflag:s20] =	ssyncadd.s32 $0xFFFFC000  }
0xa3: {  	_ =	swait.ge [sflag:s20], $0x4000  }
0xa4: {  	[sflag:s20] =	ssyncset.done $0x0  }
0xa5: {  	[sflag:s20] =	ssyncadd.s32 $0xFFFFC000  }
0xa6: {  	_ =	sfence.sel $0x180000  }
0xa7: {  	[bflag:$0x0] =	sbarrier.arrive $0xFFFF  }
0xa8: {  	_ =	strace $0x90000047  }
0xa9: {  	[bflag:$0x2] =	sbarrier.arrive $0xFFFF  }
0xaa: {  	p0 =	sne.s32 s1, $0x0;
	s0 =	rddreg [dreg:$0x2]  }
0xab: {  	s0 =	sadd.s32 @!p0 $0x100000, s0  }
0xac: {  	[sflag:s0] =	ssyncadd.tile.s32 @!p0 $0x1;
	_ =	shalt  }
.Lfunc_end2:
_tile_overlayer_lowered:
.L_overlay_start_2:
0xad: {  	(tag) =	ssettag $0x2  }
0xae: {  	s0 =	rddreg [dreg:$0x0];
	s2 =	stileid.u32  }
0xaf: {  	s1 =	rddreg [dreg:$0x1];
	p0 =	sne.s32 s2, $0x0  }
0xb0: {  	s3 =	rddreg [dreg:$0x2];
	[bflag:$0x3] =	sbarrier.arrive $0xFFFF;
	s2 =	simm.s32 @!p0 $0x1C05  }
0xb1: {  	[timem:s3], [sflag:s2] =	dma.local @!p0 [hbm:s0], s1  }
0xb2: {  	s0 =	simm.s32 @!p0 $0x5  }
0xb3: {  	_ =	swait.ge @!p0 [sflag:s0], s1  }
0xb4: {  	s1 =	ssub.s32 @!p0 $0x0, s1;
	[sflag:s0] =	ssyncset.done @!p0 $0x0  }
0xb5: {  	[sflag:s0] =	ssyncadd.s32 @!p0 s1  }
0xb6: {  	[bflag:$0x3] =	sbarrier.arrive $0xFFFF  }
0xb7: {  	_ =	shalt  }

</sc_bundles>
